<compile_context>
chip_gen: v7x
topology: tpu7x:2x2x1
jax: 0.10.2.dev20260603
libtpu: 0.0.44.dev20260713+nightly
codegen_flags: <defaults>
</compile_context>

<pallas_src>
import functools

import jax
import jax.numpy as jnp
from jax import lax
from jax.experimental import pallas as pl
from jax.experimental.pallas import tpu as pltpu
from jax.experimental.pallas import tpu_sc as plsc

B = 16384
NNUM = 13
NCAT = 26
VOCAB = 100000
EDIM = 16
L1 = 200
L2 = 50
NCLS = 2

_NC = 2
_NS = 16
_NW = _NC * _NS
_ROWS = B * NCAT
_RPW = _ROWS // _NW
_CHUNK = 3328
_NCHUNK = _RPW // _CHUNK


def _sc_gather(flat_table, gidx):
    mesh = plsc.VectorSubcoreMesh(
        core_axis_name="c", subcore_axis_name="s",
        num_cores=_NC, num_subcores=_NS)

    @functools.partial(
        pl.kernel,
        out_type=jax.ShapeDtypeStruct((_ROWS, EDIM), jnp.float32),
        mesh=mesh,
        scratch_types=[
            pltpu.VMEM((_RPW,), jnp.int32),
            pltpu.VMEM((_CHUNK, EDIM), jnp.float32),
            pltpu.SemaphoreType.DMA,
        ],
        compiler_params=pltpu.CompilerParams(use_tc_tiling_on_sc=False),
    )
    def gather_kernel(flat_hbm, idx_hbm, out_hbm, idx_v, rows_v, sem):
        wid = lax.axis_index("s") * _NC + lax.axis_index("c")
        base = wid * _RPW
        pltpu.sync_copy(idx_hbm.at[pl.ds(base, _RPW)], idx_v)

        def body(i, carry):
            off = i * _CHUNK
            pltpu.async_copy(
                flat_hbm.at[idx_v.at[pl.ds(off, _CHUNK)]], rows_v, sem
            ).wait()
            pltpu.sync_copy(rows_v, out_hbm.at[pl.ds(base + off, _CHUNK)])
            return carry

        lax.fori_loop(0, _NCHUNK, body, 0)

    return gather_kernel(flat_table, gidx)


_VPF = VOCAB + 96
_GPF = _VPF // 8
_WW = 512
_NU = VOCAB // _WW
_KPF = _NU + 2
_TASKS = NCAT * _KPF
_TPW = -(-_TASKS // _NW)
_NB = 4
_TPAD = -(-_TPW // _NB) * _NB


def _sc_format(tables3, tailpad):
    mesh = plsc.VectorSubcoreMesh(
        core_axis_name="c", subcore_axis_name="s",
        num_cores=_NC, num_subcores=_NS)

    @functools.partial(
        pl.kernel,
        out_type=jax.ShapeDtypeStruct((NCAT * _GPF, 128), jnp.float32),
        mesh=mesh,
        scratch_types=(
            [pltpu.VMEM((EDIM, _WW), jnp.float32)] * _NB
            + [pltpu.VMEM((_WW // 8, 128), jnp.float32)] * _NB
            + [pltpu.SemaphoreType.DMA] * (2 * _NB)
        ),
        compiler_params=pltpu.CompilerParams(use_tc_tiling_on_sc=True,
                                             needs_layout_passes=False),
    )
    def fmt_kernel(tab_hbm, tail_hbm, out_hbm, *bufs):
        inbs = bufs[:_NB]
        outbs = bufs[_NB:2 * _NB]
        sins = bufs[2 * _NB:3 * _NB]
        souts = bufs[3 * _NB:]
        wid = lax.axis_index("s") * _NC + lax.axis_index("c")
        lanes = lax.iota(jnp.int32, 16)

        def valid(j):
            return (j < _TPW) & (wid + _NW * j < _TASKS)

        def fu(j):
            t = wid + _NW * j
            return t // _KPF, t % _KPF

        def start_in(j, b):
            f, u = fu(j)

            @pl.when(valid(j) & (u < _NU))
            def _():
                pltpu.async_copy(tab_hbm.at[f, :, pl.ds(_WW * u, _WW)],
                                 inbs[b], sins[b])

            @pl.when(valid(j) & (u == _NU))
            def _():
                pltpu.async_copy(tab_hbm.at[f, :, pl.ds(_NU * _WW, 128)],
                                 inbs[b].at[:, pl.ds(0, 128)], sins[b])

            @pl.when(valid(j) & (u == _NU + 1))
            def _():
                pltpu.async_copy(tail_hbm.at[f],
                                 inbs[b].at[:, pl.ds(0, 128)], sins[b])

        def wait_in(j, b):
            _, u = fu(j)

            @pl.when(u < _NU)
            def _():
                pltpu.make_async_copy(tab_hbm.at[0, :, pl.ds(0, _WW)],
                                      inbs[b], sins[b]).wait()

            @pl.when(u >= _NU)
            def _():
                pltpu.make_async_copy(tab_hbm.at[0, :, pl.ds(0, 128)],
                                      inbs[b].at[:, pl.ds(0, 128)],
                                      sins[b]).wait()

        def start_out(j, b):
            f, u = fu(j)
            g0 = f * _GPF + jnp.where(u < _NU, (_WW // 8) * u,
                                      jnp.where(u == _NU, _GPF - 32,
                                                _GPF - 16))

            @pl.when(u < _NU)
            def _():
                pltpu.async_copy(outbs[b], out_hbm.at[pl.ds(g0, _WW // 8)],
                                 souts[b])

            @pl.when(u >= _NU)
            def _():
                pltpu.async_copy(outbs[b].at[pl.ds(0, 16)],
                                 out_hbm.at[pl.ds(g0, 16)], souts[b])

        def wait_out(j, b):
            @pl.when(valid(j))
            def _():
                _, u = fu(j)

                @pl.when(u < _NU)
                def _():
                    pltpu.make_async_copy(
                        tab_hbm.at[0, :, pl.ds(0, _WW)], outbs[b],
                        souts[b]).wait()

                @pl.when(u >= _NU)
                def _():
                    pltpu.make_async_copy(
                        tab_hbm.at[0, :, pl.ds(0, 128)],
                        outbs[b].at[pl.ds(0, 16)], souts[b]).wait()

        for b in range(_NB - 1):
            start_in(b, b)

        def body(i2, carry):
            for b in range(_NB):
                j = _NB * i2 + b
                start_in(j + _NB - 1, (b + _NB - 1) % _NB)

                @pl.when(valid(j))
                def _(b=b, j=j):
                    wait_in(j, b)
                    @pl.when(j >= _NB)
                    def _():
                        wait_out(j - _NB, b)

                    @functools.partial(plsc.parallel_loop, 0, _WW // 8,
                                       unroll=8)
                    def col8(q):
                        base = q * 8
                        rows = jnp.full((16,), q, jnp.int32)
                        for r in range(8):
                            row = plsc.load_gather(
                                inbs[b],
                                [lanes, jnp.full((16,), base, jnp.int32) + r])
                            plsc.store_scatter(
                                outbs[b],
                                [rows, jnp.full((16,), 16 * r, jnp.int32)
                                 + lanes], row)
                    start_out(j, b)
            return carry

        lax.fori_loop(0, _TPAD // _NB, body, 0)
        for b in range(_NB):
            wait_out(_TPAD - _NB + b, b)

    return fmt_kernel(tables3, tailpad)


_BLK = 2048


def _mlp_body(nums_ref, emb_ref, w1n_ref, w1e_ref, b1_ref, w2_ref, b2_ref,
              wp_ref, bp_ref, out_ref):
    x = jnp.dot(nums_ref[...], w1n_ref[...], preferred_element_type=jnp.float32)
    x = x + jnp.dot(emb_ref[...], w1e_ref[...],
                    preferred_element_type=jnp.float32)
    h = jnp.maximum(x + b1_ref[...], 0.0)
    h = jnp.maximum(
        jnp.dot(h, w2_ref[...], preferred_element_type=jnp.float32)
        + b2_ref[...], 0.0)
    logits = (jnp.dot(h, wp_ref[...], preferred_element_type=jnp.float32)
              + bp_ref[...])
    m = jnp.max(logits, axis=-1, keepdims=True)
    e = jnp.exp(logits - m)
    out_ref[...] = e / jnp.sum(e, axis=-1, keepdims=True)


def _tc_mlp(nums, emb, w1n, w1e, b1, w2, b2, wp, bp, interpret=False):
    fixed = lambda i: (0, 0)
    return pl.pallas_call(
        _mlp_body,
        grid=(B // _BLK,),
        in_specs=[
            pl.BlockSpec((_BLK, NNUM), lambda i: (i, 0)),
            pl.BlockSpec((_BLK, NCAT * EDIM), lambda i: (i, 0)),
            pl.BlockSpec((NNUM, L1), fixed),
            pl.BlockSpec((NCAT * EDIM, L1), fixed),
            pl.BlockSpec((1, L1), fixed),
            pl.BlockSpec((L1, L2), fixed),
            pl.BlockSpec((1, L2), fixed),
            pl.BlockSpec((L2, NCLS), fixed),
            pl.BlockSpec((1, NCLS), fixed),
        ],
        out_specs=pl.BlockSpec((_BLK, NCLS), lambda i: (i, 0)),
        out_shape=jax.ShapeDtypeStruct((B, NCLS), jnp.float32),
        interpret=interpret,
    )(nums, emb, w1n, w1e, b1, w2, b2, wp, bp)


def kernel(nums, cats, tables, W1, b1, W2, b2, Wp, bp):
    grouped3 = jnp.transpose(tables, (0, 2, 1))
    tailpad = jnp.pad(jnp.transpose(tables[:, VOCAB - 32:, :], (0, 2, 1)),
                      ((0, 0), (0, 0), (0, 96)))
    flat_table = _sc_format(grouped3, tailpad).reshape(NCAT * _VPF, EDIM)
    offsets = (jnp.arange(NCAT, dtype=jnp.int32) * _VPF)[None, :]
    gidx = (cats + offsets).reshape(-1)
    emb = _sc_gather(flat_table, gidx).reshape(B, NCAT * EDIM)
    return _tc_mlp(nums, emb, W1[:NNUM], W1[NNUM:], b1.reshape(1, L1),
                   W2, b2.reshape(1, L2), Wp, bp.reshape(1, NCLS))

# --- scband reference (transcript-rebuilt; emitter-appended) ---
"""Pipeline reference for scband-cat-net-classifier-51333449121982 (READ-ONLY COPY).

The authoritative reference and input builder live on the scoring server;
editing this copy changes nothing except your own understanding.
"""

import jax, jax.numpy as jnp
import numpy as np

B = 16384
NNUM = 13
NCAT = 26
VOCAB = 100000
EDIM = 16
L1 = 200
L2 = 50
NCLS = 2


def setup_inputs(seed: int = 0) -> dict:
    key = jax.random.key(seed)
    ks = jax.random.split(key, 9)
    # numerical inputs: the keras call concatenates 13 tensors of shape [B,1];
    # we pack them as a single [B, 13] array (identical after concat)
    nums = jax.random.normal(ks[0], (B, NNUM), dtype=jnp.float32)
    # categorical inputs: 26 tensors of shape [B,1] squeezed to [B]; packed as [B, 26]
    cats = jax.random.randint(ks[1], (B, NCAT), 0, VOCAB, dtype=jnp.int32)
    # learned parameters
    tables = jax.random.normal(ks[2], (NCAT, VOCAB, EDIM), dtype=jnp.float32) * 0.05
    din = NNUM + NCAT * EDIM
    W1 = jax.random.normal(ks[3], (din, L1), dtype=jnp.float32) * (1.0 / np.sqrt(din))
    b1 = jnp.zeros((L1,), jnp.float32)
    W2 = jax.random.normal(ks[4], (L1, L2), dtype=jnp.float32) * (1.0 / np.sqrt(L1))
    b2 = jnp.zeros((L2,), jnp.float32)
    Wp = jax.random.normal(ks[5], (L2, NCLS), dtype=jnp.float32) * (1.0 / np.sqrt(L2))
    bp = jnp.zeros((NCLS,), jnp.float32)
    return {"nums": nums, "cats": cats, "tables": tables,
            "W1": W1, "b1": b1, "W2": W2, "b2": b2, "Wp": Wp, "bp": bp}


def reference(nums, cats, tables, W1, b1, W2, b2, Wp, bp):
    # per-field embedding lookup (gather): tables[f][cats[:, f]] -> [B, NCAT, EDIM]
    emb = jax.vmap(lambda t, c: jnp.take(t, c, axis=0), in_axes=(0, 1), out_axes=1)(tables, cats)
    emb = emb.reshape(emb.shape[0], -1)  # [B, NCAT*EDIM]
    feat = jnp.concatenate([nums, emb], axis=1)  # Concatenate(numerical + embeddings)
    h = jax.nn.relu(feat @ W1 + b1)
    h = jax.nn.relu(h @ W2 + b2)
    logits = h @ Wp + bp
    return jax.nn.softmax(logits, axis=-1)

if __name__ == "__main__":
    import jax
    _d = setup_inputs()
    print(jax.jit(kernel)(*tuple(_d.values())))

</pallas_src>

<mosaic_0001>
#map = affine_map<(d0, d1) -> (0, 0)>
#map1 = affine_map<(d0, d1) -> (0)>
module attributes {stable_mosaic.version = 14 : i64} {
  func.func @gather_kernel(%arg0: i32, %arg1: i32, %arg2: memref<2602496x16xf32, #tpu.memory_space<hbm>>, %arg3: memref<425984xi32, #tpu.memory_space<hbm>>, %arg4: memref<425984x16xf32, #tpu.memory_space<hbm>>, %arg5: memref<13312xi32, #tpu.memory_space<vmem>>, %arg6: memref<3328x16xf32, #tpu.memory_space<vmem>>, %arg7: memref<!tpu.dma_semaphore, #tpu.memory_space<semaphore_mem>>) attributes {dimension_semantics = [#tpu.dimension_semantics<core_parallel>, #tpu.dimension_semantics<subcore_parallel>], iteration_bounds = array<i64: 2, 16>, scalar_prefetch = 0 : i64, scratch_operands = 3 : i64, tpu.core_type = #tpu.core_type<sc_vector_subcore>, window_params = [{transform_indices = #map}, {transform_indices = #map1}, {transform_indices = #map}]} {
    %mul3A = arith.constant 2 : i32
    %mul3A_0 = arith.muli %arg1, %mul3A : i32
    %add3A = arith.addi %mul3A_0, %arg0 : i32
    %mul3A_1 = arith.constant 13312 : i32
    %mul3A_2 = arith.muli %add3A, %mul3A_1 : i32
    "tpu.region"() ({
      %run_scoped3A = tpu.sem_alloc : memref<!tpu.dma_semaphore, #tpu.memory_space<semaphore_mem>>
      %dma_start3A = tpu.memref_slice %arg3[%mul3A_2] : memref<425984xi32, #tpu.memory_space<hbm>> -> memref<13312xi32, #tpu.memory_space<hbm>>
      %dma_start3A_8 = tpu.memref_slice %arg3[%mul3A_2] : memref<425984xi32, #tpu.memory_space<hbm>> -> memref<13312xi32, #tpu.memory_space<hbm>>
      tpu.enqueue_dma source(%dma_start3A_8 : memref<13312xi32, #tpu.memory_space<hbm>>) target(%arg5 : memref<13312xi32, #tpu.memory_space<vmem>>) target_semaphore(%run_scoped3A : memref<!tpu.dma_semaphore, #tpu.memory_space<semaphore_mem>>)
      %dma_wait3A = tpu.memref_slice %arg3[%mul3A_2] : memref<425984xi32, #tpu.memory_space<hbm>> -> memref<13312xi32, #tpu.memory_space<hbm>>
      %dma_wait3A_9 = tpu.memref_slice %arg3[%mul3A_2] : memref<425984xi32, #tpu.memory_space<hbm>> -> memref<13312xi32, #tpu.memory_space<hbm>>
      tpu.wait_dma2 semaphore(%run_scoped3A : memref<!tpu.dma_semaphore, #tpu.memory_space<semaphore_mem>>) src(%dma_wait3A_9 : memref<13312xi32, #tpu.memory_space<hbm>>) dst(%arg5 : memref<13312xi32, #tpu.memory_space<vmem>>)
      tpu.yield
    }) : () -> ()
    %scan3A = arith.constant 0 : i32
    %scan3A_3 = arith.constant 0 : i32
    %scan3A_4 = arith.constant 4 : i32
    %scan3A_5 = arith.addi %scan3A_3, %scan3A_4 : i32
    %scan3A_6 = arith.constant 1 : i32
    scf.for %scan3A_8 = %scan3A_3 to %scan3A_5 step %scan3A_6  : i32 {
      %mul3A_9 = arith.constant 3328 : i32
      %mul3A_10 = arith.muli %scan3A_8, %mul3A_9 : i32
      %dma_start3A = tpu.memref_slice %arg5[%mul3A_10] : memref<13312xi32, #tpu.memory_space<vmem>> -> memref<3328xi32, #tpu.memory_space<vmem>>
      %dma_start3A_11 = arith.constant 0 : i32
      %dma_start3A_12 = arith.constant 0 : i32
      %dma_start3A_13 = tpu.memref_slice %arg2[%dma_start3A_11, %dma_start3A_12] : memref<2602496x16xf32, #tpu.memory_space<hbm>> -> memref<2602496x16xf32, #tpu.memory_space<hbm>>
      tpu.enqueue_indirect_dma source(%dma_start3A_13 : memref<2602496x16xf32, #tpu.memory_space<hbm>>) target(%arg6 : memref<3328x16xf32, #tpu.memory_space<vmem>>) offsets(%dma_start3A : memref<3328xi32, #tpu.memory_space<vmem>>) semaphore(%arg7 : memref<!tpu.dma_semaphore, #tpu.memory_space<semaphore_mem>>)
      %dma_wait3A = tpu.memref_slice %arg5[%mul3A_10] : memref<13312xi32, #tpu.memory_space<vmem>> -> memref<3328xi32, #tpu.memory_space<vmem>>
      %dma_wait3A_14 = arith.constant 0 : i32
      %dma_wait3A_15 = arith.constant 0 : i32
      %dma_wait3A_16 = tpu.memref_slice %arg2[%dma_wait3A_14, %dma_wait3A_15] : memref<2602496x16xf32, #tpu.memory_space<hbm>> -> memref<2602496x16xf32, #tpu.memory_space<hbm>>
      tpu.wait_indirect_dma semaphore(%arg7 : memref<!tpu.dma_semaphore, #tpu.memory_space<semaphore_mem>>) src(%dma_wait3A_16 : memref<2602496x16xf32, #tpu.memory_space<hbm>>) dst(%arg6 : memref<3328x16xf32, #tpu.memory_space<vmem>>)
      %add3A_17 = arith.addi %mul3A_2, %mul3A_10 : i32
      "tpu.region"() ({
        %run_scoped3A = tpu.sem_alloc : memref<!tpu.dma_semaphore, #tpu.memory_space<semaphore_mem>>
        %dma_start3A_18 = arith.constant 0 : i32
        %dma_start3A_19 = tpu.memref_slice %arg4[%add3A_17, %dma_start3A_18] : memref<425984x16xf32, #tpu.memory_space<hbm>> -> memref<3328x16xf32, #tpu.memory_space<hbm>>
        %dma_start3A_20 = arith.constant 0 : i32
        %dma_start3A_21 = tpu.memref_slice %arg4[%add3A_17, %dma_start3A_20] : memref<425984x16xf32, #tpu.memory_space<hbm>> -> memref<3328x16xf32, #tpu.memory_space<hbm>>
        tpu.enqueue_dma source(%arg6 : memref<3328x16xf32, #tpu.memory_space<vmem>>) target(%dma_start3A_21 : memref<3328x16xf32, #tpu.memory_space<hbm>>) target_semaphore(%run_scoped3A : memref<!tpu.dma_semaphore, #tpu.memory_space<semaphore_mem>>)
        %dma_wait3A_22 = arith.constant 0 : i32
        %dma_wait3A_23 = tpu.memref_slice %arg4[%add3A_17, %dma_wait3A_22] : memref<425984x16xf32, #tpu.memory_space<hbm>> -> memref<3328x16xf32, #tpu.memory_space<hbm>>
        %dma_wait3A_24 = arith.constant 0 : i32
        %dma_wait3A_25 = tpu.memref_slice %arg4[%add3A_17, %dma_wait3A_24] : memref<425984x16xf32, #tpu.memory_space<hbm>> -> memref<3328x16xf32, #tpu.memory_space<hbm>>
        tpu.wait_dma2 semaphore(%run_scoped3A : memref<!tpu.dma_semaphore, #tpu.memory_space<semaphore_mem>>) src(%arg6 : memref<3328x16xf32, #tpu.memory_space<vmem>>) dst(%dma_wait3A_25 : memref<3328x16xf32, #tpu.memory_space<hbm>>)
        tpu.yield
      }) : () -> ()
    }
    %scan3A_7 = arith.constant 4 : i32
    return
  }
}

#map = affine_map<(d0, d1) -> (0, 0, 0)>
#map1 = affine_map<(d0, d1) -> (0, 0)>
module attributes {stable_mosaic.version = 14 : i64} {
  func.func @fmt_kernel(%arg0: i32, %arg1: i32, %arg2: memref<26x16x100000xf32, #tpu.memory_space<hbm>>, %arg3: memref<26x16x128xf32, #tpu.memory_space<hbm>>, %arg4: memref<325312x128xf32, #tpu.memory_space<hbm>>, %arg5: memref<16x512xf32, #tpu.memory_space<vmem>>, %arg6: memref<16x512xf32, #tpu.memory_space<vmem>>, %arg7: memref<16x512xf32, #tpu.memory_space<vmem>>, %arg8: memref<16x512xf32, #tpu.memory_space<vmem>>, %arg9: memref<64x128xf32, #tpu.memory_space<vmem>>, %arg10: memref<64x128xf32, #tpu.memory_space<vmem>>, %arg11: memref<64x128xf32, #tpu.memory_space<vmem>>, %arg12: memref<64x128xf32, #tpu.memory_space<vmem>>, %arg13: memref<!tpu.dma_semaphore, #tpu.memory_space<semaphore_mem>>, %arg14: memref<!tpu.dma_semaphore, #tpu.memory_space<semaphore_mem>>, %arg15: memref<!tpu.dma_semaphore, #tpu.memory_space<semaphore_mem>>, %arg16: memref<!tpu.dma_semaphore, #tpu.memory_space<semaphore_mem>>, %arg17: memref<!tpu.dma_semaphore, #tpu.memory_space<semaphore_mem>>, %arg18: memref<!tpu.dma_semaphore, #tpu.memory_space<semaphore_mem>>, %arg19: memref<!tpu.dma_semaphore, #tpu.memory_space<semaphore_mem>>, %arg20: memref<!tpu.dma_semaphore, #tpu.memory_space<semaphore_mem>>) attributes {dimension_semantics = [#tpu.dimension_semantics<core_parallel>, #tpu.dimension_semantics<subcore_parallel>], iteration_bounds = array<i64: 2, 16>, scalar_prefetch = 0 : i64, scratch_operands = 16 : i64, tpu.core_type = #tpu.core_type<sc_vector_subcore>, window_params = [{transform_indices = #map}, {transform_indices = #map}, {transform_indices = #map1}]} {
    %mul3A = arith.constant 2 : i32
    %mul3A_0 = arith.muli %arg1, %mul3A : i32
    %add3A = arith.addi %mul3A_0, %arg0 : i32
    %iota3A = tpu.iota {dimensions = array<i32: 0>} : vector<16xi32>
    %add3A_1 = arith.constant 0 : i32
    %add3A_2 = arith.addi %add3A, %add3A_1 : i32
    %jit3A = arith.constant 197 : i32
    %div3A = arith.divsi %add3A_2, %jit3A : i32
    %sign3A = arith.constant 0 : i32
    %sign3A_3 = arith.cmpi sgt, %add3A_2, %sign3A : i32
    %sign3A_4 = arith.extui %sign3A_3 : i1 to i32
    %sign3A_5 = arith.constant 0 : i32
    %sign3A_6 = arith.cmpi slt, %add3A_2, %sign3A_5 : i32
    %sign3A_7 = arith.extui %sign3A_6 : i1 to i32
    %sign3A_8 = arith.subi %sign3A_4, %sign3A_7 : i32
    %sign3A_9 = arith.constant 0 : i32
    %sign3A_10 = arith.cmpi sgt, %jit3A, %sign3A_9 : i32
    %sign3A_11 = arith.extui %sign3A_10 : i1 to i32
    %sign3A_12 = arith.constant 0 : i32
    %sign3A_13 = arith.cmpi slt, %jit3A, %sign3A_12 : i32
    %sign3A_14 = arith.extui %sign3A_13 : i1 to i32
    %sign3A_15 = arith.subi %sign3A_11, %sign3A_14 : i32
    %ne3A = arith.cmpi ne, %sign3A_8, %sign3A_15 : i32
    %rem3A = arith.remsi %add3A_2, %jit3A : i32
    %ne3A_16 = arith.constant 0 : i32
    %ne3A_17 = arith.cmpi ne, %rem3A, %ne3A_16 : i32
    %and3A = arith.andi %ne3A, %ne3A_17 : i1
    %sub3A = arith.constant 1 : i32
    %sub3A_18 = arith.subi %div3A, %sub3A : i32
    %select_n3A = arith.select %and3A, %sub3A_18, %div3A : i32
    %jit3A_19 = arith.constant 197 : i32
    %eq3A = arith.constant 0 : i32
    %eq3A_20 = arith.cmpi eq, %jit3A_19, %eq3A : i32
    %jit3A_21 = arith.constant 1 : i32
    %select_n3A_22 = arith.select %eq3A_20, %jit3A_21, %jit3A_19 : i32
    %rem3A_23 = arith.remsi %add3A_2, %select_n3A_22 : i32
    %ne3A_24 = arith.constant 0 : i32
    %ne3A_25 = arith.cmpi ne, %rem3A_23, %ne3A_24 : i32
    %lt3A = arith.constant 0 : i32
    %lt3A_26 = arith.cmpi slt, %rem3A_23, %lt3A : i32
    %lt3A_27 = arith.constant 0 : i32
    %lt3A_28 = arith.cmpi slt, %select_n3A_22, %lt3A_27 : i32
    %ne3A_29 = arith.xori %lt3A_26, %lt3A_28 : i1
    %and3A_30 = arith.andi %ne3A_29, %ne3A_25 : i1
    %add3A_31 = arith.addi %rem3A_23, %select_n3A_22 : i32
    %select_n3A_32 = arith.select %and3A_30, %add3A_31, %rem3A_23 : i32
    %add3A_33 = arith.constant 0 : i32
    %add3A_34 = arith.addi %add3A, %add3A_33 : i32
    %lt3A_35 = arith.constant 5122 : i32
    %lt3A_36 = arith.cmpi slt, %add3A_34, %lt3A_35 : i32
    %and3A_37 = arith.constant true
    %and3A_38 = arith.andi %and3A_37, %lt3A_36 : i1
    %lt3A_39 = arith.constant 195 : i32
    %lt3A_40 = arith.cmpi slt, %select_n3A_32, %lt3A_39 : i32
    %and3A_41 = arith.andi %and3A_38, %lt3A_40 : i1
    %convert_element_type3A = arith.extui %and3A_41 : i1 to i32
    %cond3A = arith.constant 0 : i32
    %cond3A_42 = arith.cmpi ne, %convert_element_type3A, %cond3A : i32
    scf.if %cond3A_42 {
      %mul3A_264 = arith.constant 512 : i32
      %mul3A_265 = arith.muli %mul3A_264, %select_n3A_32 : i32
      %dma_start3A = arith.constant 0 : i32
      %dma_start3A_266 = tpu.memref_slice %arg2[%select_n3A, %dma_start3A, %mul3A_265] : memref<26x16x100000xf32, #tpu.memory_space<hbm>> -> memref<1x16x512xf32, #tpu.memory_space<hbm>>
      %dma_start3A_267 = tpu.memref_squeeze %dma_start3A_266 : memref<1x16x512xf32, #tpu.memory_space<hbm>> -> memref<16x512xf32, #tpu.memory_space<hbm>>
      %dma_start3A_268 = arith.constant 0 : i32
      %dma_start3A_269 = tpu.memref_slice %arg2[%select_n3A, %dma_start3A_268, %mul3A_265] : memref<26x16x100000xf32, #tpu.memory_space<hbm>> -> memref<1x16x512xf32, #tpu.memory_space<hbm>>
      %dma_start3A_270 = tpu.memref_squeeze %dma_start3A_269 : memref<1x16x512xf32, #tpu.memory_space<hbm>> -> memref<16x512xf32, #tpu.memory_space<hbm>>
      tpu.enqueue_dma source(%dma_start3A_270 : memref<16x512xf32, #tpu.memory_space<hbm>>) target(%arg5 : memref<16x512xf32, #tpu.memory_space<vmem>>) target_semaphore(%arg13 : memref<!tpu.dma_semaphore, #tpu.memory_space<semaphore_mem>>)
    } else {
    }
    %add3A_43 = arith.constant 0 : i32
    %add3A_44 = arith.addi %add3A, %add3A_43 : i32
    %lt3A_45 = arith.constant 5122 : i32
    %lt3A_46 = arith.cmpi slt, %add3A_44, %lt3A_45 : i32
    %and3A_47 = arith.constant true
    %and3A_48 = arith.andi %and3A_47, %lt3A_46 : i1
    %eq3A_49 = arith.constant 195 : i32
    %eq3A_50 = arith.cmpi eq, %select_n3A_32, %eq3A_49 : i32
    %and3A_51 = arith.andi %and3A_48, %eq3A_50 : i1
    %convert_element_type3A_52 = arith.extui %and3A_51 : i1 to i32
    %cond3A_53 = arith.constant 0 : i32
    %cond3A_54 = arith.cmpi ne, %convert_element_type3A_52, %cond3A_53 : i32
    scf.if %cond3A_54 {
      %dma_start3A = arith.constant 0 : i32
      %dma_start3A_264 = arith.constant 0 : i32
      %dma_start3A_265 = tpu.memref_slice %arg5[%dma_start3A, %dma_start3A_264] : memref<16x512xf32, #tpu.memory_space<vmem>> -> memref<16x128xf32, #tpu.memory_space<vmem>>
      %dma_start3A_266 = arith.constant 0 : i32
      %dma_start3A_267 = arith.constant 99840 : i32
      %dma_start3A_268 = tpu.memref_slice %arg2[%select_n3A, %dma_start3A_266, %dma_start3A_267] : memref<26x16x100000xf32, #tpu.memory_space<hbm>> -> memref<1x16x128xf32, #tpu.memory_space<hbm>>
      %dma_start3A_269 = tpu.memref_squeeze %dma_start3A_268 : memref<1x16x128xf32, #tpu.memory_space<hbm>> -> memref<16x128xf32, #tpu.memory_space<hbm>>
      %dma_start3A_270 = arith.constant 0 : i32
      %dma_start3A_271 = arith.constant 0 : i32
      %dma_start3A_272 = tpu.memref_slice %arg5[%dma_start3A_270, %dma_start3A_271] : memref<16x512xf32, #tpu.memory_space<vmem>> -> memref<16x128xf32, #tpu.memory_space<vmem>>
      %dma_start3A_273 = arith.constant 0 : i32
      %dma_start3A_274 = arith.constant 99840 : i32
      %dma_start3A_275 = tpu.memref_slice %arg2[%select_n3A, %dma_start3A_273, %dma_start3A_274] : memref<26x16x100000xf32, #tpu.memory_space<hbm>> -> memref<1x16x128xf32, #tpu.memory_space<hbm>>
      %dma_start3A_276 = tpu.memref_squeeze %dma_start3A_275 : memref<1x16x128xf32, #tpu.memory_space<hbm>> -> memref<16x128xf32, #tpu.memory_space<hbm>>
      tpu.enqueue_dma source(%dma_start3A_276 : memref<16x128xf32, #tpu.memory_space<hbm>>) target(%dma_start3A_272 : memref<16x128xf32, #tpu.memory_space<vmem>>) target_semaphore(%arg13 : memref<!tpu.dma_semaphore, #tpu.memory_space<semaphore_mem>>)
    } else {
    }
    %add3A_55 = arith.constant 0 : i32
    %add3A_56 = arith.addi %add3A, %add3A_55 : i32
    %lt3A_57 = arith.constant 5122 : i32
    %lt3A_58 = arith.cmpi slt, %add3A_56, %lt3A_57 : i32
    %and3A_59 = arith.constant true
    %and3A_60 = arith.andi %and3A_59, %lt3A_58 : i1
    %eq3A_61 = arith.constant 196 : i32
    %eq3A_62 = arith.cmpi eq, %select_n3A_32, %eq3A_61 : i32
    %and3A_63 = arith.andi %and3A_60, %eq3A_62 : i1
    %convert_element_type3A_64 = arith.extui %and3A_63 : i1 to i32
    %cond3A_65 = arith.constant 0 : i32
    %cond3A_66 = arith.cmpi ne, %convert_element_type3A_64, %cond3A_65 : i32
    scf.if %cond3A_66 {
      %dma_start3A = arith.constant 0 : i32
      %dma_start3A_264 = arith.constant 0 : i32
      %dma_start3A_265 = tpu.memref_slice %arg5[%dma_start3A, %dma_start3A_264] : memref<16x512xf32, #tpu.memory_space<vmem>> -> memref<16x128xf32, #tpu.memory_space<vmem>>
      %dma_start3A_266 = arith.constant 0 : i32
      %dma_start3A_267 = arith.constant 0 : i32
      %dma_start3A_268 = tpu.memref_slice %arg3[%select_n3A, %dma_start3A_266, %dma_start3A_267] : memref<26x16x128xf32, #tpu.memory_space<hbm>> -> memref<1x16x128xf32, #tpu.memory_space<hbm>>
      %dma_start3A_269 = tpu.memref_squeeze %dma_start3A_268 : memref<1x16x128xf32, #tpu.memory_space<hbm>> -> memref<16x128xf32, #tpu.memory_space<hbm>>
      %dma_start3A_270 = arith.constant 0 : i32
      %dma_start3A_271 = arith.constant 0 : i32
      %dma_start3A_272 = tpu.memref_slice %arg5[%dma_start3A_270, %dma_start3A_271] : memref<16x512xf32, #tpu.memory_space<vmem>> -> memref<16x128xf32, #tpu.memory_space<vmem>>
      %dma_start3A_273 = arith.constant 0 : i32
      %dma_start3A_274 = arith.constant 0 : i32
      %dma_start3A_275 = tpu.memref_slice %arg3[%select_n3A, %dma_start3A_273, %dma_start3A_274] : memref<26x16x128xf32, #tpu.memory_space<hbm>> -> memref<1x16x128xf32, #tpu.memory_space<hbm>>
      %dma_start3A_276 = tpu.memref_squeeze %dma_start3A_275 : memref<1x16x128xf32, #tpu.memory_space<hbm>> -> memref<16x128xf32, #tpu.memory_space<hbm>>
      tpu.enqueue_dma source(%dma_start3A_276 : memref<16x128xf32, #tpu.memory_space<hbm>>) target(%dma_start3A_272 : memref<16x128xf32, #tpu.memory_space<vmem>>) target_semaphore(%arg13 : memref<!tpu.dma_semaphore, #tpu.memory_space<semaphore_mem>>)
    } else {
    }
    %add3A_67 = arith.constant 32 : i32
    %add3A_68 = arith.addi %add3A, %add3A_67 : i32
    %jit3A_69 = arith.constant 197 : i32
    %div3A_70 = arith.divsi %add3A_68, %jit3A_69 : i32
    %sign3A_71 = arith.constant 0 : i32
    %sign3A_72 = arith.cmpi sgt, %add3A_68, %sign3A_71 : i32
    %sign3A_73 = arith.extui %sign3A_72 : i1 to i32
    %sign3A_74 = arith.constant 0 : i32
    %sign3A_75 = arith.cmpi slt, %add3A_68, %sign3A_74 : i32
    %sign3A_76 = arith.extui %sign3A_75 : i1 to i32
    %sign3A_77 = arith.subi %sign3A_73, %sign3A_76 : i32
    %sign3A_78 = arith.constant 0 : i32
    %sign3A_79 = arith.cmpi sgt, %jit3A_69, %sign3A_78 : i32
    %sign3A_80 = arith.extui %sign3A_79 : i1 to i32
    %sign3A_81 = arith.constant 0 : i32
    %sign3A_82 = arith.cmpi slt, %jit3A_69, %sign3A_81 : i32
    %sign3A_83 = arith.extui %sign3A_82 : i1 to i32
    %sign3A_84 = arith.subi %sign3A_80, %sign3A_83 : i32
    %ne3A_85 = arith.cmpi ne, %sign3A_77, %sign3A_84 : i32
    %rem3A_86 = arith.remsi %add3A_68, %jit3A_69 : i32
    %ne3A_87 = arith.constant 0 : i32
    %ne3A_88 = arith.cmpi ne, %rem3A_86, %ne3A_87 : i32
    %and3A_89 = arith.andi %ne3A_85, %ne3A_88 : i1
    %sub3A_90 = arith.constant 1 : i32
    %sub3A_91 = arith.subi %div3A_70, %sub3A_90 : i32
    %select_n3A_92 = arith.select %and3A_89, %sub3A_91, %div3A_70 : i32
    %jit3A_93 = arith.constant 197 : i32
    %eq3A_94 = arith.constant 0 : i32
    %eq3A_95 = arith.cmpi eq, %jit3A_93, %eq3A_94 : i32
    %jit3A_96 = arith.constant 1 : i32
    %select_n3A_97 = arith.select %eq3A_95, %jit3A_96, %jit3A_93 : i32
    %rem3A_98 = arith.remsi %add3A_68, %select_n3A_97 : i32
    %ne3A_99 = arith.constant 0 : i32
    %ne3A_100 = arith.cmpi ne, %rem3A_98, %ne3A_99 : i32
    %lt3A_101 = arith.constant 0 : i32
    %lt3A_102 = arith.cmpi slt, %rem3A_98, %lt3A_101 : i32
    %lt3A_103 = arith.constant 0 : i32
    %lt3A_104 = arith.cmpi slt, %select_n3A_97, %lt3A_103 : i32
    %ne3A_105 = arith.xori %lt3A_102, %lt3A_104 : i1
    %and3A_106 = arith.andi %ne3A_105, %ne3A_100 : i1
    %add3A_107 = arith.addi %rem3A_98, %select_n3A_97 : i32
    %select_n3A_108 = arith.select %and3A_106, %add3A_107, %rem3A_98 : i32
    %add3A_109 = arith.constant 32 : i32
    %add3A_110 = arith.addi %add3A, %add3A_109 : i32
    %lt3A_111 = arith.constant 5122 : i32
    %lt3A_112 = arith.cmpi slt, %add3A_110, %lt3A_111 : i32
    %and3A_113 = arith.constant true
    %and3A_114 = arith.andi %and3A_113, %lt3A_112 : i1
    %lt3A_115 = arith.constant 195 : i32
    %lt3A_116 = arith.cmpi slt, %select_n3A_108, %lt3A_115 : i32
    %and3A_117 = arith.andi %and3A_114, %lt3A_116 : i1
    %convert_element_type3A_118 = arith.extui %and3A_117 : i1 to i32
    %cond3A_119 = arith.constant 0 : i32
    %cond3A_120 = arith.cmpi ne, %convert_element_type3A_118, %cond3A_119 : i32
    scf.if %cond3A_120 {
      %mul3A_264 = arith.constant 512 : i32
      %mul3A_265 = arith.muli %mul3A_264, %select_n3A_108 : i32
      %dma_start3A = arith.constant 0 : i32
      %dma_start3A_266 = tpu.memref_slice %arg2[%select_n3A_92, %dma_start3A, %mul3A_265] : memref<26x16x100000xf32, #tpu.memory_space<hbm>> -> memref<1x16x512xf32, #tpu.memory_space<hbm>>
      %dma_start3A_267 = tpu.memref_squeeze %dma_start3A_266 : memref<1x16x512xf32, #tpu.memory_space<hbm>> -> memref<16x512xf32, #tpu.memory_space<hbm>>
      %dma_start3A_268 = arith.constant 0 : i32
      %dma_start3A_269 = tpu.memref_slice %arg2[%select_n3A_92, %dma_start3A_268, %mul3A_265] : memref<26x16x100000xf32, #tpu.memory_space<hbm>> -> memref<1x16x512xf32, #tpu.memory_space<hbm>>
      %dma_start3A_270 = tpu.memref_squeeze %dma_start3A_269 : memref<1x16x512xf32, #tpu.memory_space<hbm>> -> memref<16x512xf32, #tpu.memory_space<hbm>>
      tpu.enqueue_dma source(%dma_start3A_270 : memref<16x512xf32, #tpu.memory_space<hbm>>) target(%arg6 : memref<16x512xf32, #tpu.memory_space<vmem>>) target_semaphore(%arg14 : memref<!tpu.dma_semaphore, #tpu.memory_space<semaphore_mem>>)
    } else {
    }
    %add3A_121 = arith.constant 32 : i32
    %add3A_122 = arith.addi %add3A, %add3A_121 : i32
    %lt3A_123 = arith.constant 5122 : i32
    %lt3A_124 = arith.cmpi slt, %add3A_122, %lt3A_123 : i32
    %and3A_125 = arith.constant true
    %and3A_126 = arith.andi %and3A_125, %lt3A_124 : i1
    %eq3A_127 = arith.constant 195 : i32
    %eq3A_128 = arith.cmpi eq, %select_n3A_108, %eq3A_127 : i32
    %and3A_129 = arith.andi %and3A_126, %eq3A_128 : i1
    %convert_element_type3A_130 = arith.extui %and3A_129 : i1 to i32
    %cond3A_131 = arith.constant 0 : i32
    %cond3A_132 = arith.cmpi ne, %convert_element_type3A_130, %cond3A_131 : i32
    scf.if %cond3A_132 {
      %dma_start3A = arith.constant 0 : i32
      %dma_start3A_264 = arith.constant 0 : i32
      %dma_start3A_265 = tpu.memref_slice %arg6[%dma_start3A, %dma_start3A_264] : memref<16x512xf32, #tpu.memory_space<vmem>> -> memref<16x128xf32, #tpu.memory_space<vmem>>
      %dma_start3A_266 = arith.constant 0 : i32
      %dma_start3A_267 = arith.constant 99840 : i32
      %dma_start3A_268 = tpu.memref_slice %arg2[%select_n3A_92, %dma_start3A_266, %dma_start3A_267] : memref<26x16x100000xf32, #tpu.memory_space<hbm>> -> memref<1x16x128xf32, #tpu.memory_space<hbm>>
      %dma_start3A_269 = tpu.memref_squeeze %dma_start3A_268 : memref<1x16x128xf32, #tpu.memory_space<hbm>> -> memref<16x128xf32, #tpu.memory_space<hbm>>
      %dma_start3A_270 = arith.constant 0 : i32
      %dma_start3A_271 = arith.constant 0 : i32
      %dma_start3A_272 = tpu.memref_slice %arg6[%dma_start3A_270, %dma_start3A_271] : memref<16x512xf32, #tpu.memory_space<vmem>> -> memref<16x128xf32, #tpu.memory_space<vmem>>
      %dma_start3A_273 = arith.constant 0 : i32
      %dma_start3A_274 = arith.constant 99840 : i32
      %dma_start3A_275 = tpu.memref_slice %arg2[%select_n3A_92, %dma_start3A_273, %dma_start3A_274] : memref<26x16x100000xf32, #tpu.memory_space<hbm>> -> memref<1x16x128xf32, #tpu.memory_space<hbm>>
      %dma_start3A_276 = tpu.memref_squeeze %dma_start3A_275 : memref<1x16x128xf32, #tpu.memory_space<hbm>> -> memref<16x128xf32, #tpu.memory_space<hbm>>
      tpu.enqueue_dma source(%dma_start3A_276 : memref<16x128xf32, #tpu.memory_space<hbm>>) target(%dma_start3A_272 : memref<16x128xf32, #tpu.memory_space<vmem>>) target_semaphore(%arg14 : memref<!tpu.dma_semaphore, #tpu.memory_space<semaphore_mem>>)
    } else {
    }
    %add3A_133 = arith.constant 32 : i32
    %add3A_134 = arith.addi %add3A, %add3A_133 : i32
    %lt3A_135 = arith.constant 5122 : i32
    %lt3A_136 = arith.cmpi slt, %add3A_134, %lt3A_135 : i32
    %and3A_137 = arith.constant true
    %and3A_138 = arith.andi %and3A_137, %lt3A_136 : i1
    %eq3A_139 = arith.constant 196 : i32
    %eq3A_140 = arith.cmpi eq, %select_n3A_108, %eq3A_139 : i32
    %and3A_141 = arith.andi %and3A_138, %eq3A_140 : i1
    %convert_element_type3A_142 = arith.extui %and3A_141 : i1 to i32
    %cond3A_143 = arith.constant 0 : i32
    %cond3A_144 = arith.cmpi ne, %convert_element_type3A_142, %cond3A_143 : i32
    scf.if %cond3A_144 {
      %dma_start3A = arith.constant 0 : i32
      %dma_start3A_264 = arith.constant 0 : i32
      %dma_start3A_265 = tpu.memref_slice %arg6[%dma_start3A, %dma_start3A_264] : memref<16x512xf32, #tpu.memory_space<vmem>> -> memref<16x128xf32, #tpu.memory_space<vmem>>
      %dma_start3A_266 = arith.constant 0 : i32
      %dma_start3A_267 = arith.constant 0 : i32
      %dma_start3A_268 = tpu.memref_slice %arg3[%select_n3A_92, %dma_start3A_266, %dma_start3A_267] : memref<26x16x128xf32, #tpu.memory_space<hbm>> -> memref<1x16x128xf32, #tpu.memory_space<hbm>>
      %dma_start3A_269 = tpu.memref_squeeze %dma_start3A_268 : memref<1x16x128xf32, #tpu.memory_space<hbm>> -> memref<16x128xf32, #tpu.memory_space<hbm>>
      %dma_start3A_270 = arith.constant 0 : i32
      %dma_start3A_271 = arith.constant 0 : i32
      %dma_start3A_272 = tpu.memref_slice %arg6[%dma_start3A_270, %dma_start3A_271] : memref<16x512xf32, #tpu.memory_space<vmem>> -> memref<16x128xf32, #tpu.memory_space<vmem>>
      %dma_start3A_273 = arith.constant 0 : i32
      %dma_start3A_274 = arith.constant 0 : i32
      %dma_start3A_275 = tpu.memref_slice %arg3[%select_n3A_92, %dma_start3A_273, %dma_start3A_274] : memref<26x16x128xf32, #tpu.memory_space<hbm>> -> memref<1x16x128xf32, #tpu.memory_space<hbm>>
      %dma_start3A_276 = tpu.memref_squeeze %dma_start3A_275 : memref<1x16x128xf32, #tpu.memory_space<hbm>> -> memref<16x128xf32, #tpu.memory_space<hbm>>
      tpu.enqueue_dma source(%dma_start3A_276 : memref<16x128xf32, #tpu.memory_space<hbm>>) target(%dma_start3A_272 : memref<16x128xf32, #tpu.memory_space<vmem>>) target_semaphore(%arg14 : memref<!tpu.dma_semaphore, #tpu.memory_space<semaphore_mem>>)
    } else {
    }
    %add3A_145 = arith.constant 64 : i32
    %add3A_146 = arith.addi %add3A, %add3A_145 : i32
    %jit3A_147 = arith.constant 197 : i32
    %div3A_148 = arith.divsi %add3A_146, %jit3A_147 : i32
    %sign3A_149 = arith.constant 0 : i32
    %sign3A_150 = arith.cmpi sgt, %add3A_146, %sign3A_149 : i32
    %sign3A_151 = arith.extui %sign3A_150 : i1 to i32
    %sign3A_152 = arith.constant 0 : i32
    %sign3A_153 = arith.cmpi slt, %add3A_146, %sign3A_152 : i32
    %sign3A_154 = arith.extui %sign3A_153 : i1 to i32
    %sign3A_155 = arith.subi %sign3A_151, %sign3A_154 : i32
    %sign3A_156 = arith.constant 0 : i32
    %sign3A_157 = arith.cmpi sgt, %jit3A_147, %sign3A_156 : i32
    %sign3A_158 = arith.extui %sign3A_157 : i1 to i32
    %sign3A_159 = arith.constant 0 : i32
    %sign3A_160 = arith.cmpi slt, %jit3A_147, %sign3A_159 : i32
    %sign3A_161 = arith.extui %sign3A_160 : i1 to i32
    %sign3A_162 = arith.subi %sign3A_158, %sign3A_161 : i32
    %ne3A_163 = arith.cmpi ne, %sign3A_155, %sign3A_162 : i32
    %rem3A_164 = arith.remsi %add3A_146, %jit3A_147 : i32
    %ne3A_165 = arith.constant 0 : i32
    %ne3A_166 = arith.cmpi ne, %rem3A_164, %ne3A_165 : i32
    %and3A_167 = arith.andi %ne3A_163, %ne3A_166 : i1
    %sub3A_168 = arith.constant 1 : i32
    %sub3A_169 = arith.subi %div3A_148, %sub3A_168 : i32
    %select_n3A_170 = arith.select %and3A_167, %sub3A_169, %div3A_148 : i32
    %jit3A_171 = arith.constant 197 : i32
    %eq3A_172 = arith.constant 0 : i32
    %eq3A_173 = arith.cmpi eq, %jit3A_171, %eq3A_172 : i32
    %jit3A_174 = arith.constant 1 : i32
    %select_n3A_175 = arith.select %eq3A_173, %jit3A_174, %jit3A_171 : i32
    %rem3A_176 = arith.remsi %add3A_146, %select_n3A_175 : i32
    %ne3A_177 = arith.constant 0 : i32
    %ne3A_178 = arith.cmpi ne, %rem3A_176, %ne3A_177 : i32
    %lt3A_179 = arith.constant 0 : i32
    %lt3A_180 = arith.cmpi slt, %rem3A_176, %lt3A_179 : i32
    %lt3A_181 = arith.constant 0 : i32
    %lt3A_182 = arith.cmpi slt, %select_n3A_175, %lt3A_181 : i32
    %ne3A_183 = arith.xori %lt3A_180, %lt3A_182 : i1
    %and3A_184 = arith.andi %ne3A_183, %ne3A_178 : i1
    %add3A_185 = arith.addi %rem3A_176, %select_n3A_175 : i32
    %select_n3A_186 = arith.select %and3A_184, %add3A_185, %rem3A_176 : i32
    %add3A_187 = arith.constant 64 : i32
    %add3A_188 = arith.addi %add3A, %add3A_187 : i32
    %lt3A_189 = arith.constant 5122 : i32
    %lt3A_190 = arith.cmpi slt, %add3A_188, %lt3A_189 : i32
    %and3A_191 = arith.constant true
    %and3A_192 = arith.andi %and3A_191, %lt3A_190 : i1
    %lt3A_193 = arith.constant 195 : i32
    %lt3A_194 = arith.cmpi slt, %select_n3A_186, %lt3A_193 : i32
    %and3A_195 = arith.andi %and3A_192, %lt3A_194 : i1
    %convert_element_type3A_196 = arith.extui %and3A_195 : i1 to i32
    %cond3A_197 = arith.constant 0 : i32
    %cond3A_198 = arith.cmpi ne, %convert_element_type3A_196, %cond3A_197 : i32
    scf.if %cond3A_198 {
      %mul3A_264 = arith.constant 512 : i32
      %mul3A_265 = arith.muli %mul3A_264, %select_n3A_186 : i32
      %dma_start3A = arith.constant 0 : i32
      %dma_start3A_266 = tpu.memref_slice %arg2[%select_n3A_170, %dma_start3A, %mul3A_265] : memref<26x16x100000xf32, #tpu.memory_space<hbm>> -> memref<1x16x512xf32, #tpu.memory_space<hbm>>
      %dma_start3A_267 = tpu.memref_squeeze %dma_start3A_266 : memref<1x16x512xf32, #tpu.memory_space<hbm>> -> memref<16x512xf32, #tpu.memory_space<hbm>>
      %dma_start3A_268 = arith.constant 0 : i32
      %dma_start3A_269 = tpu.memref_slice %arg2[%select_n3A_170, %dma_start3A_268, %mul3A_265] : memref<26x16x100000xf32, #tpu.memory_space<hbm>> -> memref<1x16x512xf32, #tpu.memory_space<hbm>>
      %dma_start3A_270 = tpu.memref_squeeze %dma_start3A_269 : memref<1x16x512xf32, #tpu.memory_space<hbm>> -> memref<16x512xf32, #tpu.memory_space<hbm>>
      tpu.enqueue_dma source(%dma_start3A_270 : memref<16x512xf32, #tpu.memory_space<hbm>>) target(%arg7 : memref<16x512xf32, #tpu.memory_space<vmem>>) target_semaphore(%arg15 : memref<!tpu.dma_semaphore, #tpu.memory_space<semaphore_mem>>)
    } else {
    }
    %add3A_199 = arith.constant 64 : i32
    %add3A_200 = arith.addi %add3A, %add3A_199 : i32
    %lt3A_201 = arith.constant 5122 : i32
    %lt3A_202 = arith.cmpi slt, %add3A_200, %lt3A_201 : i32
    %and3A_203 = arith.constant true
    %and3A_204 = arith.andi %and3A_203, %lt3A_202 : i1
    %eq3A_205 = arith.constant 195 : i32
    %eq3A_206 = arith.cmpi eq, %select_n3A_186, %eq3A_205 : i32
    %and3A_207 = arith.andi %and3A_204, %eq3A_206 : i1
    %convert_element_type3A_208 = arith.extui %and3A_207 : i1 to i32
    %cond3A_209 = arith.constant 0 : i32
    %cond3A_210 = arith.cmpi ne, %convert_element_type3A_208, %cond3A_209 : i32
    scf.if %cond3A_210 {
      %dma_start3A = arith.constant 0 : i32
      %dma_start3A_264 = arith.constant 0 : i32
      %dma_start3A_265 = tpu.memref_slice %arg7[%dma_start3A, %dma_start3A_264] : memref<16x512xf32, #tpu.memory_space<vmem>> -> memref<16x128xf32, #tpu.memory_space<vmem>>
      %dma_start3A_266 = arith.constant 0 : i32
      %dma_start3A_267 = arith.constant 99840 : i32
      %dma_start3A_268 = tpu.memref_slice %arg2[%select_n3A_170, %dma_start3A_266, %dma_start3A_267] : memref<26x16x100000xf32, #tpu.memory_space<hbm>> -> memref<1x16x128xf32, #tpu.memory_space<hbm>>
      %dma_start3A_269 = tpu.memref_squeeze %dma_start3A_268 : memref<1x16x128xf32, #tpu.memory_space<hbm>> -> memref<16x128xf32, #tpu.memory_space<hbm>>
      %dma_start3A_270 = arith.constant 0 : i32
      %dma_start3A_271 = arith.constant 0 : i32
      %dma_start3A_272 = tpu.memref_slice %arg7[%dma_start3A_270, %dma_start3A_271] : memref<16x512xf32, #tpu.memory_space<vmem>> -> memref<16x128xf32, #tpu.memory_space<vmem>>
      %dma_start3A_273 = arith.constant 0 : i32
      %dma_start3A_274 = arith.constant 99840 : i32
      %dma_start3A_275 = tpu.memref_slice %arg2[%select_n3A_170, %dma_start3A_273, %dma_start3A_274] : memref<26x16x100000xf32, #tpu.memory_space<hbm>> -> memref<1x16x128xf32, #tpu.memory_space<hbm>>
      %dma_start3A_276 = tpu.memref_squeeze %dma_start3A_275 : memref<1x16x128xf32, #tpu.memory_space<hbm>> -> memref<16x128xf32, #tpu.memory_space<hbm>>
      tpu.enqueue_dma source(%dma_start3A_276 : memref<16x128xf32, #tpu.memory_space<hbm>>) target(%dma_start3A_272 : memref<16x128xf32, #tpu.memory_space<vmem>>) target_semaphore(%arg15 : memref<!tpu.dma_semaphore, #tpu.memory_space<semaphore_mem>>)
    } else {
    }
    %add3A_211 = arith.constant 64 : i32
    %add3A_212 = arith.addi %add3A, %add3A_211 : i32
    %lt3A_213 = arith.constant 5122 : i32
    %lt3A_214 = arith.cmpi slt, %add3A_212, %lt3A_213 : i32
    %and3A_215 = arith.constant true
    %and3A_216 = arith.andi %and3A_215, %lt3A_214 : i1
    %eq3A_217 = arith.constant 196 : i32
    %eq3A_218 = arith.cmpi eq, %select_n3A_186, %eq3A_217 : i32
    %and3A_219 = arith.andi %and3A_216, %eq3A_218 : i1
    %convert_element_type3A_220 = arith.extui %and3A_219 : i1 to i32
    %cond3A_221 = arith.constant 0 : i32
    %cond3A_222 = arith.cmpi ne, %convert_element_type3A_220, %cond3A_221 : i32
    scf.if %cond3A_222 {
      %dma_start3A = arith.constant 0 : i32
      %dma_start3A_264 = arith.constant 0 : i32
      %dma_start3A_265 = tpu.memref_slice %arg7[%dma_start3A, %dma_start3A_264] : memref<16x512xf32, #tpu.memory_space<vmem>> -> memref<16x128xf32, #tpu.memory_space<vmem>>
      %dma_start3A_266 = arith.constant 0 : i32
      %dma_start3A_267 = arith.constant 0 : i32
      %dma_start3A_268 = tpu.memref_slice %arg3[%select_n3A_170, %dma_start3A_266, %dma_start3A_267] : memref<26x16x128xf32, #tpu.memory_space<hbm>> -> memref<1x16x128xf32, #tpu.memory_space<hbm>>
      %dma_start3A_269 = tpu.memref_squeeze %dma_start3A_268 : memref<1x16x128xf32, #tpu.memory_space<hbm>> -> memref<16x128xf32, #tpu.memory_space<hbm>>
      %dma_start3A_270 = arith.constant 0 : i32
      %dma_start3A_271 = arith.constant 0 : i32
      %dma_start3A_272 = tpu.memref_slice %arg7[%dma_start3A_270, %dma_start3A_271] : memref<16x512xf32, #tpu.memory_space<vmem>> -> memref<16x128xf32, #tpu.memory_space<vmem>>
      %dma_start3A_273 = arith.constant 0 : i32
      %dma_start3A_274 = arith.constant 0 : i32
      %dma_start3A_275 = tpu.memref_slice %arg3[%select_n3A_170, %dma_start3A_273, %dma_start3A_274] : memref<26x16x128xf32, #tpu.memory_space<hbm>> -> memref<1x16x128xf32, #tpu.memory_space<hbm>>
      %dma_start3A_276 = tpu.memref_squeeze %dma_start3A_275 : memref<1x16x128xf32, #tpu.memory_space<hbm>> -> memref<16x128xf32, #tpu.memory_space<hbm>>
      tpu.enqueue_dma source(%dma_start3A_276 : memref<16x128xf32, #tpu.memory_space<hbm>>) target(%dma_start3A_272 : memref<16x128xf32, #tpu.memory_space<vmem>>) target_semaphore(%arg15 : memref<!tpu.dma_semaphore, #tpu.memory_space<semaphore_mem>>)
    } else {
    }
    %scan3A = arith.constant 0 : i32
    %scan3A_223 = arith.constant 0 : i32
    %scan3A_224 = arith.constant 41 : i32
    %scan3A_225 = arith.addi %scan3A_223, %scan3A_224 : i32
    %scan3A_226 = arith.constant 1 : i32
    scf.for %scan3A_264 = %scan3A_223 to %scan3A_225 step %scan3A_226  : i32 {
      %mul3A_265 = arith.constant 4 : i32
      %mul3A_266 = arith.muli %mul3A_265, %scan3A_264 : i32
      %add3A_267 = arith.constant 0 : i32
      %add3A_268 = arith.addi %mul3A_266, %add3A_267 : i32
      %add3A_269 = arith.constant 4 : i32
      %add3A_270 = arith.addi %add3A_268, %add3A_269 : i32
      %sub3A_271 = arith.constant 1 : i32
      %sub3A_272 = arith.subi %add3A_270, %sub3A_271 : i32
      %mul3A_273 = arith.constant 32 : i32
      %mul3A_274 = arith.muli %mul3A_273, %sub3A_272 : i32
      %add3A_275 = arith.addi %add3A, %mul3A_274 : i32
      %jit3A_276 = arith.constant 197 : i32
      %div3A_277 = arith.divsi %add3A_275, %jit3A_276 : i32
      %sign3A_278 = arith.constant 0 : i32
      %sign3A_279 = arith.cmpi sgt, %add3A_275, %sign3A_278 : i32
      %sign3A_280 = arith.extui %sign3A_279 : i1 to i32
      %sign3A_281 = arith.constant 0 : i32
      %sign3A_282 = arith.cmpi slt, %add3A_275, %sign3A_281 : i32
      %sign3A_283 = arith.extui %sign3A_282 : i1 to i32
      %sign3A_284 = arith.subi %sign3A_280, %sign3A_283 : i32
      %sign3A_285 = arith.constant 0 : i32
      %sign3A_286 = arith.cmpi sgt, %jit3A_276, %sign3A_285 : i32
      %sign3A_287 = arith.extui %sign3A_286 : i1 to i32
      %sign3A_288 = arith.constant 0 : i32
      %sign3A_289 = arith.cmpi slt, %jit3A_276, %sign3A_288 : i32
      %sign3A_290 = arith.extui %sign3A_289 : i1 to i32
      %sign3A_291 = arith.subi %sign3A_287, %sign3A_290 : i32
      %ne3A_292 = arith.cmpi ne, %sign3A_284, %sign3A_291 : i32
      %rem3A_293 = arith.remsi %add3A_275, %jit3A_276 : i32
      %ne3A_294 = arith.constant 0 : i32
      %ne3A_295 = arith.cmpi ne, %rem3A_293, %ne3A_294 : i32
      %and3A_296 = arith.andi %ne3A_292, %ne3A_295 : i1
      %sub3A_297 = arith.constant 1 : i32
      %sub3A_298 = arith.subi %div3A_277, %sub3A_297 : i32
      %select_n3A_299 = arith.select %and3A_296, %sub3A_298, %div3A_277 : i32
      %jit3A_300 = arith.constant 197 : i32
      %eq3A_301 = arith.constant 0 : i32
      %eq3A_302 = arith.cmpi eq, %jit3A_300, %eq3A_301 : i32
      %jit3A_303 = arith.constant 1 : i32
      %select_n3A_304 = arith.select %eq3A_302, %jit3A_303, %jit3A_300 : i32
      %rem3A_305 = arith.remsi %add3A_275, %select_n3A_304 : i32
      %ne3A_306 = arith.constant 0 : i32
      %ne3A_307 = arith.cmpi ne, %rem3A_305, %ne3A_306 : i32
      %lt3A_308 = arith.constant 0 : i32
      %lt3A_309 = arith.cmpi slt, %rem3A_305, %lt3A_308 : i32
      %lt3A_310 = arith.constant 0 : i32
      %lt3A_311 = arith.cmpi slt, %select_n3A_304, %lt3A_310 : i32
      %ne3A_312 = arith.xori %lt3A_309, %lt3A_311 : i1
      %and3A_313 = arith.andi %ne3A_312, %ne3A_307 : i1
      %add3A_314 = arith.addi %rem3A_305, %select_n3A_304 : i32
      %select_n3A_315 = arith.select %and3A_313, %add3A_314, %rem3A_305 : i32
      %lt3A_316 = arith.constant 161 : i32
      %lt3A_317 = arith.cmpi slt, %sub3A_272, %lt3A_316 : i32
      %mul3A_318 = arith.constant 32 : i32
      %mul3A_319 = arith.muli %mul3A_318, %sub3A_272 : i32
      %add3A_320 = arith.addi %add3A, %mul3A_319 : i32
      %lt3A_321 = arith.constant 5122 : i32
      %lt3A_322 = arith.cmpi slt, %add3A_320, %lt3A_321 : i32
      %and3A_323 = arith.andi %lt3A_317, %lt3A_322 : i1
      %lt3A_324 = arith.constant 195 : i32
      %lt3A_325 = arith.cmpi slt, %select_n3A_315, %lt3A_324 : i32
      %and3A_326 = arith.andi %and3A_323, %lt3A_325 : i1
      %convert_element_type3A_327 = arith.extui %and3A_326 : i1 to i32
      %cond3A_328 = arith.constant 0 : i32
      %cond3A_329 = arith.cmpi ne, %convert_element_type3A_327, %cond3A_328 : i32
      scf.if %cond3A_329 {
        %mul3A_681 = arith.constant 512 : i32
        %mul3A_682 = arith.muli %mul3A_681, %select_n3A_315 : i32
        %dma_start3A = arith.constant 0 : i32
        %dma_start3A_683 = tpu.memref_slice %arg2[%select_n3A_299, %dma_start3A, %mul3A_682] : memref<26x16x100000xf32, #tpu.memory_space<hbm>> -> memref<1x16x512xf32, #tpu.memory_space<hbm>>
        %dma_start3A_684 = tpu.memref_squeeze %dma_start3A_683 : memref<1x16x512xf32, #tpu.memory_space<hbm>> -> memref<16x512xf32, #tpu.memory_space<hbm>>
        %dma_start3A_685 = arith.constant 0 : i32
        %dma_start3A_686 = tpu.memref_slice %arg2[%select_n3A_299, %dma_start3A_685, %mul3A_682] : memref<26x16x100000xf32, #tpu.memory_space<hbm>> -> memref<1x16x512xf32, #tpu.memory_space<hbm>>
        %dma_start3A_687 = tpu.memref_squeeze %dma_start3A_686 : memref<1x16x512xf32, #tpu.memory_space<hbm>> -> memref<16x512xf32, #tpu.memory_space<hbm>>
        tpu.enqueue_dma source(%dma_start3A_687 : memref<16x512xf32, #tpu.memory_space<hbm>>) target(%arg8 : memref<16x512xf32, #tpu.memory_space<vmem>>) target_semaphore(%arg16 : memref<!tpu.dma_semaphore, #tpu.memory_space<semaphore_mem>>)
      } else {
      }
      %lt3A_330 = arith.constant 161 : i32
      %lt3A_331 = arith.cmpi slt, %sub3A_272, %lt3A_330 : i32
      %mul3A_332 = arith.constant 32 : i32
      %mul3A_333 = arith.muli %mul3A_332, %sub3A_272 : i32
      %add3A_334 = arith.addi %add3A, %mul3A_333 : i32
      %lt3A_335 = arith.constant 5122 : i32
      %lt3A_336 = arith.cmpi slt, %add3A_334, %lt3A_335 : i32
      %and3A_337 = arith.andi %lt3A_331, %lt3A_336 : i1
      %eq3A_338 = arith.constant 195 : i32
      %eq3A_339 = arith.cmpi eq, %select_n3A_315, %eq3A_338 : i32
      %and3A_340 = arith.andi %and3A_337, %eq3A_339 : i1
      %convert_element_type3A_341 = arith.extui %and3A_340 : i1 to i32
      %cond3A_342 = arith.constant 0 : i32
      %cond3A_343 = arith.cmpi ne, %convert_element_type3A_341, %cond3A_342 : i32
      scf.if %cond3A_343 {
        %dma_start3A = arith.constant 0 : i32
        %dma_start3A_681 = arith.constant 0 : i32
        %dma_start3A_682 = tpu.memref_slice %arg8[%dma_start3A, %dma_start3A_681] : memref<16x512xf32, #tpu.memory_space<vmem>> -> memref<16x128xf32, #tpu.memory_space<vmem>>
        %dma_start3A_683 = arith.constant 0 : i32
        %dma_start3A_684 = arith.constant 99840 : i32
        %dma_start3A_685 = tpu.memref_slice %arg2[%select_n3A_299, %dma_start3A_683, %dma_start3A_684] : memref<26x16x100000xf32, #tpu.memory_space<hbm>> -> memref<1x16x128xf32, #tpu.memory_space<hbm>>
        %dma_start3A_686 = tpu.memref_squeeze %dma_start3A_685 : memref<1x16x128xf32, #tpu.memory_space<hbm>> -> memref<16x128xf32, #tpu.memory_space<hbm>>
        %dma_start3A_687 = arith.constant 0 : i32
        %dma_start3A_688 = arith.constant 0 : i32
        %dma_start3A_689 = tpu.memref_slice %arg8[%dma_start3A_687, %dma_start3A_688] : memref<16x512xf32, #tpu.memory_space<vmem>> -> memref<16x128xf32, #tpu.memory_space<vmem>>
        %dma_start3A_690 = arith.constant 0 : i32
        %dma_start3A_691 = arith.constant 99840 : i32
        %dma_start3A_692 = tpu.memref_slice %arg2[%select_n3A_299, %dma_start3A_690, %dma_start3A_691] : memref<26x16x100000xf32, #tpu.memory_space<hbm>> -> memref<1x16x128xf32, #tpu.memory_space<hbm>>
        %dma_start3A_693 = tpu.memref_squeeze %dma_start3A_692 : memref<1x16x128xf32, #tpu.memory_space<hbm>> -> memref<16x128xf32, #tpu.memory_space<hbm>>
        tpu.enqueue_dma source(%dma_start3A_693 : memref<16x128xf32, #tpu.memory_space<hbm>>) target(%dma_start3A_689 : memref<16x128xf32, #tpu.memory_space<vmem>>) target_semaphore(%arg16 : memref<!tpu.dma_semaphore, #tpu.memory_space<semaphore_mem>>)
      } else {
      }
      %lt3A_344 = arith.constant 161 : i32
      %lt3A_345 = arith.cmpi slt, %sub3A_272, %lt3A_344 : i32
      %mul3A_346 = arith.constant 32 : i32
      %mul3A_347 = arith.muli %mul3A_346, %sub3A_272 : i32
      %add3A_348 = arith.addi %add3A, %mul3A_347 : i32
      %lt3A_349 = arith.constant 5122 : i32
      %lt3A_350 = arith.cmpi slt, %add3A_348, %lt3A_349 : i32
      %and3A_351 = arith.andi %lt3A_345, %lt3A_350 : i1
      %eq3A_352 = arith.constant 196 : i32
      %eq3A_353 = arith.cmpi eq, %select_n3A_315, %eq3A_352 : i32
      %and3A_354 = arith.andi %and3A_351, %eq3A_353 : i1
      %convert_element_type3A_355 = arith.extui %and3A_354 : i1 to i32
      %cond3A_356 = arith.constant 0 : i32
      %cond3A_357 = arith.cmpi ne, %convert_element_type3A_355, %cond3A_356 : i32
      scf.if %cond3A_357 {
        %dma_start3A = arith.constant 0 : i32
        %dma_start3A_681 = arith.constant 0 : i32
        %dma_start3A_682 = tpu.memref_slice %arg8[%dma_start3A, %dma_start3A_681] : memref<16x512xf32, #tpu.memory_space<vmem>> -> memref<16x128xf32, #tpu.memory_space<vmem>>
        %dma_start3A_683 = arith.constant 0 : i32
        %dma_start3A_684 = arith.constant 0 : i32
        %dma_start3A_685 = tpu.memref_slice %arg3[%select_n3A_299, %dma_start3A_683, %dma_start3A_684] : memref<26x16x128xf32, #tpu.memory_space<hbm>> -> memref<1x16x128xf32, #tpu.memory_space<hbm>>
        %dma_start3A_686 = tpu.memref_squeeze %dma_start3A_685 : memref<1x16x128xf32, #tpu.memory_space<hbm>> -> memref<16x128xf32, #tpu.memory_space<hbm>>
        %dma_start3A_687 = arith.constant 0 : i32
        %dma_start3A_688 = arith.constant 0 : i32
        %dma_start3A_689 = tpu.memref_slice %arg8[%dma_start3A_687, %dma_start3A_688] : memref<16x512xf32, #tpu.memory_space<vmem>> -> memref<16x128xf32, #tpu.memory_space<vmem>>
        %dma_start3A_690 = arith.constant 0 : i32
        %dma_start3A_691 = arith.constant 0 : i32
        %dma_start3A_692 = tpu.memref_slice %arg3[%select_n3A_299, %dma_start3A_690, %dma_start3A_691] : memref<26x16x128xf32, #tpu.memory_space<hbm>> -> memref<1x16x128xf32, #tpu.memory_space<hbm>>
        %dma_start3A_693 = tpu.memref_squeeze %dma_start3A_692 : memref<1x16x128xf32, #tpu.memory_space<hbm>> -> memref<16x128xf32, #tpu.memory_space<hbm>>
        tpu.enqueue_dma source(%dma_start3A_693 : memref<16x128xf32, #tpu.memory_space<hbm>>) target(%dma_start3A_689 : memref<16x128xf32, #tpu.memory_space<vmem>>) target_semaphore(%arg16 : memref<!tpu.dma_semaphore, #tpu.memory_space<semaphore_mem>>)
      } else {
      }
      %lt3A_358 = arith.constant 161 : i32
      %lt3A_359 = arith.cmpi slt, %add3A_268, %lt3A_358 : i32
      %mul3A_360 = arith.constant 32 : i32
      %mul3A_361 = arith.muli %mul3A_360, %add3A_268 : i32
      %add3A_362 = arith.addi %add3A, %mul3A_361 : i32
      %lt3A_363 = arith.constant 5122 : i32
      %lt3A_364 = arith.cmpi slt, %add3A_362, %lt3A_363 : i32
      %and3A_365 = arith.andi %lt3A_359, %lt3A_364 : i1
      %convert_element_type3A_366 = arith.extui %and3A_365 : i1 to i32
      %cond3A_367 = arith.constant 0 : i32
      %cond3A_368 = arith.cmpi ne, %convert_element_type3A_366, %cond3A_367 : i32
      scf.if %cond3A_368 {
        %mul3A_681 = arith.constant 32 : i32
        %mul3A_682 = arith.muli %mul3A_681, %add3A_268 : i32
        %add3A_683 = arith.addi %add3A, %mul3A_682 : i32
        %jit3A_684 = arith.constant 197 : i32
        %div3A_685 = arith.divsi %add3A_683, %jit3A_684 : i32
        %sign3A_686 = arith.constant 0 : i32
        %sign3A_687 = arith.cmpi sgt, %add3A_683, %sign3A_686 : i32
        %sign3A_688 = arith.extui %sign3A_687 : i1 to i32
        %sign3A_689 = arith.constant 0 : i32
        %sign3A_690 = arith.cmpi slt, %add3A_683, %sign3A_689 : i32
        %sign3A_691 = arith.extui %sign3A_690 : i1 to i32
        %sign3A_692 = arith.subi %sign3A_688, %sign3A_691 : i32
        %sign3A_693 = arith.constant 0 : i32
        %sign3A_694 = arith.cmpi sgt, %jit3A_684, %sign3A_693 : i32
        %sign3A_695 = arith.extui %sign3A_694 : i1 to i32
        %sign3A_696 = arith.constant 0 : i32
        %sign3A_697 = arith.cmpi slt, %jit3A_684, %sign3A_696 : i32
        %sign3A_698 = arith.extui %sign3A_697 : i1 to i32
        %sign3A_699 = arith.subi %sign3A_695, %sign3A_698 : i32
        %ne3A_700 = arith.cmpi ne, %sign3A_692, %sign3A_699 : i32
        %rem3A_701 = arith.remsi %add3A_683, %jit3A_684 : i32
        %ne3A_702 = arith.constant 0 : i32
        %ne3A_703 = arith.cmpi ne, %rem3A_701, %ne3A_702 : i32
        %and3A_704 = arith.andi %ne3A_700, %ne3A_703 : i1
        %sub3A_705 = arith.constant 1 : i32
        %sub3A_706 = arith.subi %div3A_685, %sub3A_705 : i32
        %select_n3A_707 = arith.select %and3A_704, %sub3A_706, %div3A_685 : i32
        %jit3A_708 = arith.constant 197 : i32
        %eq3A_709 = arith.constant 0 : i32
        %eq3A_710 = arith.cmpi eq, %jit3A_708, %eq3A_709 : i32
        %jit3A_711 = arith.constant 1 : i32
        %select_n3A_712 = arith.select %eq3A_710, %jit3A_711, %jit3A_708 : i32
        %rem3A_713 = arith.remsi %add3A_683, %select_n3A_712 : i32
        %ne3A_714 = arith.constant 0 : i32
        %ne3A_715 = arith.cmpi ne, %rem3A_713, %ne3A_714 : i32
        %lt3A_716 = arith.constant 0 : i32
        %lt3A_717 = arith.cmpi slt, %rem3A_713, %lt3A_716 : i32
        %lt3A_718 = arith.constant 0 : i32
        %lt3A_719 = arith.cmpi slt, %select_n3A_712, %lt3A_718 : i32
        %ne3A_720 = arith.xori %lt3A_717, %lt3A_719 : i1
        %and3A_721 = arith.andi %ne3A_720, %ne3A_715 : i1
        %add3A_722 = arith.addi %rem3A_713, %select_n3A_712 : i32
        %select_n3A_723 = arith.select %and3A_721, %add3A_722, %rem3A_713 : i32
        %lt3A_724 = arith.constant 195 : i32
        %lt3A_725 = arith.cmpi slt, %select_n3A_723, %lt3A_724 : i32
        %convert_element_type3A_726 = arith.extui %lt3A_725 : i1 to i32
        %cond3A_727 = arith.constant 0 : i32
        %cond3A_728 = arith.cmpi ne, %convert_element_type3A_726, %cond3A_727 : i32
        scf.if %cond3A_728 {
          %dma_wait3A = arith.constant 0 : i32
          %dma_wait3A_804 = arith.constant 0 : i32
          %dma_wait3A_805 = arith.constant 0 : i32
          %dma_wait3A_806 = tpu.memref_slice %arg2[%dma_wait3A, %dma_wait3A_804, %dma_wait3A_805] : memref<26x16x100000xf32, #tpu.memory_space<hbm>> -> memref<1x16x512xf32, #tpu.memory_space<hbm>>
          %dma_wait3A_807 = tpu.memref_squeeze %dma_wait3A_806 : memref<1x16x512xf32, #tpu.memory_space<hbm>> -> memref<16x512xf32, #tpu.memory_space<hbm>>
          %dma_wait3A_808 = arith.constant 0 : i32
          %dma_wait3A_809 = arith.constant 0 : i32
          %dma_wait3A_810 = tpu.memref_slice %arg2[%dma_wait3A, %dma_wait3A_808, %dma_wait3A_809] : memref<26x16x100000xf32, #tpu.memory_space<hbm>> -> memref<1x16x512xf32, #tpu.memory_space<hbm>>
          %dma_wait3A_811 = tpu.memref_squeeze %dma_wait3A_810 : memref<1x16x512xf32, #tpu.memory_space<hbm>> -> memref<16x512xf32, #tpu.memory_space<hbm>>
          tpu.wait_dma2 semaphore(%arg13 : memref<!tpu.dma_semaphore, #tpu.memory_space<semaphore_mem>>) src(%dma_wait3A_811 : memref<16x512xf32, #tpu.memory_space<hbm>>) dst(%arg5 : memref<16x512xf32, #tpu.memory_space<vmem>>)
        } else {
        }
        %ge3A = arith.constant 195 : i32
        %ge3A_729 = arith.cmpi sge, %select_n3A_723, %ge3A : i32
        %convert_element_type3A_730 = arith.extui %ge3A_729 : i1 to i32
        %cond3A_731 = arith.constant 0 : i32
        %cond3A_732 = arith.cmpi ne, %convert_element_type3A_730, %cond3A_731 : i32
        scf.if %cond3A_732 {
          %dma_wait3A = arith.constant 0 : i32
          %dma_wait3A_804 = arith.constant 0 : i32
          %dma_wait3A_805 = arith.constant 0 : i32
          %dma_wait3A_806 = tpu.memref_slice %arg5[%dma_wait3A_804, %dma_wait3A_805] : memref<16x512xf32, #tpu.memory_space<vmem>> -> memref<16x128xf32, #tpu.memory_space<vmem>>
          %dma_wait3A_807 = arith.constant 0 : i32
          %dma_wait3A_808 = arith.constant 0 : i32
          %dma_wait3A_809 = tpu.memref_slice %arg2[%dma_wait3A, %dma_wait3A_807, %dma_wait3A_808] : memref<26x16x100000xf32, #tpu.memory_space<hbm>> -> memref<1x16x128xf32, #tpu.memory_space<hbm>>
          %dma_wait3A_810 = tpu.memref_squeeze %dma_wait3A_809 : memref<1x16x128xf32, #tpu.memory_space<hbm>> -> memref<16x128xf32, #tpu.memory_space<hbm>>
          %dma_wait3A_811 = arith.constant 0 : i32
          %dma_wait3A_812 = arith.constant 0 : i32
          %dma_wait3A_813 = tpu.memref_slice %arg5[%dma_wait3A_811, %dma_wait3A_812] : memref<16x512xf32, #tpu.memory_space<vmem>> -> memref<16x128xf32, #tpu.memory_space<vmem>>
          %dma_wait3A_814 = arith.constant 0 : i32
          %dma_wait3A_815 = arith.constant 0 : i32
          %dma_wait3A_816 = tpu.memref_slice %arg2[%dma_wait3A, %dma_wait3A_814, %dma_wait3A_815] : memref<26x16x100000xf32, #tpu.memory_space<hbm>> -> memref<1x16x128xf32, #tpu.memory_space<hbm>>
          %dma_wait3A_817 = tpu.memref_squeeze %dma_wait3A_816 : memref<1x16x128xf32, #tpu.memory_space<hbm>> -> memref<16x128xf32, #tpu.memory_space<hbm>>
          tpu.wait_dma2 semaphore(%arg13 : memref<!tpu.dma_semaphore, #tpu.memory_space<semaphore_mem>>) src(%dma_wait3A_817 : memref<16x128xf32, #tpu.memory_space<hbm>>) dst(%dma_wait3A_813 : memref<16x128xf32, #tpu.memory_space<vmem>>)
        } else {
        }
        %ge3A_733 = arith.constant 4 : i32
        %ge3A_734 = arith.cmpi sge, %add3A_268, %ge3A_733 : i32
        %convert_element_type3A_735 = arith.extui %ge3A_734 : i1 to i32
        %cond3A_736 = arith.constant 0 : i32
        %cond3A_737 = arith.cmpi ne, %convert_element_type3A_735, %cond3A_736 : i32
        scf.if %cond3A_737 {
          %sub3A_804 = arith.constant 4 : i32
          %sub3A_805 = arith.subi %add3A_268, %sub3A_804 : i32
          %lt3A_806 = arith.constant 161 : i32
          %lt3A_807 = arith.cmpi slt, %sub3A_805, %lt3A_806 : i32
          %mul3A_808 = arith.constant 32 : i32
          %mul3A_809 = arith.muli %mul3A_808, %sub3A_805 : i32
          %add3A_810 = arith.addi %add3A, %mul3A_809 : i32
          %lt3A_811 = arith.constant 5122 : i32
          %lt3A_812 = arith.cmpi slt, %add3A_810, %lt3A_811 : i32
          %and3A_813 = arith.andi %lt3A_807, %lt3A_812 : i1
          %convert_element_type3A_814 = arith.extui %and3A_813 : i1 to i32
          %cond3A_815 = arith.constant 0 : i32
          %cond3A_816 = arith.cmpi ne, %convert_element_type3A_814, %cond3A_815 : i32
          scf.if %cond3A_816 {
            %mul3A_817 = arith.constant 32 : i32
            %mul3A_818 = arith.muli %mul3A_817, %sub3A_805 : i32
            %add3A_819 = arith.addi %add3A, %mul3A_818 : i32
            %jit3A_820 = arith.constant 197 : i32
            %div3A_821 = arith.divsi %add3A_819, %jit3A_820 : i32
            %sign3A_822 = arith.constant 0 : i32
            %sign3A_823 = arith.cmpi sgt, %add3A_819, %sign3A_822 : i32
            %sign3A_824 = arith.extui %sign3A_823 : i1 to i32
            %sign3A_825 = arith.constant 0 : i32
            %sign3A_826 = arith.cmpi slt, %add3A_819, %sign3A_825 : i32
            %sign3A_827 = arith.extui %sign3A_826 : i1 to i32
            %sign3A_828 = arith.subi %sign3A_824, %sign3A_827 : i32
            %sign3A_829 = arith.constant 0 : i32
            %sign3A_830 = arith.cmpi sgt, %jit3A_820, %sign3A_829 : i32
            %sign3A_831 = arith.extui %sign3A_830 : i1 to i32
            %sign3A_832 = arith.constant 0 : i32
            %sign3A_833 = arith.cmpi slt, %jit3A_820, %sign3A_832 : i32
            %sign3A_834 = arith.extui %sign3A_833 : i1 to i32
            %sign3A_835 = arith.subi %sign3A_831, %sign3A_834 : i32
            %ne3A_836 = arith.cmpi ne, %sign3A_828, %sign3A_835 : i32
            %rem3A_837 = arith.remsi %add3A_819, %jit3A_820 : i32
            %ne3A_838 = arith.constant 0 : i32
            %ne3A_839 = arith.cmpi ne, %rem3A_837, %ne3A_838 : i32
            %and3A_840 = arith.andi %ne3A_836, %ne3A_839 : i1
            %sub3A_841 = arith.constant 1 : i32
            %sub3A_842 = arith.subi %div3A_821, %sub3A_841 : i32
            %select_n3A_843 = arith.select %and3A_840, %sub3A_842, %div3A_821 : i32
            %jit3A_844 = arith.constant 197 : i32
            %eq3A_845 = arith.constant 0 : i32
            %eq3A_846 = arith.cmpi eq, %jit3A_844, %eq3A_845 : i32
            %jit3A_847 = arith.constant 1 : i32
            %select_n3A_848 = arith.select %eq3A_846, %jit3A_847, %jit3A_844 : i32
            %rem3A_849 = arith.remsi %add3A_819, %select_n3A_848 : i32
            %ne3A_850 = arith.constant 0 : i32
            %ne3A_851 = arith.cmpi ne, %rem3A_849, %ne3A_850 : i32
            %lt3A_852 = arith.constant 0 : i32
            %lt3A_853 = arith.cmpi slt, %rem3A_849, %lt3A_852 : i32
            %lt3A_854 = arith.constant 0 : i32
            %lt3A_855 = arith.cmpi slt, %select_n3A_848, %lt3A_854 : i32
            %ne3A_856 = arith.xori %lt3A_853, %lt3A_855 : i1
            %and3A_857 = arith.andi %ne3A_856, %ne3A_851 : i1
            %add3A_858 = arith.addi %rem3A_849, %select_n3A_848 : i32
            %select_n3A_859 = arith.select %and3A_857, %add3A_858, %rem3A_849 : i32
            %lt3A_860 = arith.constant 195 : i32
            %lt3A_861 = arith.cmpi slt, %select_n3A_859, %lt3A_860 : i32
            %convert_element_type3A_862 = arith.extui %lt3A_861 : i1 to i32
            %cond3A_863 = arith.constant 0 : i32
            %cond3A_864 = arith.cmpi ne, %convert_element_type3A_862, %cond3A_863 : i32
            scf.if %cond3A_864 {
              %dma_wait3A = arith.constant 0 : i32
              %dma_wait3A_870 = arith.constant 0 : i32
              %dma_wait3A_871 = arith.constant 0 : i32
              %dma_wait3A_872 = tpu.memref_slice %arg2[%dma_wait3A, %dma_wait3A_870, %dma_wait3A_871] : memref<26x16x100000xf32, #tpu.memory_space<hbm>> -> memref<1x16x512xf32, #tpu.memory_space<hbm>>
              %dma_wait3A_873 = tpu.memref_squeeze %dma_wait3A_872 : memref<1x16x512xf32, #tpu.memory_space<hbm>> -> memref<16x512xf32, #tpu.memory_space<hbm>>
              %dma_wait3A_874 = arith.constant 0 : i32
              %dma_wait3A_875 = arith.constant 0 : i32
              %dma_wait3A_876 = tpu.memref_slice %arg2[%dma_wait3A, %dma_wait3A_874, %dma_wait3A_875] : memref<26x16x100000xf32, #tpu.memory_space<hbm>> -> memref<1x16x512xf32, #tpu.memory_space<hbm>>
              %dma_wait3A_877 = tpu.memref_squeeze %dma_wait3A_876 : memref<1x16x512xf32, #tpu.memory_space<hbm>> -> memref<16x512xf32, #tpu.memory_space<hbm>>
              tpu.wait_dma2 semaphore(%arg17 : memref<!tpu.dma_semaphore, #tpu.memory_space<semaphore_mem>>) src(%dma_wait3A_877 : memref<16x512xf32, #tpu.memory_space<hbm>>) dst(%arg9 : memref<64x128xf32, #tpu.memory_space<vmem>>)
            } else {
            }
            %ge3A_865 = arith.constant 195 : i32
            %ge3A_866 = arith.cmpi sge, %select_n3A_859, %ge3A_865 : i32
            %convert_element_type3A_867 = arith.extui %ge3A_866 : i1 to i32
            %cond3A_868 = arith.constant 0 : i32
            %cond3A_869 = arith.cmpi ne, %convert_element_type3A_867, %cond3A_868 : i32
            scf.if %cond3A_869 {
              %dma_wait3A = arith.constant 0 : i32
              %dma_wait3A_870 = arith.constant 0 : i32
              %dma_wait3A_871 = arith.constant 0 : i32
              %dma_wait3A_872 = tpu.memref_slice %arg9[%dma_wait3A_870, %dma_wait3A_871] : memref<64x128xf32, #tpu.memory_space<vmem>> -> memref<16x128xf32, #tpu.memory_space<vmem>>
              %dma_wait3A_873 = arith.constant 0 : i32
              %dma_wait3A_874 = arith.constant 0 : i32
              %dma_wait3A_875 = tpu.memref_slice %arg2[%dma_wait3A, %dma_wait3A_873, %dma_wait3A_874] : memref<26x16x100000xf32, #tpu.memory_space<hbm>> -> memref<1x16x128xf32, #tpu.memory_space<hbm>>
              %dma_wait3A_876 = tpu.memref_squeeze %dma_wait3A_875 : memref<1x16x128xf32, #tpu.memory_space<hbm>> -> memref<16x128xf32, #tpu.memory_space<hbm>>
              %dma_wait3A_877 = arith.constant 0 : i32
              %dma_wait3A_878 = arith.constant 0 : i32
              %dma_wait3A_879 = tpu.memref_slice %arg9[%dma_wait3A_877, %dma_wait3A_878] : memref<64x128xf32, #tpu.memory_space<vmem>> -> memref<16x128xf32, #tpu.memory_space<vmem>>
              %dma_wait3A_880 = arith.constant 0 : i32
              %dma_wait3A_881 = arith.constant 0 : i32
              %dma_wait3A_882 = tpu.memref_slice %arg2[%dma_wait3A, %dma_wait3A_880, %dma_wait3A_881] : memref<26x16x100000xf32, #tpu.memory_space<hbm>> -> memref<1x16x128xf32, #tpu.memory_space<hbm>>
              %dma_wait3A_883 = tpu.memref_squeeze %dma_wait3A_882 : memref<1x16x128xf32, #tpu.memory_space<hbm>> -> memref<16x128xf32, #tpu.memory_space<hbm>>
              tpu.wait_dma2 semaphore(%arg17 : memref<!tpu.dma_semaphore, #tpu.memory_space<semaphore_mem>>) src(%dma_wait3A_883 : memref<16x128xf32, #tpu.memory_space<hbm>>) dst(%dma_wait3A_879 : memref<16x128xf32, #tpu.memory_space<vmem>>)
            } else {
            }
          } else {
          }
        } else {
        }
        %mul3A_738 = arith.constant 32 : i32
        %mul3A_739 = arith.muli %mul3A_738, %add3A_268 : i32
        %add3A_740 = arith.addi %add3A, %mul3A_739 : i32
        %jit3A_741 = arith.constant 197 : i32
        %div3A_742 = arith.divsi %add3A_740, %jit3A_741 : i32
        %sign3A_743 = arith.constant 0 : i32
        %sign3A_744 = arith.cmpi sgt, %add3A_740, %sign3A_743 : i32
        %sign3A_745 = arith.extui %sign3A_744 : i1 to i32
        %sign3A_746 = arith.constant 0 : i32
        %sign3A_747 = arith.cmpi slt, %add3A_740, %sign3A_746 : i32
        %sign3A_748 = arith.extui %sign3A_747 : i1 to i32
        %sign3A_749 = arith.subi %sign3A_745, %sign3A_748 : i32
        %sign3A_750 = arith.constant 0 : i32
        %sign3A_751 = arith.cmpi sgt, %jit3A_741, %sign3A_750 : i32
        %sign3A_752 = arith.extui %sign3A_751 : i1 to i32
        %sign3A_753 = arith.constant 0 : i32
        %sign3A_754 = arith.cmpi slt, %jit3A_741, %sign3A_753 : i32
        %sign3A_755 = arith.extui %sign3A_754 : i1 to i32
        %sign3A_756 = arith.subi %sign3A_752, %sign3A_755 : i32
        %ne3A_757 = arith.cmpi ne, %sign3A_749, %sign3A_756 : i32
        %rem3A_758 = arith.remsi %add3A_740, %jit3A_741 : i32
        %ne3A_759 = arith.constant 0 : i32
        %ne3A_760 = arith.cmpi ne, %rem3A_758, %ne3A_759 : i32
        %and3A_761 = arith.andi %ne3A_757, %ne3A_760 : i1
        %sub3A_762 = arith.constant 1 : i32
        %sub3A_763 = arith.subi %div3A_742, %sub3A_762 : i32
        %select_n3A_764 = arith.select %and3A_761, %sub3A_763, %div3A_742 : i32
        %jit3A_765 = arith.constant 197 : i32
        %eq3A_766 = arith.constant 0 : i32
        %eq3A_767 = arith.cmpi eq, %jit3A_765, %eq3A_766 : i32
        %jit3A_768 = arith.constant 1 : i32
        %select_n3A_769 = arith.select %eq3A_767, %jit3A_768, %jit3A_765 : i32
        %rem3A_770 = arith.remsi %add3A_740, %select_n3A_769 : i32
        %ne3A_771 = arith.constant 0 : i32
        %ne3A_772 = arith.cmpi ne, %rem3A_770, %ne3A_771 : i32
        %lt3A_773 = arith.constant 0 : i32
        %lt3A_774 = arith.cmpi slt, %rem3A_770, %lt3A_773 : i32
        %lt3A_775 = arith.constant 0 : i32
        %lt3A_776 = arith.cmpi slt, %select_n3A_769, %lt3A_775 : i32
        %ne3A_777 = arith.xori %lt3A_774, %lt3A_776 : i1
        %and3A_778 = arith.andi %ne3A_777, %ne3A_772 : i1
        %add3A_779 = arith.addi %rem3A_770, %select_n3A_769 : i32
        %select_n3A_780 = arith.select %and3A_778, %add3A_779, %rem3A_770 : i32
        %mul3A_781 = arith.constant 12512 : i32
        %mul3A_782 = arith.muli %select_n3A_764, %mul3A_781 : i32
        %lt3A_783 = arith.constant 195 : i32
        %lt3A_784 = arith.cmpi slt, %select_n3A_780, %lt3A_783 : i32
        %mul3A_785 = arith.constant 64 : i32
        %mul3A_786 = arith.muli %mul3A_785, %select_n3A_780 : i32
        %eq3A_787 = arith.constant 195 : i32
        %eq3A_788 = arith.cmpi eq, %select_n3A_780, %eq3A_787 : i32
        %jit3A_789 = arith.constant 12480 : i32
        %jit3A_790 = arith.constant 12496 : i32
        %select_n3A_791 = arith.select %eq3A_788, %jit3A_789, %jit3A_790 : i32
        %select_n3A_792 = arith.select %lt3A_784, %mul3A_786, %select_n3A_791 : i32
        %add3A_793 = arith.addi %mul3A_782, %select_n3A_792 : i32
        %lt3A_794 = arith.constant 195 : i32
        %lt3A_795 = arith.cmpi slt, %select_n3A_780, %lt3A_794 : i32
        %convert_element_type3A_796 = arith.extui %lt3A_795 : i1 to i32
        %cond3A_797 = arith.constant 0 : i32
        %cond3A_798 = arith.cmpi ne, %convert_element_type3A_796, %cond3A_797 : i32
        scf.if %cond3A_798 {
          %dma_start3A = arith.constant 0 : i32
          %dma_start3A_804 = tpu.memref_slice %arg4[%add3A_793, %dma_start3A] : memref<325312x128xf32, #tpu.memory_space<hbm>> -> memref<64x128xf32, #tpu.memory_space<hbm>>
          %dma_start3A_805 = arith.constant 0 : i32
          %dma_start3A_806 = tpu.memref_slice %arg4[%add3A_793, %dma_start3A_805] : memref<325312x128xf32, #tpu.memory_space<hbm>> -> memref<64x128xf32, #tpu.memory_space<hbm>>
          tpu.enqueue_dma source(%arg9 : memref<64x128xf32, #tpu.memory_space<vmem>>) target(%dma_start3A_806 : memref<64x128xf32, #tpu.memory_space<hbm>>) target_semaphore(%arg17 : memref<!tpu.dma_semaphore, #tpu.memory_space<semaphore_mem>>)
        } else {
        }
        %ge3A_799 = arith.constant 195 : i32
        %ge3A_800 = arith.cmpi sge, %select_n3A_780, %ge3A_799 : i32
        %convert_element_type3A_801 = arith.extui %ge3A_800 : i1 to i32
        %cond3A_802 = arith.constant 0 : i32
        %cond3A_803 = arith.cmpi ne, %convert_element_type3A_801, %cond3A_802 : i32
        scf.if %cond3A_803 {
          %dma_start3A = arith.constant 0 : i32
          %dma_start3A_804 = arith.constant 0 : i32
          %dma_start3A_805 = tpu.memref_slice %arg9[%dma_start3A, %dma_start3A_804] : memref<64x128xf32, #tpu.memory_space<vmem>> -> memref<16x128xf32, #tpu.memory_space<vmem>>
          %dma_start3A_806 = arith.constant 0 : i32
          %dma_start3A_807 = tpu.memref_slice %arg4[%add3A_793, %dma_start3A_806] : memref<325312x128xf32, #tpu.memory_space<hbm>> -> memref<16x128xf32, #tpu.memory_space<hbm>>
          %dma_start3A_808 = arith.constant 0 : i32
          %dma_start3A_809 = tpu.memref_slice %arg4[%add3A_793, %dma_start3A_808] : memref<325312x128xf32, #tpu.memory_space<hbm>> -> memref<16x128xf32, #tpu.memory_space<hbm>>
          %dma_start3A_810 = arith.constant 0 : i32
          %dma_start3A_811 = arith.constant 0 : i32
          %dma_start3A_812 = tpu.memref_slice %arg9[%dma_start3A_810, %dma_start3A_811] : memref<64x128xf32, #tpu.memory_space<vmem>> -> memref<16x128xf32, #tpu.memory_space<vmem>>
          tpu.enqueue_dma source(%dma_start3A_812 : memref<16x128xf32, #tpu.memory_space<vmem>>) target(%dma_start3A_809 : memref<16x128xf32, #tpu.memory_space<hbm>>) target_semaphore(%arg17 : memref<!tpu.dma_semaphore, #tpu.memory_space<semaphore_mem>>)
        } else {
        }
      } else {
      }
      %mul3A_369 = arith.constant 4 : i32
      %mul3A_370 = arith.muli %mul3A_369, %scan3A_264 : i32
      %add3A_371 = arith.constant 1 : i32
      %add3A_372 = arith.addi %mul3A_370, %add3A_371 : i32
      %add3A_373 = arith.constant 4 : i32
      %add3A_374 = arith.addi %add3A_372, %add3A_373 : i32
      %sub3A_375 = arith.constant 1 : i32
      %sub3A_376 = arith.subi %add3A_374, %sub3A_375 : i32
      %mul3A_377 = arith.constant 32 : i32
      %mul3A_378 = arith.muli %mul3A_377, %sub3A_376 : i32
      %add3A_379 = arith.addi %add3A, %mul3A_378 : i32
      %jit3A_380 = arith.constant 197 : i32
      %div3A_381 = arith.divsi %add3A_379, %jit3A_380 : i32
      %sign3A_382 = arith.constant 0 : i32
      %sign3A_383 = arith.cmpi sgt, %add3A_379, %sign3A_382 : i32
      %sign3A_384 = arith.extui %sign3A_383 : i1 to i32
      %sign3A_385 = arith.constant 0 : i32
      %sign3A_386 = arith.cmpi slt, %add3A_379, %sign3A_385 : i32
      %sign3A_387 = arith.extui %sign3A_386 : i1 to i32
      %sign3A_388 = arith.subi %sign3A_384, %sign3A_387 : i32
      %sign3A_389 = arith.constant 0 : i32
      %sign3A_390 = arith.cmpi sgt, %jit3A_380, %sign3A_389 : i32
      %sign3A_391 = arith.extui %sign3A_390 : i1 to i32
      %sign3A_392 = arith.constant 0 : i32
      %sign3A_393 = arith.cmpi slt, %jit3A_380, %sign3A_392 : i32
      %sign3A_394 = arith.extui %sign3A_393 : i1 to i32
      %sign3A_395 = arith.subi %sign3A_391, %sign3A_394 : i32
      %ne3A_396 = arith.cmpi ne, %sign3A_388, %sign3A_395 : i32
      %rem3A_397 = arith.remsi %add3A_379, %jit3A_380 : i32
      %ne3A_398 = arith.constant 0 : i32
      %ne3A_399 = arith.cmpi ne, %rem3A_397, %ne3A_398 : i32
      %and3A_400 = arith.andi %ne3A_396, %ne3A_399 : i1
      %sub3A_401 = arith.constant 1 : i32
      %sub3A_402 = arith.subi %div3A_381, %sub3A_401 : i32
      %select_n3A_403 = arith.select %and3A_400, %sub3A_402, %div3A_381 : i32
      %jit3A_404 = arith.constant 197 : i32
      %eq3A_405 = arith.constant 0 : i32
      %eq3A_406 = arith.cmpi eq, %jit3A_404, %eq3A_405 : i32
      %jit3A_407 = arith.constant 1 : i32
      %select_n3A_408 = arith.select %eq3A_406, %jit3A_407, %jit3A_404 : i32
      %rem3A_409 = arith.remsi %add3A_379, %select_n3A_408 : i32
      %ne3A_410 = arith.constant 0 : i32
      %ne3A_411 = arith.cmpi ne, %rem3A_409, %ne3A_410 : i32
      %lt3A_412 = arith.constant 0 : i32
      %lt3A_413 = arith.cmpi slt, %rem3A_409, %lt3A_412 : i32
      %lt3A_414 = arith.constant 0 : i32
      %lt3A_415 = arith.cmpi slt, %select_n3A_408, %lt3A_414 : i32
      %ne3A_416 = arith.xori %lt3A_413, %lt3A_415 : i1
      %and3A_417 = arith.andi %ne3A_416, %ne3A_411 : i1
      %add3A_418 = arith.addi %rem3A_409, %select_n3A_408 : i32
      %select_n3A_419 = arith.select %and3A_417, %add3A_418, %rem3A_409 : i32
      %lt3A_420 = arith.constant 161 : i32
      %lt3A_421 = arith.cmpi slt, %sub3A_376, %lt3A_420 : i32
      %mul3A_422 = arith.constant 32 : i32
      %mul3A_423 = arith.muli %mul3A_422, %sub3A_376 : i32
      %add3A_424 = arith.addi %add3A, %mul3A_423 : i32
      %lt3A_425 = arith.constant 5122 : i32
      %lt3A_426 = arith.cmpi slt, %add3A_424, %lt3A_425 : i32
      %and3A_427 = arith.andi %lt3A_421, %lt3A_426 : i1
      %lt3A_428 = arith.constant 195 : i32
      %lt3A_429 = arith.cmpi slt, %select_n3A_419, %lt3A_428 : i32
      %and3A_430 = arith.andi %and3A_427, %lt3A_429 : i1
      %convert_element_type3A_431 = arith.extui %and3A_430 : i1 to i32
      %cond3A_432 = arith.constant 0 : i32
      %cond3A_433 = arith.cmpi ne, %convert_element_type3A_431, %cond3A_432 : i32
      scf.if %cond3A_433 {
        %mul3A_681 = arith.constant 512 : i32
        %mul3A_682 = arith.muli %mul3A_681, %select_n3A_419 : i32
        %dma_start3A = arith.constant 0 : i32
        %dma_start3A_683 = tpu.memref_slice %arg2[%select_n3A_403, %dma_start3A, %mul3A_682] : memref<26x16x100000xf32, #tpu.memory_space<hbm>> -> memref<1x16x512xf32, #tpu.memory_space<hbm>>
        %dma_start3A_684 = tpu.memref_squeeze %dma_start3A_683 : memref<1x16x512xf32, #tpu.memory_space<hbm>> -> memref<16x512xf32, #tpu.memory_space<hbm>>
        %dma_start3A_685 = arith.constant 0 : i32
        %dma_start3A_686 = tpu.memref_slice %arg2[%select_n3A_403, %dma_start3A_685, %mul3A_682] : memref<26x16x100000xf32, #tpu.memory_space<hbm>> -> memref<1x16x512xf32, #tpu.memory_space<hbm>>
        %dma_start3A_687 = tpu.memref_squeeze %dma_start3A_686 : memref<1x16x512xf32, #tpu.memory_space<hbm>> -> memref<16x512xf32, #tpu.memory_space<hbm>>
        tpu.enqueue_dma source(%dma_start3A_687 : memref<16x512xf32, #tpu.memory_space<hbm>>) target(%arg5 : memref<16x512xf32, #tpu.memory_space<vmem>>) target_semaphore(%arg13 : memref<!tpu.dma_semaphore, #tpu.memory_space<semaphore_mem>>)
      } else {
      }
      %lt3A_434 = arith.constant 161 : i32
      %lt3A_435 = arith.cmpi slt, %sub3A_376, %lt3A_434 : i32
      %mul3A_436 = arith.constant 32 : i32
      %mul3A_437 = arith.muli %mul3A_436, %sub3A_376 : i32
      %add3A_438 = arith.addi %add3A, %mul3A_437 : i32
      %lt3A_439 = arith.constant 5122 : i32
      %lt3A_440 = arith.cmpi slt, %add3A_438, %lt3A_439 : i32
      %and3A_441 = arith.andi %lt3A_435, %lt3A_440 : i1
      %eq3A_442 = arith.constant 195 : i32
      %eq3A_443 = arith.cmpi eq, %select_n3A_419, %eq3A_442 : i32
      %and3A_444 = arith.andi %and3A_441, %eq3A_443 : i1
      %convert_element_type3A_445 = arith.extui %and3A_444 : i1 to i32
      %cond3A_446 = arith.constant 0 : i32
      %cond3A_447 = arith.cmpi ne, %convert_element_type3A_445, %cond3A_446 : i32
      scf.if %cond3A_447 {
        %dma_start3A = arith.constant 0 : i32
        %dma_start3A_681 = arith.constant 0 : i32
        %dma_start3A_682 = tpu.memref_slice %arg5[%dma_start3A, %dma_start3A_681] : memref<16x512xf32, #tpu.memory_space<vmem>> -> memref<16x128xf32, #tpu.memory_space<vmem>>
        %dma_start3A_683 = arith.constant 0 : i32
        %dma_start3A_684 = arith.constant 99840 : i32
        %dma_start3A_685 = tpu.memref_slice %arg2[%select_n3A_403, %dma_start3A_683, %dma_start3A_684] : memref<26x16x100000xf32, #tpu.memory_space<hbm>> -> memref<1x16x128xf32, #tpu.memory_space<hbm>>
        %dma_start3A_686 = tpu.memref_squeeze %dma_start3A_685 : memref<1x16x128xf32, #tpu.memory_space<hbm>> -> memref<16x128xf32, #tpu.memory_space<hbm>>
        %dma_start3A_687 = arith.constant 0 : i32
        %dma_start3A_688 = arith.constant 0 : i32
        %dma_start3A_689 = tpu.memref_slice %arg5[%dma_start3A_687, %dma_start3A_688] : memref<16x512xf32, #tpu.memory_space<vmem>> -> memref<16x128xf32, #tpu.memory_space<vmem>>
        %dma_start3A_690 = arith.constant 0 : i32
        %dma_start3A_691 = arith.constant 99840 : i32
        %dma_start3A_692 = tpu.memref_slice %arg2[%select_n3A_403, %dma_start3A_690, %dma_start3A_691] : memref<26x16x100000xf32, #tpu.memory_space<hbm>> -> memref<1x16x128xf32, #tpu.memory_space<hbm>>
        %dma_start3A_693 = tpu.memref_squeeze %dma_start3A_692 : memref<1x16x128xf32, #tpu.memory_space<hbm>> -> memref<16x128xf32, #tpu.memory_space<hbm>>
        tpu.enqueue_dma source(%dma_start3A_693 : memref<16x128xf32, #tpu.memory_space<hbm>>) target(%dma_start3A_689 : memref<16x128xf32, #tpu.memory_space<vmem>>) target_semaphore(%arg13 : memref<!tpu.dma_semaphore, #tpu.memory_space<semaphore_mem>>)
      } else {
      }
      %lt3A_448 = arith.constant 161 : i32
      %lt3A_449 = arith.cmpi slt, %sub3A_376, %lt3A_448 : i32
      %mul3A_450 = arith.constant 32 : i32
      %mul3A_451 = arith.muli %mul3A_450, %sub3A_376 : i32
      %add3A_452 = arith.addi %add3A, %mul3A_451 : i32
      %lt3A_453 = arith.constant 5122 : i32
      %lt3A_454 = arith.cmpi slt, %add3A_452, %lt3A_453 : i32
      %and3A_455 = arith.andi %lt3A_449, %lt3A_454 : i1
      %eq3A_456 = arith.constant 196 : i32
      %eq3A_457 = arith.cmpi eq, %select_n3A_419, %eq3A_456 : i32
      %and3A_458 = arith.andi %and3A_455, %eq3A_457 : i1
      %convert_element_type3A_459 = arith.extui %and3A_458 : i1 to i32
      %cond3A_460 = arith.constant 0 : i32
      %cond3A_461 = arith.cmpi ne, %convert_element_type3A_459, %cond3A_460 : i32
      scf.if %cond3A_461 {
        %dma_start3A = arith.constant 0 : i32
        %dma_start3A_681 = arith.constant 0 : i32
        %dma_start3A_682 = tpu.memref_slice %arg5[%dma_start3A, %dma_start3A_681] : memref<16x512xf32, #tpu.memory_space<vmem>> -> memref<16x128xf32, #tpu.memory_space<vmem>>
        %dma_start3A_683 = arith.constant 0 : i32
        %dma_start3A_684 = arith.constant 0 : i32
        %dma_start3A_685 = tpu.memref_slice %arg3[%select_n3A_403, %dma_start3A_683, %dma_start3A_684] : memref<26x16x128xf32, #tpu.memory_space<hbm>> -> memref<1x16x128xf32, #tpu.memory_space<hbm>>
        %dma_start3A_686 = tpu.memref_squeeze %dma_start3A_685 : memref<1x16x128xf32, #tpu.memory_space<hbm>> -> memref<16x128xf32, #tpu.memory_space<hbm>>
        %dma_start3A_687 = arith.constant 0 : i32
        %dma_start3A_688 = arith.constant 0 : i32
        %dma_start3A_689 = tpu.memref_slice %arg5[%dma_start3A_687, %dma_start3A_688] : memref<16x512xf32, #tpu.memory_space<vmem>> -> memref<16x128xf32, #tpu.memory_space<vmem>>
        %dma_start3A_690 = arith.constant 0 : i32
        %dma_start3A_691 = arith.constant 0 : i32
        %dma_start3A_692 = tpu.memref_slice %arg3[%select_n3A_403, %dma_start3A_690, %dma_start3A_691] : memref<26x16x128xf32, #tpu.memory_space<hbm>> -> memref<1x16x128xf32, #tpu.memory_space<hbm>>
        %dma_start3A_693 = tpu.memref_squeeze %dma_start3A_692 : memref<1x16x128xf32, #tpu.memory_space<hbm>> -> memref<16x128xf32, #tpu.memory_space<hbm>>
        tpu.enqueue_dma source(%dma_start3A_693 : memref<16x128xf32, #tpu.memory_space<hbm>>) target(%dma_start3A_689 : memref<16x128xf32, #tpu.memory_space<vmem>>) target_semaphore(%arg13 : memref<!tpu.dma_semaphore, #tpu.memory_space<semaphore_mem>>)
      } else {
      }
      %lt3A_462 = arith.constant 161 : i32
      %lt3A_463 = arith.cmpi slt, %add3A_372, %lt3A_462 : i32
      %mul3A_464 = arith.constant 32 : i32
      %mul3A_465 = arith.muli %mul3A_464, %add3A_372 : i32
      %add3A_466 = arith.addi %add3A, %mul3A_465 : i32
      %lt3A_467 = arith.constant 5122 : i32
      %lt3A_468 = arith.cmpi slt, %add3A_466, %lt3A_467 : i32
      %and3A_469 = arith.andi %lt3A_463, %lt3A_468 : i1
      %convert_element_type3A_470 = arith.extui %and3A_469 : i1 to i32
      %cond3A_471 = arith.constant 0 : i32
      %cond3A_472 = arith.cmpi ne, %convert_element_type3A_470, %cond3A_471 : i32
      scf.if %cond3A_472 {
        %mul3A_681 = arith.constant 32 : i32
        %mul3A_682 = arith.muli %mul3A_681, %add3A_372 : i32
        %add3A_683 = arith.addi %add3A, %mul3A_682 : i32
        %jit3A_684 = arith.constant 197 : i32
        %div3A_685 = arith.divsi %add3A_683, %jit3A_684 : i32
        %sign3A_686 = arith.constant 0 : i32
        %sign3A_687 = arith.cmpi sgt, %add3A_683, %sign3A_686 : i32
        %sign3A_688 = arith.extui %sign3A_687 : i1 to i32
        %sign3A_689 = arith.constant 0 : i32
        %sign3A_690 = arith.cmpi slt, %add3A_683, %sign3A_689 : i32
        %sign3A_691 = arith.extui %sign3A_690 : i1 to i32
        %sign3A_692 = arith.subi %sign3A_688, %sign3A_691 : i32
        %sign3A_693 = arith.constant 0 : i32
        %sign3A_694 = arith.cmpi sgt, %jit3A_684, %sign3A_693 : i32
        %sign3A_695 = arith.extui %sign3A_694 : i1 to i32
        %sign3A_696 = arith.constant 0 : i32
        %sign3A_697 = arith.cmpi slt, %jit3A_684, %sign3A_696 : i32
        %sign3A_698 = arith.extui %sign3A_697 : i1 to i32
        %sign3A_699 = arith.subi %sign3A_695, %sign3A_698 : i32
        %ne3A_700 = arith.cmpi ne, %sign3A_692, %sign3A_699 : i32
        %rem3A_701 = arith.remsi %add3A_683, %jit3A_684 : i32
        %ne3A_702 = arith.constant 0 : i32
        %ne3A_703 = arith.cmpi ne, %rem3A_701, %ne3A_702 : i32
        %and3A_704 = arith.andi %ne3A_700, %ne3A_703 : i1
        %sub3A_705 = arith.constant 1 : i32
        %sub3A_706 = arith.subi %div3A_685, %sub3A_705 : i32
        %select_n3A_707 = arith.select %and3A_704, %sub3A_706, %div3A_685 : i32
        %jit3A_708 = arith.constant 197 : i32
        %eq3A_709 = arith.constant 0 : i32
        %eq3A_710 = arith.cmpi eq, %jit3A_708, %eq3A_709 : i32
        %jit3A_711 = arith.constant 1 : i32
        %select_n3A_712 = arith.select %eq3A_710, %jit3A_711, %jit3A_708 : i32
        %rem3A_713 = arith.remsi %add3A_683, %select_n3A_712 : i32
        %ne3A_714 = arith.constant 0 : i32
        %ne3A_715 = arith.cmpi ne, %rem3A_713, %ne3A_714 : i32
        %lt3A_716 = arith.constant 0 : i32
        %lt3A_717 = arith.cmpi slt, %rem3A_713, %lt3A_716 : i32
        %lt3A_718 = arith.constant 0 : i32
        %lt3A_719 = arith.cmpi slt, %select_n3A_712, %lt3A_718 : i32
        %ne3A_720 = arith.xori %lt3A_717, %lt3A_719 : i1
        %and3A_721 = arith.andi %ne3A_720, %ne3A_715 : i1
        %add3A_722 = arith.addi %rem3A_713, %select_n3A_712 : i32
        %select_n3A_723 = arith.select %and3A_721, %add3A_722, %rem3A_713 : i32
        %lt3A_724 = arith.constant 195 : i32
        %lt3A_725 = arith.cmpi slt, %select_n3A_723, %lt3A_724 : i32
        %convert_element_type3A_726 = arith.extui %lt3A_725 : i1 to i32
        %cond3A_727 = arith.constant 0 : i32
        %cond3A_728 = arith.cmpi ne, %convert_element_type3A_726, %cond3A_727 : i32
        scf.if %cond3A_728 {
          %dma_wait3A = arith.constant 0 : i32
          %dma_wait3A_804 = arith.constant 0 : i32
          %dma_wait3A_805 = arith.constant 0 : i32
          %dma_wait3A_806 = tpu.memref_slice %arg2[%dma_wait3A, %dma_wait3A_804, %dma_wait3A_805] : memref<26x16x100000xf32, #tpu.memory_space<hbm>> -> memref<1x16x512xf32, #tpu.memory_space<hbm>>
          %dma_wait3A_807 = tpu.memref_squeeze %dma_wait3A_806 : memref<1x16x512xf32, #tpu.memory_space<hbm>> -> memref<16x512xf32, #tpu.memory_space<hbm>>
          %dma_wait3A_808 = arith.constant 0 : i32
          %dma_wait3A_809 = arith.constant 0 : i32
          %dma_wait3A_810 = tpu.memref_slice %arg2[%dma_wait3A, %dma_wait3A_808, %dma_wait3A_809] : memref<26x16x100000xf32, #tpu.memory_space<hbm>> -> memref<1x16x512xf32, #tpu.memory_space<hbm>>
          %dma_wait3A_811 = tpu.memref_squeeze %dma_wait3A_810 : memref<1x16x512xf32, #tpu.memory_space<hbm>> -> memref<16x512xf32, #tpu.memory_space<hbm>>
          tpu.wait_dma2 semaphore(%arg14 : memref<!tpu.dma_semaphore, #tpu.memory_space<semaphore_mem>>) src(%dma_wait3A_811 : memref<16x512xf32, #tpu.memory_space<hbm>>) dst(%arg6 : memref<16x512xf32, #tpu.memory_space<vmem>>)
        } else {
        }
        %ge3A = arith.constant 195 : i32
        %ge3A_729 = arith.cmpi sge, %select_n3A_723, %ge3A : i32
        %convert_element_type3A_730 = arith.extui %ge3A_729 : i1 to i32
        %cond3A_731 = arith.constant 0 : i32
        %cond3A_732 = arith.cmpi ne, %convert_element_type3A_730, %cond3A_731 : i32
        scf.if %cond3A_732 {
          %dma_wait3A = arith.constant 0 : i32
          %dma_wait3A_804 = arith.constant 0 : i32
          %dma_wait3A_805 = arith.constant 0 : i32
          %dma_wait3A_806 = tpu.memref_slice %arg6[%dma_wait3A_804, %dma_wait3A_805] : memref<16x512xf32, #tpu.memory_space<vmem>> -> memref<16x128xf32, #tpu.memory_space<vmem>>
          %dma_wait3A_807 = arith.constant 0 : i32
          %dma_wait3A_808 = arith.constant 0 : i32
          %dma_wait3A_809 = tpu.memref_slice %arg2[%dma_wait3A, %dma_wait3A_807, %dma_wait3A_808] : memref<26x16x100000xf32, #tpu.memory_space<hbm>> -> memref<1x16x128xf32, #tpu.memory_space<hbm>>
          %dma_wait3A_810 = tpu.memref_squeeze %dma_wait3A_809 : memref<1x16x128xf32, #tpu.memory_space<hbm>> -> memref<16x128xf32, #tpu.memory_space<hbm>>
          %dma_wait3A_811 = arith.constant 0 : i32
          %dma_wait3A_812 = arith.constant 0 : i32
          %dma_wait3A_813 = tpu.memref_slice %arg6[%dma_wait3A_811, %dma_wait3A_812] : memref<16x512xf32, #tpu.memory_space<vmem>> -> memref<16x128xf32, #tpu.memory_space<vmem>>
          %dma_wait3A_814 = arith.constant 0 : i32
          %dma_wait3A_815 = arith.constant 0 : i32
          %dma_wait3A_816 = tpu.memref_slice %arg2[%dma_wait3A, %dma_wait3A_814, %dma_wait3A_815] : memref<26x16x100000xf32, #tpu.memory_space<hbm>> -> memref<1x16x128xf32, #tpu.memory_space<hbm>>
          %dma_wait3A_817 = tpu.memref_squeeze %dma_wait3A_816 : memref<1x16x128xf32, #tpu.memory_space<hbm>> -> memref<16x128xf32, #tpu.memory_space<hbm>>
          tpu.wait_dma2 semaphore(%arg14 : memref<!tpu.dma_semaphore, #tpu.memory_space<semaphore_mem>>) src(%dma_wait3A_817 : memref<16x128xf32, #tpu.memory_space<hbm>>) dst(%dma_wait3A_813 : memref<16x128xf32, #tpu.memory_space<vmem>>)
        } else {
        }
        %ge3A_733 = arith.constant 4 : i32
        %ge3A_734 = arith.cmpi sge, %add3A_372, %ge3A_733 : i32
        %convert_element_type3A_735 = arith.extui %ge3A_734 : i1 to i32
        %cond3A_736 = arith.constant 0 : i32
        %cond3A_737 = arith.cmpi ne, %convert_element_type3A_735, %cond3A_736 : i32
        scf.if %cond3A_737 {
          %sub3A_804 = arith.constant 4 : i32
          %sub3A_805 = arith.subi %add3A_372, %sub3A_804 : i32
          %lt3A_806 = arith.constant 161 : i32
          %lt3A_807 = arith.cmpi slt, %sub3A_805, %lt3A_806 : i32
          %mul3A_808 = arith.constant 32 : i32
          %mul3A_809 = arith.muli %mul3A_808, %sub3A_805 : i32
          %add3A_810 = arith.addi %add3A, %mul3A_809 : i32
          %lt3A_811 = arith.constant 5122 : i32
          %lt3A_812 = arith.cmpi slt, %add3A_810, %lt3A_811 : i32
          %and3A_813 = arith.andi %lt3A_807, %lt3A_812 : i1
          %convert_element_type3A_814 = arith.extui %and3A_813 : i1 to i32
          %cond3A_815 = arith.constant 0 : i32
          %cond3A_816 = arith.cmpi ne, %convert_element_type3A_814, %cond3A_815 : i32
          scf.if %cond3A_816 {
            %mul3A_817 = arith.constant 32 : i32
            %mul3A_818 = arith.muli %mul3A_817, %sub3A_805 : i32
            %add3A_819 = arith.addi %add3A, %mul3A_818 : i32
            %jit3A_820 = arith.constant 197 : i32
            %div3A_821 = arith.divsi %add3A_819, %jit3A_820 : i32
            %sign3A_822 = arith.constant 0 : i32
            %sign3A_823 = arith.cmpi sgt, %add3A_819, %sign3A_822 : i32
            %sign3A_824 = arith.extui %sign3A_823 : i1 to i32
            %sign3A_825 = arith.constant 0 : i32
            %sign3A_826 = arith.cmpi slt, %add3A_819, %sign3A_825 : i32
            %sign3A_827 = arith.extui %sign3A_826 : i1 to i32
            %sign3A_828 = arith.subi %sign3A_824, %sign3A_827 : i32
            %sign3A_829 = arith.constant 0 : i32
            %sign3A_830 = arith.cmpi sgt, %jit3A_820, %sign3A_829 : i32
            %sign3A_831 = arith.extui %sign3A_830 : i1 to i32
            %sign3A_832 = arith.constant 0 : i32
            %sign3A_833 = arith.cmpi slt, %jit3A_820, %sign3A_832 : i32
            %sign3A_834 = arith.extui %sign3A_833 : i1 to i32
            %sign3A_835 = arith.subi %sign3A_831, %sign3A_834 : i32
            %ne3A_836 = arith.cmpi ne, %sign3A_828, %sign3A_835 : i32
            %rem3A_837 = arith.remsi %add3A_819, %jit3A_820 : i32
            %ne3A_838 = arith.constant 0 : i32
            %ne3A_839 = arith.cmpi ne, %rem3A_837, %ne3A_838 : i32
            %and3A_840 = arith.andi %ne3A_836, %ne3A_839 : i1
            %sub3A_841 = arith.constant 1 : i32
            %sub3A_842 = arith.subi %div3A_821, %sub3A_841 : i32
            %select_n3A_843 = arith.select %and3A_840, %sub3A_842, %div3A_821 : i32
            %jit3A_844 = arith.constant 197 : i32
            %eq3A_845 = arith.constant 0 : i32
            %eq3A_846 = arith.cmpi eq, %jit3A_844, %eq3A_845 : i32
            %jit3A_847 = arith.constant 1 : i32
            %select_n3A_848 = arith.select %eq3A_846, %jit3A_847, %jit3A_844 : i32
            %rem3A_849 = arith.remsi %add3A_819, %select_n3A_848 : i32
            %ne3A_850 = arith.constant 0 : i32
            %ne3A_851 = arith.cmpi ne, %rem3A_849, %ne3A_850 : i32
            %lt3A_852 = arith.constant 0 : i32
            %lt3A_853 = arith.cmpi slt, %rem3A_849, %lt3A_852 : i32
            %lt3A_854 = arith.constant 0 : i32
            %lt3A_855 = arith.cmpi slt, %select_n3A_848, %lt3A_854 : i32
            %ne3A_856 = arith.xori %lt3A_853, %lt3A_855 : i1
            %and3A_857 = arith.andi %ne3A_856, %ne3A_851 : i1
            %add3A_858 = arith.addi %rem3A_849, %select_n3A_848 : i32
            %select_n3A_859 = arith.select %and3A_857, %add3A_858, %rem3A_849 : i32
            %lt3A_860 = arith.constant 195 : i32
            %lt3A_861 = arith.cmpi slt, %select_n3A_859, %lt3A_860 : i32
            %convert_element_type3A_862 = arith.extui %lt3A_861 : i1 to i32
            %cond3A_863 = arith.constant 0 : i32
            %cond3A_864 = arith.cmpi ne, %convert_element_type3A_862, %cond3A_863 : i32
            scf.if %cond3A_864 {
              %dma_wait3A = arith.constant 0 : i32
              %dma_wait3A_870 = arith.constant 0 : i32
              %dma_wait3A_871 = arith.constant 0 : i32
              %dma_wait3A_872 = tpu.memref_slice %arg2[%dma_wait3A, %dma_wait3A_870, %dma_wait3A_871] : memref<26x16x100000xf32, #tpu.memory_space<hbm>> -> memref<1x16x512xf32, #tpu.memory_space<hbm>>
              %dma_wait3A_873 = tpu.memref_squeeze %dma_wait3A_872 : memref<1x16x512xf32, #tpu.memory_space<hbm>> -> memref<16x512xf32, #tpu.memory_space<hbm>>
              %dma_wait3A_874 = arith.constant 0 : i32
              %dma_wait3A_875 = arith.constant 0 : i32
              %dma_wait3A_876 = tpu.memref_slice %arg2[%dma_wait3A, %dma_wait3A_874, %dma_wait3A_875] : memref<26x16x100000xf32, #tpu.memory_space<hbm>> -> memref<1x16x512xf32, #tpu.memory_space<hbm>>
              %dma_wait3A_877 = tpu.memref_squeeze %dma_wait3A_876 : memref<1x16x512xf32, #tpu.memory_space<hbm>> -> memref<16x512xf32, #tpu.memory_space<hbm>>
              tpu.wait_dma2 semaphore(%arg18 : memref<!tpu.dma_semaphore, #tpu.memory_space<semaphore_mem>>) src(%dma_wait3A_877 : memref<16x512xf32, #tpu.memory_space<hbm>>) dst(%arg10 : memref<64x128xf32, #tpu.memory_space<vmem>>)
            } else {
            }
            %ge3A_865 = arith.constant 195 : i32
            %ge3A_866 = arith.cmpi sge, %select_n3A_859, %ge3A_865 : i32
            %convert_element_type3A_867 = arith.extui %ge3A_866 : i1 to i32
            %cond3A_868 = arith.constant 0 : i32
            %cond3A_869 = arith.cmpi ne, %convert_element_type3A_867, %cond3A_868 : i32
            scf.if %cond3A_869 {
              %dma_wait3A = arith.constant 0 : i32
              %dma_wait3A_870 = arith.constant 0 : i32
              %dma_wait3A_871 = arith.constant 0 : i32
              %dma_wait3A_872 = tpu.memref_slice %arg10[%dma_wait3A_870, %dma_wait3A_871] : memref<64x128xf32, #tpu.memory_space<vmem>> -> memref<16x128xf32, #tpu.memory_space<vmem>>
              %dma_wait3A_873 = arith.constant 0 : i32
              %dma_wait3A_874 = arith.constant 0 : i32
              %dma_wait3A_875 = tpu.memref_slice %arg2[%dma_wait3A, %dma_wait3A_873, %dma_wait3A_874] : memref<26x16x100000xf32, #tpu.memory_space<hbm>> -> memref<1x16x128xf32, #tpu.memory_space<hbm>>
              %dma_wait3A_876 = tpu.memref_squeeze %dma_wait3A_875 : memref<1x16x128xf32, #tpu.memory_space<hbm>> -> memref<16x128xf32, #tpu.memory_space<hbm>>
              %dma_wait3A_877 = arith.constant 0 : i32
              %dma_wait3A_878 = arith.constant 0 : i32
              %dma_wait3A_879 = tpu.memref_slice %arg10[%dma_wait3A_877, %dma_wait3A_878] : memref<64x128xf32, #tpu.memory_space<vmem>> -> memref<16x128xf32, #tpu.memory_space<vmem>>
              %dma_wait3A_880 = arith.constant 0 : i32
              %dma_wait3A_881 = arith.constant 0 : i32
              %dma_wait3A_882 = tpu.memref_slice %arg2[%dma_wait3A, %dma_wait3A_880, %dma_wait3A_881] : memref<26x16x100000xf32, #tpu.memory_space<hbm>> -> memref<1x16x128xf32, #tpu.memory_space<hbm>>
              %dma_wait3A_883 = tpu.memref_squeeze %dma_wait3A_882 : memref<1x16x128xf32, #tpu.memory_space<hbm>> -> memref<16x128xf32, #tpu.memory_space<hbm>>
              tpu.wait_dma2 semaphore(%arg18 : memref<!tpu.dma_semaphore, #tpu.memory_space<semaphore_mem>>) src(%dma_wait3A_883 : memref<16x128xf32, #tpu.memory_space<hbm>>) dst(%dma_wait3A_879 : memref<16x128xf32, #tpu.memory_space<vmem>>)
            } else {
            }
          } else {
          }
        } else {
        }
        %mul3A_738 = arith.constant 32 : i32
        %mul3A_739 = arith.muli %mul3A_738, %add3A_372 : i32
        %add3A_740 = arith.addi %add3A, %mul3A_739 : i32
        %jit3A_741 = arith.constant 197 : i32
        %div3A_742 = arith.divsi %add3A_740, %jit3A_741 : i32
        %sign3A_743 = arith.constant 0 : i32
        %sign3A_744 = arith.cmpi sgt, %add3A_740, %sign3A_743 : i32
        %sign3A_745 = arith.extui %sign3A_744 : i1 to i32
        %sign3A_746 = arith.constant 0 : i32
        %sign3A_747 = arith.cmpi slt, %add3A_740, %sign3A_746 : i32
        %sign3A_748 = arith.extui %sign3A_747 : i1 to i32
        %sign3A_749 = arith.subi %sign3A_745, %sign3A_748 : i32
        %sign3A_750 = arith.constant 0 : i32
        %sign3A_751 = arith.cmpi sgt, %jit3A_741, %sign3A_750 : i32
        %sign3A_752 = arith.extui %sign3A_751 : i1 to i32
        %sign3A_753 = arith.constant 0 : i32
        %sign3A_754 = arith.cmpi slt, %jit3A_741, %sign3A_753 : i32
        %sign3A_755 = arith.extui %sign3A_754 : i1 to i32
        %sign3A_756 = arith.subi %sign3A_752, %sign3A_755 : i32
        %ne3A_757 = arith.cmpi ne, %sign3A_749, %sign3A_756 : i32
        %rem3A_758 = arith.remsi %add3A_740, %jit3A_741 : i32
        %ne3A_759 = arith.constant 0 : i32
        %ne3A_760 = arith.cmpi ne, %rem3A_758, %ne3A_759 : i32
        %and3A_761 = arith.andi %ne3A_757, %ne3A_760 : i1
        %sub3A_762 = arith.constant 1 : i32
        %sub3A_763 = arith.subi %div3A_742, %sub3A_762 : i32
        %select_n3A_764 = arith.select %and3A_761, %sub3A_763, %div3A_742 : i32
        %jit3A_765 = arith.constant 197 : i32
        %eq3A_766 = arith.constant 0 : i32
        %eq3A_767 = arith.cmpi eq, %jit3A_765, %eq3A_766 : i32
        %jit3A_768 = arith.constant 1 : i32
        %select_n3A_769 = arith.select %eq3A_767, %jit3A_768, %jit3A_765 : i32
        %rem3A_770 = arith.remsi %add3A_740, %select_n3A_769 : i32
        %ne3A_771 = arith.constant 0 : i32
        %ne3A_772 = arith.cmpi ne, %rem3A_770, %ne3A_771 : i32
        %lt3A_773 = arith.constant 0 : i32
        %lt3A_774 = arith.cmpi slt, %rem3A_770, %lt3A_773 : i32
        %lt3A_775 = arith.constant 0 : i32
        %lt3A_776 = arith.cmpi slt, %select_n3A_769, %lt3A_775 : i32
        %ne3A_777 = arith.xori %lt3A_774, %lt3A_776 : i1
        %and3A_778 = arith.andi %ne3A_777, %ne3A_772 : i1
        %add3A_779 = arith.addi %rem3A_770, %select_n3A_769 : i32
        %select_n3A_780 = arith.select %and3A_778, %add3A_779, %rem3A_770 : i32
        %mul3A_781 = arith.constant 12512 : i32
        %mul3A_782 = arith.muli %select_n3A_764, %mul3A_781 : i32
        %lt3A_783 = arith.constant 195 : i32
        %lt3A_784 = arith.cmpi slt, %select_n3A_780, %lt3A_783 : i32
        %mul3A_785 = arith.constant 64 : i32
        %mul3A_786 = arith.muli %mul3A_785, %select_n3A_780 : i32
        %eq3A_787 = arith.constant 195 : i32
        %eq3A_788 = arith.cmpi eq, %select_n3A_780, %eq3A_787 : i32
        %jit3A_789 = arith.constant 12480 : i32
        %jit3A_790 = arith.constant 12496 : i32
        %select_n3A_791 = arith.select %eq3A_788, %jit3A_789, %jit3A_790 : i32
        %select_n3A_792 = arith.select %lt3A_784, %mul3A_786, %select_n3A_791 : i32
        %add3A_793 = arith.addi %mul3A_782, %select_n3A_792 : i32
        %lt3A_794 = arith.constant 195 : i32
        %lt3A_795 = arith.cmpi slt, %select_n3A_780, %lt3A_794 : i32
        %convert_element_type3A_796 = arith.extui %lt3A_795 : i1 to i32
        %cond3A_797 = arith.constant 0 : i32
        %cond3A_798 = arith.cmpi ne, %convert_element_type3A_796, %cond3A_797 : i32
        scf.if %cond3A_798 {
          %dma_start3A = arith.constant 0 : i32
          %dma_start3A_804 = tpu.memref_slice %arg4[%add3A_793, %dma_start3A] : memref<325312x128xf32, #tpu.memory_space<hbm>> -> memref<64x128xf32, #tpu.memory_space<hbm>>
          %dma_start3A_805 = arith.constant 0 : i32
          %dma_start3A_806 = tpu.memref_slice %arg4[%add3A_793, %dma_start3A_805] : memref<325312x128xf32, #tpu.memory_space<hbm>> -> memref<64x128xf32, #tpu.memory_space<hbm>>
          tpu.enqueue_dma source(%arg10 : memref<64x128xf32, #tpu.memory_space<vmem>>) target(%dma_start3A_806 : memref<64x128xf32, #tpu.memory_space<hbm>>) target_semaphore(%arg18 : memref<!tpu.dma_semaphore, #tpu.memory_space<semaphore_mem>>)
        } else {
        }
        %ge3A_799 = arith.constant 195 : i32
        %ge3A_800 = arith.cmpi sge, %select_n3A_780, %ge3A_799 : i32
        %convert_element_type3A_801 = arith.extui %ge3A_800 : i1 to i32
        %cond3A_802 = arith.constant 0 : i32
        %cond3A_803 = arith.cmpi ne, %convert_element_type3A_801, %cond3A_802 : i32
        scf.if %cond3A_803 {
          %dma_start3A = arith.constant 0 : i32
          %dma_start3A_804 = arith.constant 0 : i32
          %dma_start3A_805 = tpu.memref_slice %arg10[%dma_start3A, %dma_start3A_804] : memref<64x128xf32, #tpu.memory_space<vmem>> -> memref<16x128xf32, #tpu.memory_space<vmem>>
          %dma_start3A_806 = arith.constant 0 : i32
          %dma_start3A_807 = tpu.memref_slice %arg4[%add3A_793, %dma_start3A_806] : memref<325312x128xf32, #tpu.memory_space<hbm>> -> memref<16x128xf32, #tpu.memory_space<hbm>>
          %dma_start3A_808 = arith.constant 0 : i32
          %dma_start3A_809 = tpu.memref_slice %arg4[%add3A_793, %dma_start3A_808] : memref<325312x128xf32, #tpu.memory_space<hbm>> -> memref<16x128xf32, #tpu.memory_space<hbm>>
          %dma_start3A_810 = arith.constant 0 : i32
          %dma_start3A_811 = arith.constant 0 : i32
          %dma_start3A_812 = tpu.memref_slice %arg10[%dma_start3A_810, %dma_start3A_811] : memref<64x128xf32, #tpu.memory_space<vmem>> -> memref<16x128xf32, #tpu.memory_space<vmem>>
          tpu.enqueue_dma source(%dma_start3A_812 : memref<16x128xf32, #tpu.memory_space<vmem>>) target(%dma_start3A_809 : memref<16x128xf32, #tpu.memory_space<hbm>>) target_semaphore(%arg18 : memref<!tpu.dma_semaphore, #tpu.memory_space<semaphore_mem>>)
        } else {
        }
      } else {
      }
      %mul3A_473 = arith.constant 4 : i32
      %mul3A_474 = arith.muli %mul3A_473, %scan3A_264 : i32
      %add3A_475 = arith.constant 2 : i32
      %add3A_476 = arith.addi %mul3A_474, %add3A_475 : i32
      %add3A_477 = arith.constant 4 : i32
      %add3A_478 = arith.addi %add3A_476, %add3A_477 : i32
      %sub3A_479 = arith.constant 1 : i32
      %sub3A_480 = arith.subi %add3A_478, %sub3A_479 : i32
      %mul3A_481 = arith.constant 32 : i32
      %mul3A_482 = arith.muli %mul3A_481, %sub3A_480 : i32
      %add3A_483 = arith.addi %add3A, %mul3A_482 : i32
      %jit3A_484 = arith.constant 197 : i32
      %div3A_485 = arith.divsi %add3A_483, %jit3A_484 : i32
      %sign3A_486 = arith.constant 0 : i32
      %sign3A_487 = arith.cmpi sgt, %add3A_483, %sign3A_486 : i32
      %sign3A_488 = arith.extui %sign3A_487 : i1 to i32
      %sign3A_489 = arith.constant 0 : i32
      %sign3A_490 = arith.cmpi slt, %add3A_483, %sign3A_489 : i32
      %sign3A_491 = arith.extui %sign3A_490 : i1 to i32
      %sign3A_492 = arith.subi %sign3A_488, %sign3A_491 : i32
      %sign3A_493 = arith.constant 0 : i32
      %sign3A_494 = arith.cmpi sgt, %jit3A_484, %sign3A_493 : i32
      %sign3A_495 = arith.extui %sign3A_494 : i1 to i32
      %sign3A_496 = arith.constant 0 : i32
      %sign3A_497 = arith.cmpi slt, %jit3A_484, %sign3A_496 : i32
      %sign3A_498 = arith.extui %sign3A_497 : i1 to i32
      %sign3A_499 = arith.subi %sign3A_495, %sign3A_498 : i32
      %ne3A_500 = arith.cmpi ne, %sign3A_492, %sign3A_499 : i32
      %rem3A_501 = arith.remsi %add3A_483, %jit3A_484 : i32
      %ne3A_502 = arith.constant 0 : i32
      %ne3A_503 = arith.cmpi ne, %rem3A_501, %ne3A_502 : i32
      %and3A_504 = arith.andi %ne3A_500, %ne3A_503 : i1
      %sub3A_505 = arith.constant 1 : i32
      %sub3A_506 = arith.subi %div3A_485, %sub3A_505 : i32
      %select_n3A_507 = arith.select %and3A_504, %sub3A_506, %div3A_485 : i32
      %jit3A_508 = arith.constant 197 : i32
      %eq3A_509 = arith.constant 0 : i32
      %eq3A_510 = arith.cmpi eq, %jit3A_508, %eq3A_509 : i32
      %jit3A_511 = arith.constant 1 : i32
      %select_n3A_512 = arith.select %eq3A_510, %jit3A_511, %jit3A_508 : i32
      %rem3A_513 = arith.remsi %add3A_483, %select_n3A_512 : i32
      %ne3A_514 = arith.constant 0 : i32
      %ne3A_515 = arith.cmpi ne, %rem3A_513, %ne3A_514 : i32
      %lt3A_516 = arith.constant 0 : i32
      %lt3A_517 = arith.cmpi slt, %rem3A_513, %lt3A_516 : i32
      %lt3A_518 = arith.constant 0 : i32
      %lt3A_519 = arith.cmpi slt, %select_n3A_512, %lt3A_518 : i32
      %ne3A_520 = arith.xori %lt3A_517, %lt3A_519 : i1
      %and3A_521 = arith.andi %ne3A_520, %ne3A_515 : i1
      %add3A_522 = arith.addi %rem3A_513, %select_n3A_512 : i32
      %select_n3A_523 = arith.select %and3A_521, %add3A_522, %rem3A_513 : i32
      %lt3A_524 = arith.constant 161 : i32
      %lt3A_525 = arith.cmpi slt, %sub3A_480, %lt3A_524 : i32
      %mul3A_526 = arith.constant 32 : i32
      %mul3A_527 = arith.muli %mul3A_526, %sub3A_480 : i32
      %add3A_528 = arith.addi %add3A, %mul3A_527 : i32
      %lt3A_529 = arith.constant 5122 : i32
      %lt3A_530 = arith.cmpi slt, %add3A_528, %lt3A_529 : i32
      %and3A_531 = arith.andi %lt3A_525, %lt3A_530 : i1
      %lt3A_532 = arith.constant 195 : i32
      %lt3A_533 = arith.cmpi slt, %select_n3A_523, %lt3A_532 : i32
      %and3A_534 = arith.andi %and3A_531, %lt3A_533 : i1
      %convert_element_type3A_535 = arith.extui %and3A_534 : i1 to i32
      %cond3A_536 = arith.constant 0 : i32
      %cond3A_537 = arith.cmpi ne, %convert_element_type3A_535, %cond3A_536 : i32
      scf.if %cond3A_537 {
        %mul3A_681 = arith.constant 512 : i32
        %mul3A_682 = arith.muli %mul3A_681, %select_n3A_523 : i32
        %dma_start3A = arith.constant 0 : i32
        %dma_start3A_683 = tpu.memref_slice %arg2[%select_n3A_507, %dma_start3A, %mul3A_682] : memref<26x16x100000xf32, #tpu.memory_space<hbm>> -> memref<1x16x512xf32, #tpu.memory_space<hbm>>
        %dma_start3A_684 = tpu.memref_squeeze %dma_start3A_683 : memref<1x16x512xf32, #tpu.memory_space<hbm>> -> memref<16x512xf32, #tpu.memory_space<hbm>>
        %dma_start3A_685 = arith.constant 0 : i32
        %dma_start3A_686 = tpu.memref_slice %arg2[%select_n3A_507, %dma_start3A_685, %mul3A_682] : memref<26x16x100000xf32, #tpu.memory_space<hbm>> -> memref<1x16x512xf32, #tpu.memory_space<hbm>>
        %dma_start3A_687 = tpu.memref_squeeze %dma_start3A_686 : memref<1x16x512xf32, #tpu.memory_space<hbm>> -> memref<16x512xf32, #tpu.memory_space<hbm>>
        tpu.enqueue_dma source(%dma_start3A_687 : memref<16x512xf32, #tpu.memory_space<hbm>>) target(%arg6 : memref<16x512xf32, #tpu.memory_space<vmem>>) target_semaphore(%arg14 : memref<!tpu.dma_semaphore, #tpu.memory_space<semaphore_mem>>)
      } else {
      }
      %lt3A_538 = arith.constant 161 : i32
      %lt3A_539 = arith.cmpi slt, %sub3A_480, %lt3A_538 : i32
      %mul3A_540 = arith.constant 32 : i32
      %mul3A_541 = arith.muli %mul3A_540, %sub3A_480 : i32
      %add3A_542 = arith.addi %add3A, %mul3A_541 : i32
      %lt3A_543 = arith.constant 5122 : i32
      %lt3A_544 = arith.cmpi slt, %add3A_542, %lt3A_543 : i32
      %and3A_545 = arith.andi %lt3A_539, %lt3A_544 : i1
      %eq3A_546 = arith.constant 195 : i32
      %eq3A_547 = arith.cmpi eq, %select_n3A_523, %eq3A_546 : i32
      %and3A_548 = arith.andi %and3A_545, %eq3A_547 : i1
      %convert_element_type3A_549 = arith.extui %and3A_548 : i1 to i32
      %cond3A_550 = arith.constant 0 : i32
      %cond3A_551 = arith.cmpi ne, %convert_element_type3A_549, %cond3A_550 : i32
      scf.if %cond3A_551 {
        %dma_start3A = arith.constant 0 : i32
        %dma_start3A_681 = arith.constant 0 : i32
        %dma_start3A_682 = tpu.memref_slice %arg6[%dma_start3A, %dma_start3A_681] : memref<16x512xf32, #tpu.memory_space<vmem>> -> memref<16x128xf32, #tpu.memory_space<vmem>>
        %dma_start3A_683 = arith.constant 0 : i32
        %dma_start3A_684 = arith.constant 99840 : i32
        %dma_start3A_685 = tpu.memref_slice %arg2[%select_n3A_507, %dma_start3A_683, %dma_start3A_684] : memref<26x16x100000xf32, #tpu.memory_space<hbm>> -> memref<1x16x128xf32, #tpu.memory_space<hbm>>
        %dma_start3A_686 = tpu.memref_squeeze %dma_start3A_685 : memref<1x16x128xf32, #tpu.memory_space<hbm>> -> memref<16x128xf32, #tpu.memory_space<hbm>>
        %dma_start3A_687 = arith.constant 0 : i32
        %dma_start3A_688 = arith.constant 0 : i32
        %dma_start3A_689 = tpu.memref_slice %arg6[%dma_start3A_687, %dma_start3A_688] : memref<16x512xf32, #tpu.memory_space<vmem>> -> memref<16x128xf32, #tpu.memory_space<vmem>>
        %dma_start3A_690 = arith.constant 0 : i32
        %dma_start3A_691 = arith.constant 99840 : i32
        %dma_start3A_692 = tpu.memref_slice %arg2[%select_n3A_507, %dma_start3A_690, %dma_start3A_691] : memref<26x16x100000xf32, #tpu.memory_space<hbm>> -> memref<1x16x128xf32, #tpu.memory_space<hbm>>
        %dma_start3A_693 = tpu.memref_squeeze %dma_start3A_692 : memref<1x16x128xf32, #tpu.memory_space<hbm>> -> memref<16x128xf32, #tpu.memory_space<hbm>>
        tpu.enqueue_dma source(%dma_start3A_693 : memref<16x128xf32, #tpu.memory_space<hbm>>) target(%dma_start3A_689 : memref<16x128xf32, #tpu.memory_space<vmem>>) target_semaphore(%arg14 : memref<!tpu.dma_semaphore, #tpu.memory_space<semaphore_mem>>)
      } else {
      }
      %lt3A_552 = arith.constant 161 : i32
      %lt3A_553 = arith.cmpi slt, %sub3A_480, %lt3A_552 : i32
      %mul3A_554 = arith.constant 32 : i32
      %mul3A_555 = arith.muli %mul3A_554, %sub3A_480 : i32
      %add3A_556 = arith.addi %add3A, %mul3A_555 : i32
      %lt3A_557 = arith.constant 5122 : i32
      %lt3A_558 = arith.cmpi slt, %add3A_556, %lt3A_557 : i32
      %and3A_559 = arith.andi %lt3A_553, %lt3A_558 : i1
      %eq3A_560 = arith.constant 196 : i32
      %eq3A_561 = arith.cmpi eq, %select_n3A_523, %eq3A_560 : i32
      %and3A_562 = arith.andi %and3A_559, %eq3A_561 : i1
      %convert_element_type3A_563 = arith.extui %and3A_562 : i1 to i32
      %cond3A_564 = arith.constant 0 : i32
      %cond3A_565 = arith.cmpi ne, %convert_element_type3A_563, %cond3A_564 : i32
      scf.if %cond3A_565 {
        %dma_start3A = arith.constant 0 : i32
        %dma_start3A_681 = arith.constant 0 : i32
        %dma_start3A_682 = tpu.memref_slice %arg6[%dma_start3A, %dma_start3A_681] : memref<16x512xf32, #tpu.memory_space<vmem>> -> memref<16x128xf32, #tpu.memory_space<vmem>>
        %dma_start3A_683 = arith.constant 0 : i32
        %dma_start3A_684 = arith.constant 0 : i32
        %dma_start3A_685 = tpu.memref_slice %arg3[%select_n3A_507, %dma_start3A_683, %dma_start3A_684] : memref<26x16x128xf32, #tpu.memory_space<hbm>> -> memref<1x16x128xf32, #tpu.memory_space<hbm>>
        %dma_start3A_686 = tpu.memref_squeeze %dma_start3A_685 : memref<1x16x128xf32, #tpu.memory_space<hbm>> -> memref<16x128xf32, #tpu.memory_space<hbm>>
        %dma_start3A_687 = arith.constant 0 : i32
        %dma_start3A_688 = arith.constant 0 : i32
        %dma_start3A_689 = tpu.memref_slice %arg6[%dma_start3A_687, %dma_start3A_688] : memref<16x512xf32, #tpu.memory_space<vmem>> -> memref<16x128xf32, #tpu.memory_space<vmem>>
        %dma_start3A_690 = arith.constant 0 : i32
        %dma_start3A_691 = arith.constant 0 : i32
        %dma_start3A_692 = tpu.memref_slice %arg3[%select_n3A_507, %dma_start3A_690, %dma_start3A_691] : memref<26x16x128xf32, #tpu.memory_space<hbm>> -> memref<1x16x128xf32, #tpu.memory_space<hbm>>
        %dma_start3A_693 = tpu.memref_squeeze %dma_start3A_692 : memref<1x16x128xf32, #tpu.memory_space<hbm>> -> memref<16x128xf32, #tpu.memory_space<hbm>>
        tpu.enqueue_dma source(%dma_start3A_693 : memref<16x128xf32, #tpu.memory_space<hbm>>) target(%dma_start3A_689 : memref<16x128xf32, #tpu.memory_space<vmem>>) target_semaphore(%arg14 : memref<!tpu.dma_semaphore, #tpu.memory_space<semaphore_mem>>)
      } else {
      }
      %lt3A_566 = arith.constant 161 : i32
      %lt3A_567 = arith.cmpi slt, %add3A_476, %lt3A_566 : i32
      %mul3A_568 = arith.constant 32 : i32
      %mul3A_569 = arith.muli %mul3A_568, %add3A_476 : i32
      %add3A_570 = arith.addi %add3A, %mul3A_569 : i32
      %lt3A_571 = arith.constant 5122 : i32
      %lt3A_572 = arith.cmpi slt, %add3A_570, %lt3A_571 : i32
      %and3A_573 = arith.andi %lt3A_567, %lt3A_572 : i1
      %convert_element_type3A_574 = arith.extui %and3A_573 : i1 to i32
      %cond3A_575 = arith.constant 0 : i32
      %cond3A_576 = arith.cmpi ne, %convert_element_type3A_574, %cond3A_575 : i32
      scf.if %cond3A_576 {
        %mul3A_681 = arith.constant 32 : i32
        %mul3A_682 = arith.muli %mul3A_681, %add3A_476 : i32
        %add3A_683 = arith.addi %add3A, %mul3A_682 : i32
        %jit3A_684 = arith.constant 197 : i32
        %div3A_685 = arith.divsi %add3A_683, %jit3A_684 : i32
        %sign3A_686 = arith.constant 0 : i32
        %sign3A_687 = arith.cmpi sgt, %add3A_683, %sign3A_686 : i32
        %sign3A_688 = arith.extui %sign3A_687 : i1 to i32
        %sign3A_689 = arith.constant 0 : i32
        %sign3A_690 = arith.cmpi slt, %add3A_683, %sign3A_689 : i32
        %sign3A_691 = arith.extui %sign3A_690 : i1 to i32
        %sign3A_692 = arith.subi %sign3A_688, %sign3A_691 : i32
        %sign3A_693 = arith.constant 0 : i32
        %sign3A_694 = arith.cmpi sgt, %jit3A_684, %sign3A_693 : i32
        %sign3A_695 = arith.extui %sign3A_694 : i1 to i32
        %sign3A_696 = arith.constant 0 : i32
        %sign3A_697 = arith.cmpi slt, %jit3A_684, %sign3A_696 : i32
        %sign3A_698 = arith.extui %sign3A_697 : i1 to i32
        %sign3A_699 = arith.subi %sign3A_695, %sign3A_698 : i32
        %ne3A_700 = arith.cmpi ne, %sign3A_692, %sign3A_699 : i32
        %rem3A_701 = arith.remsi %add3A_683, %jit3A_684 : i32
        %ne3A_702 = arith.constant 0 : i32
        %ne3A_703 = arith.cmpi ne, %rem3A_701, %ne3A_702 : i32
        %and3A_704 = arith.andi %ne3A_700, %ne3A_703 : i1
        %sub3A_705 = arith.constant 1 : i32
        %sub3A_706 = arith.subi %div3A_685, %sub3A_705 : i32
        %select_n3A_707 = arith.select %and3A_704, %sub3A_706, %div3A_685 : i32
        %jit3A_708 = arith.constant 197 : i32
        %eq3A_709 = arith.constant 0 : i32
        %eq3A_710 = arith.cmpi eq, %jit3A_708, %eq3A_709 : i32
        %jit3A_711 = arith.constant 1 : i32
        %select_n3A_712 = arith.select %eq3A_710, %jit3A_711, %jit3A_708 : i32
        %rem3A_713 = arith.remsi %add3A_683, %select_n3A_712 : i32
        %ne3A_714 = arith.constant 0 : i32
        %ne3A_715 = arith.cmpi ne, %rem3A_713, %ne3A_714 : i32
        %lt3A_716 = arith.constant 0 : i32
        %lt3A_717 = arith.cmpi slt, %rem3A_713, %lt3A_716 : i32
        %lt3A_718 = arith.constant 0 : i32
        %lt3A_719 = arith.cmpi slt, %select_n3A_712, %lt3A_718 : i32
        %ne3A_720 = arith.xori %lt3A_717, %lt3A_719 : i1
        %and3A_721 = arith.andi %ne3A_720, %ne3A_715 : i1
        %add3A_722 = arith.addi %rem3A_713, %select_n3A_712 : i32
        %select_n3A_723 = arith.select %and3A_721, %add3A_722, %rem3A_713 : i32
        %lt3A_724 = arith.constant 195 : i32
        %lt3A_725 = arith.cmpi slt, %select_n3A_723, %lt3A_724 : i32
        %convert_element_type3A_726 = arith.extui %lt3A_725 : i1 to i32
        %cond3A_727 = arith.constant 0 : i32
        %cond3A_728 = arith.cmpi ne, %convert_element_type3A_726, %cond3A_727 : i32
        scf.if %cond3A_728 {
          %dma_wait3A = arith.constant 0 : i32
          %dma_wait3A_804 = arith.constant 0 : i32
          %dma_wait3A_805 = arith.constant 0 : i32
          %dma_wait3A_806 = tpu.memref_slice %arg2[%dma_wait3A, %dma_wait3A_804, %dma_wait3A_805] : memref<26x16x100000xf32, #tpu.memory_space<hbm>> -> memref<1x16x512xf32, #tpu.memory_space<hbm>>
          %dma_wait3A_807 = tpu.memref_squeeze %dma_wait3A_806 : memref<1x16x512xf32, #tpu.memory_space<hbm>> -> memref<16x512xf32, #tpu.memory_space<hbm>>
          %dma_wait3A_808 = arith.constant 0 : i32
          %dma_wait3A_809 = arith.constant 0 : i32
          %dma_wait3A_810 = tpu.memref_slice %arg2[%dma_wait3A, %dma_wait3A_808, %dma_wait3A_809] : memref<26x16x100000xf32, #tpu.memory_space<hbm>> -> memref<1x16x512xf32, #tpu.memory_space<hbm>>
          %dma_wait3A_811 = tpu.memref_squeeze %dma_wait3A_810 : memref<1x16x512xf32, #tpu.memory_space<hbm>> -> memref<16x512xf32, #tpu.memory_space<hbm>>
          tpu.wait_dma2 semaphore(%arg15 : memref<!tpu.dma_semaphore, #tpu.memory_space<semaphore_mem>>) src(%dma_wait3A_811 : memref<16x512xf32, #tpu.memory_space<hbm>>) dst(%arg7 : memref<16x512xf32, #tpu.memory_space<vmem>>)
        } else {
        }
        %ge3A = arith.constant 195 : i32
        %ge3A_729 = arith.cmpi sge, %select_n3A_723, %ge3A : i32
        %convert_element_type3A_730 = arith.extui %ge3A_729 : i1 to i32
        %cond3A_731 = arith.constant 0 : i32
        %cond3A_732 = arith.cmpi ne, %convert_element_type3A_730, %cond3A_731 : i32
        scf.if %cond3A_732 {
          %dma_wait3A = arith.constant 0 : i32
          %dma_wait3A_804 = arith.constant 0 : i32
          %dma_wait3A_805 = arith.constant 0 : i32
          %dma_wait3A_806 = tpu.memref_slice %arg7[%dma_wait3A_804, %dma_wait3A_805] : memref<16x512xf32, #tpu.memory_space<vmem>> -> memref<16x128xf32, #tpu.memory_space<vmem>>
          %dma_wait3A_807 = arith.constant 0 : i32
          %dma_wait3A_808 = arith.constant 0 : i32
          %dma_wait3A_809 = tpu.memref_slice %arg2[%dma_wait3A, %dma_wait3A_807, %dma_wait3A_808] : memref<26x16x100000xf32, #tpu.memory_space<hbm>> -> memref<1x16x128xf32, #tpu.memory_space<hbm>>
          %dma_wait3A_810 = tpu.memref_squeeze %dma_wait3A_809 : memref<1x16x128xf32, #tpu.memory_space<hbm>> -> memref<16x128xf32, #tpu.memory_space<hbm>>
          %dma_wait3A_811 = arith.constant 0 : i32
          %dma_wait3A_812 = arith.constant 0 : i32
          %dma_wait3A_813 = tpu.memref_slice %arg7[%dma_wait3A_811, %dma_wait3A_812] : memref<16x512xf32, #tpu.memory_space<vmem>> -> memref<16x128xf32, #tpu.memory_space<vmem>>
          %dma_wait3A_814 = arith.constant 0 : i32
          %dma_wait3A_815 = arith.constant 0 : i32
          %dma_wait3A_816 = tpu.memref_slice %arg2[%dma_wait3A, %dma_wait3A_814, %dma_wait3A_815] : memref<26x16x100000xf32, #tpu.memory_space<hbm>> -> memref<1x16x128xf32, #tpu.memory_space<hbm>>
          %dma_wait3A_817 = tpu.memref_squeeze %dma_wait3A_816 : memref<1x16x128xf32, #tpu.memory_space<hbm>> -> memref<16x128xf32, #tpu.memory_space<hbm>>
          tpu.wait_dma2 semaphore(%arg15 : memref<!tpu.dma_semaphore, #tpu.memory_space<semaphore_mem>>) src(%dma_wait3A_817 : memref<16x128xf32, #tpu.memory_space<hbm>>) dst(%dma_wait3A_813 : memref<16x128xf32, #tpu.memory_space<vmem>>)
        } else {
        }
        %ge3A_733 = arith.constant 4 : i32
        %ge3A_734 = arith.cmpi sge, %add3A_476, %ge3A_733 : i32
        %convert_element_type3A_735 = arith.extui %ge3A_734 : i1 to i32
        %cond3A_736 = arith.constant 0 : i32
        %cond3A_737 = arith.cmpi ne, %convert_element_type3A_735, %cond3A_736 : i32
        scf.if %cond3A_737 {
          %sub3A_804 = arith.constant 4 : i32
          %sub3A_805 = arith.subi %add3A_476, %sub3A_804 : i32
          %lt3A_806 = arith.constant 161 : i32
          %lt3A_807 = arith.cmpi slt, %sub3A_805, %lt3A_806 : i32
          %mul3A_808 = arith.constant 32 : i32
          %mul3A_809 = arith.muli %mul3A_808, %sub3A_805 : i32
          %add3A_810 = arith.addi %add3A, %mul3A_809 : i32
          %lt3A_811 = arith.constant 5122 : i32
          %lt3A_812 = arith.cmpi slt, %add3A_810, %lt3A_811 : i32
          %and3A_813 = arith.andi %lt3A_807, %lt3A_812 : i1
          %convert_element_type3A_814 = arith.extui %and3A_813 : i1 to i32
          %cond3A_815 = arith.constant 0 : i32
          %cond3A_816 = arith.cmpi ne, %convert_element_type3A_814, %cond3A_815 : i32
          scf.if %cond3A_816 {
            %mul3A_817 = arith.constant 32 : i32
            %mul3A_818 = arith.muli %mul3A_817, %sub3A_805 : i32
            %add3A_819 = arith.addi %add3A, %mul3A_818 : i32
            %jit3A_820 = arith.constant 197 : i32
            %div3A_821 = arith.divsi %add3A_819, %jit3A_820 : i32
            %sign3A_822 = arith.constant 0 : i32
            %sign3A_823 = arith.cmpi sgt, %add3A_819, %sign3A_822 : i32
            %sign3A_824 = arith.extui %sign3A_823 : i1 to i32
            %sign3A_825 = arith.constant 0 : i32
            %sign3A_826 = arith.cmpi slt, %add3A_819, %sign3A_825 : i32
            %sign3A_827 = arith.extui %sign3A_826 : i1 to i32
            %sign3A_828 = arith.subi %sign3A_824, %sign3A_827 : i32
            %sign3A_829 = arith.constant 0 : i32
            %sign3A_830 = arith.cmpi sgt, %jit3A_820, %sign3A_829 : i32
            %sign3A_831 = arith.extui %sign3A_830 : i1 to i32
            %sign3A_832 = arith.constant 0 : i32
            %sign3A_833 = arith.cmpi slt, %jit3A_820, %sign3A_832 : i32
            %sign3A_834 = arith.extui %sign3A_833 : i1 to i32
            %sign3A_835 = arith.subi %sign3A_831, %sign3A_834 : i32
            %ne3A_836 = arith.cmpi ne, %sign3A_828, %sign3A_835 : i32
            %rem3A_837 = arith.remsi %add3A_819, %jit3A_820 : i32
            %ne3A_838 = arith.constant 0 : i32
            %ne3A_839 = arith.cmpi ne, %rem3A_837, %ne3A_838 : i32
            %and3A_840 = arith.andi %ne3A_836, %ne3A_839 : i1
            %sub3A_841 = arith.constant 1 : i32
            %sub3A_842 = arith.subi %div3A_821, %sub3A_841 : i32
            %select_n3A_843 = arith.select %and3A_840, %sub3A_842, %div3A_821 : i32
            %jit3A_844 = arith.constant 197 : i32
            %eq3A_845 = arith.constant 0 : i32
            %eq3A_846 = arith.cmpi eq, %jit3A_844, %eq3A_845 : i32
            %jit3A_847 = arith.constant 1 : i32
            %select_n3A_848 = arith.select %eq3A_846, %jit3A_847, %jit3A_844 : i32
            %rem3A_849 = arith.remsi %add3A_819, %select_n3A_848 : i32
            %ne3A_850 = arith.constant 0 : i32
            %ne3A_851 = arith.cmpi ne, %rem3A_849, %ne3A_850 : i32
            %lt3A_852 = arith.constant 0 : i32
            %lt3A_853 = arith.cmpi slt, %rem3A_849, %lt3A_852 : i32
            %lt3A_854 = arith.constant 0 : i32
            %lt3A_855 = arith.cmpi slt, %select_n3A_848, %lt3A_854 : i32
            %ne3A_856 = arith.xori %lt3A_853, %lt3A_855 : i1
            %and3A_857 = arith.andi %ne3A_856, %ne3A_851 : i1
            %add3A_858 = arith.addi %rem3A_849, %select_n3A_848 : i32
            %select_n3A_859 = arith.select %and3A_857, %add3A_858, %rem3A_849 : i32
            %lt3A_860 = arith.constant 195 : i32
            %lt3A_861 = arith.cmpi slt, %select_n3A_859, %lt3A_860 : i32
            %convert_element_type3A_862 = arith.extui %lt3A_861 : i1 to i32
            %cond3A_863 = arith.constant 0 : i32
            %cond3A_864 = arith.cmpi ne, %convert_element_type3A_862, %cond3A_863 : i32
            scf.if %cond3A_864 {
              %dma_wait3A = arith.constant 0 : i32
              %dma_wait3A_870 = arith.constant 0 : i32
              %dma_wait3A_871 = arith.constant 0 : i32
              %dma_wait3A_872 = tpu.memref_slice %arg2[%dma_wait3A, %dma_wait3A_870, %dma_wait3A_871] : memref<26x16x100000xf32, #tpu.memory_space<hbm>> -> memref<1x16x512xf32, #tpu.memory_space<hbm>>
              %dma_wait3A_873 = tpu.memref_squeeze %dma_wait3A_872 : memref<1x16x512xf32, #tpu.memory_space<hbm>> -> memref<16x512xf32, #tpu.memory_space<hbm>>
              %dma_wait3A_874 = arith.constant 0 : i32
              %dma_wait3A_875 = arith.constant 0 : i32
              %dma_wait3A_876 = tpu.memref_slice %arg2[%dma_wait3A, %dma_wait3A_874, %dma_wait3A_875] : memref<26x16x100000xf32, #tpu.memory_space<hbm>> -> memref<1x16x512xf32, #tpu.memory_space<hbm>>
              %dma_wait3A_877 = tpu.memref_squeeze %dma_wait3A_876 : memref<1x16x512xf32, #tpu.memory_space<hbm>> -> memref<16x512xf32, #tpu.memory_space<hbm>>
              tpu.wait_dma2 semaphore(%arg19 : memref<!tpu.dma_semaphore, #tpu.memory_space<semaphore_mem>>) src(%dma_wait3A_877 : memref<16x512xf32, #tpu.memory_space<hbm>>) dst(%arg11 : memref<64x128xf32, #tpu.memory_space<vmem>>)
            } else {
            }
            %ge3A_865 = arith.constant 195 : i32
            %ge3A_866 = arith.cmpi sge, %select_n3A_859, %ge3A_865 : i32
            %convert_element_type3A_867 = arith.extui %ge3A_866 : i1 to i32
            %cond3A_868 = arith.constant 0 : i32
            %cond3A_869 = arith.cmpi ne, %convert_element_type3A_867, %cond3A_868 : i32
            scf.if %cond3A_869 {
              %dma_wait3A = arith.constant 0 : i32
              %dma_wait3A_870 = arith.constant 0 : i32
              %dma_wait3A_871 = arith.constant 0 : i32
              %dma_wait3A_872 = tpu.memref_slice %arg11[%dma_wait3A_870, %dma_wait3A_871] : memref<64x128xf32, #tpu.memory_space<vmem>> -> memref<16x128xf32, #tpu.memory_space<vmem>>
              %dma_wait3A_873 = arith.constant 0 : i32
              %dma_wait3A_874 = arith.constant 0 : i32
              %dma_wait3A_875 = tpu.memref_slice %arg2[%dma_wait3A, %dma_wait3A_873, %dma_wait3A_874] : memref<26x16x100000xf32, #tpu.memory_space<hbm>> -> memref<1x16x128xf32, #tpu.memory_space<hbm>>
              %dma_wait3A_876 = tpu.memref_squeeze %dma_wait3A_875 : memref<1x16x128xf32, #tpu.memory_space<hbm>> -> memref<16x128xf32, #tpu.memory_space<hbm>>
              %dma_wait3A_877 = arith.constant 0 : i32
              %dma_wait3A_878 = arith.constant 0 : i32
              %dma_wait3A_879 = tpu.memref_slice %arg11[%dma_wait3A_877, %dma_wait3A_878] : memref<64x128xf32, #tpu.memory_space<vmem>> -> memref<16x128xf32, #tpu.memory_space<vmem>>
              %dma_wait3A_880 = arith.constant 0 : i32
              %dma_wait3A_881 = arith.constant 0 : i32
              %dma_wait3A_882 = tpu.memref_slice %arg2[%dma_wait3A, %dma_wait3A_880, %dma_wait3A_881] : memref<26x16x100000xf32, #tpu.memory_space<hbm>> -> memref<1x16x128xf32, #tpu.memory_space<hbm>>
              %dma_wait3A_883 = tpu.memref_squeeze %dma_wait3A_882 : memref<1x16x128xf32, #tpu.memory_space<hbm>> -> memref<16x128xf32, #tpu.memory_space<hbm>>
              tpu.wait_dma2 semaphore(%arg19 : memref<!tpu.dma_semaphore, #tpu.memory_space<semaphore_mem>>) src(%dma_wait3A_883 : memref<16x128xf32, #tpu.memory_space<hbm>>) dst(%dma_wait3A_879 : memref<16x128xf32, #tpu.memory_space<vmem>>)
            } else {
            }
          } else {
          }
        } else {
        }
        %mul3A_738 = arith.constant 32 : i32
        %mul3A_739 = arith.muli %mul3A_738, %add3A_476 : i32
        %add3A_740 = arith.addi %add3A, %mul3A_739 : i32
        %jit3A_741 = arith.constant 197 : i32
        %div3A_742 = arith.divsi %add3A_740, %jit3A_741 : i32
        %sign3A_743 = arith.constant 0 : i32
        %sign3A_744 = arith.cmpi sgt, %add3A_740, %sign3A_743 : i32
        %sign3A_745 = arith.extui %sign3A_744 : i1 to i32
        %sign3A_746 = arith.constant 0 : i32
        %sign3A_747 = arith.cmpi slt, %add3A_740, %sign3A_746 : i32
        %sign3A_748 = arith.extui %sign3A_747 : i1 to i32
        %sign3A_749 = arith.subi %sign3A_745, %sign3A_748 : i32
        %sign3A_750 = arith.constant 0 : i32
        %sign3A_751 = arith.cmpi sgt, %jit3A_741, %sign3A_750 : i32
        %sign3A_752 = arith.extui %sign3A_751 : i1 to i32
        %sign3A_753 = arith.constant 0 : i32
        %sign3A_754 = arith.cmpi slt, %jit3A_741, %sign3A_753 : i32
        %sign3A_755 = arith.extui %sign3A_754 : i1 to i32
        %sign3A_756 = arith.subi %sign3A_752, %sign3A_755 : i32
        %ne3A_757 = arith.cmpi ne, %sign3A_749, %sign3A_756 : i32
        %rem3A_758 = arith.remsi %add3A_740, %jit3A_741 : i32
        %ne3A_759 = arith.constant 0 : i32
        %ne3A_760 = arith.cmpi ne, %rem3A_758, %ne3A_759 : i32
        %and3A_761 = arith.andi %ne3A_757, %ne3A_760 : i1
        %sub3A_762 = arith.constant 1 : i32
        %sub3A_763 = arith.subi %div3A_742, %sub3A_762 : i32
        %select_n3A_764 = arith.select %and3A_761, %sub3A_763, %div3A_742 : i32
        %jit3A_765 = arith.constant 197 : i32
        %eq3A_766 = arith.constant 0 : i32
        %eq3A_767 = arith.cmpi eq, %jit3A_765, %eq3A_766 : i32
        %jit3A_768 = arith.constant 1 : i32
        %select_n3A_769 = arith.select %eq3A_767, %jit3A_768, %jit3A_765 : i32
        %rem3A_770 = arith.remsi %add3A_740, %select_n3A_769 : i32
        %ne3A_771 = arith.constant 0 : i32
        %ne3A_772 = arith.cmpi ne, %rem3A_770, %ne3A_771 : i32
        %lt3A_773 = arith.constant 0 : i32
        %lt3A_774 = arith.cmpi slt, %rem3A_770, %lt3A_773 : i32
        %lt3A_775 = arith.constant 0 : i32
        %lt3A_776 = arith.cmpi slt, %select_n3A_769, %lt3A_775 : i32
        %ne3A_777 = arith.xori %lt3A_774, %lt3A_776 : i1
        %and3A_778 = arith.andi %ne3A_777, %ne3A_772 : i1
        %add3A_779 = arith.addi %rem3A_770, %select_n3A_769 : i32
        %select_n3A_780 = arith.select %and3A_778, %add3A_779, %rem3A_770 : i32
        %mul3A_781 = arith.constant 12512 : i32
        %mul3A_782 = arith.muli %select_n3A_764, %mul3A_781 : i32
        %lt3A_783 = arith.constant 195 : i32
        %lt3A_784 = arith.cmpi slt, %select_n3A_780, %lt3A_783 : i32
        %mul3A_785 = arith.constant 64 : i32
        %mul3A_786 = arith.muli %mul3A_785, %select_n3A_780 : i32
        %eq3A_787 = arith.constant 195 : i32
        %eq3A_788 = arith.cmpi eq, %select_n3A_780, %eq3A_787 : i32
        %jit3A_789 = arith.constant 12480 : i32
        %jit3A_790 = arith.constant 12496 : i32
        %select_n3A_791 = arith.select %eq3A_788, %jit3A_789, %jit3A_790 : i32
        %select_n3A_792 = arith.select %lt3A_784, %mul3A_786, %select_n3A_791 : i32
        %add3A_793 = arith.addi %mul3A_782, %select_n3A_792 : i32
        %lt3A_794 = arith.constant 195 : i32
        %lt3A_795 = arith.cmpi slt, %select_n3A_780, %lt3A_794 : i32
        %convert_element_type3A_796 = arith.extui %lt3A_795 : i1 to i32
        %cond3A_797 = arith.constant 0 : i32
        %cond3A_798 = arith.cmpi ne, %convert_element_type3A_796, %cond3A_797 : i32
        scf.if %cond3A_798 {
          %dma_start3A = arith.constant 0 : i32
          %dma_start3A_804 = tpu.memref_slice %arg4[%add3A_793, %dma_start3A] : memref<325312x128xf32, #tpu.memory_space<hbm>> -> memref<64x128xf32, #tpu.memory_space<hbm>>
          %dma_start3A_805 = arith.constant 0 : i32
          %dma_start3A_806 = tpu.memref_slice %arg4[%add3A_793, %dma_start3A_805] : memref<325312x128xf32, #tpu.memory_space<hbm>> -> memref<64x128xf32, #tpu.memory_space<hbm>>
          tpu.enqueue_dma source(%arg11 : memref<64x128xf32, #tpu.memory_space<vmem>>) target(%dma_start3A_806 : memref<64x128xf32, #tpu.memory_space<hbm>>) target_semaphore(%arg19 : memref<!tpu.dma_semaphore, #tpu.memory_space<semaphore_mem>>)
        } else {
        }
        %ge3A_799 = arith.constant 195 : i32
        %ge3A_800 = arith.cmpi sge, %select_n3A_780, %ge3A_799 : i32
        %convert_element_type3A_801 = arith.extui %ge3A_800 : i1 to i32
        %cond3A_802 = arith.constant 0 : i32
        %cond3A_803 = arith.cmpi ne, %convert_element_type3A_801, %cond3A_802 : i32
        scf.if %cond3A_803 {
          %dma_start3A = arith.constant 0 : i32
          %dma_start3A_804 = arith.constant 0 : i32
          %dma_start3A_805 = tpu.memref_slice %arg11[%dma_start3A, %dma_start3A_804] : memref<64x128xf32, #tpu.memory_space<vmem>> -> memref<16x128xf32, #tpu.memory_space<vmem>>
          %dma_start3A_806 = arith.constant 0 : i32
          %dma_start3A_807 = tpu.memref_slice %arg4[%add3A_793, %dma_start3A_806] : memref<325312x128xf32, #tpu.memory_space<hbm>> -> memref<16x128xf32, #tpu.memory_space<hbm>>
          %dma_start3A_808 = arith.constant 0 : i32
          %dma_start3A_809 = tpu.memref_slice %arg4[%add3A_793, %dma_start3A_808] : memref<325312x128xf32, #tpu.memory_space<hbm>> -> memref<16x128xf32, #tpu.memory_space<hbm>>
          %dma_start3A_810 = arith.constant 0 : i32
          %dma_start3A_811 = arith.constant 0 : i32
          %dma_start3A_812 = tpu.memref_slice %arg11[%dma_start3A_810, %dma_start3A_811] : memref<64x128xf32, #tpu.memory_space<vmem>> -> memref<16x128xf32, #tpu.memory_space<vmem>>
          tpu.enqueue_dma source(%dma_start3A_812 : memref<16x128xf32, #tpu.memory_space<vmem>>) target(%dma_start3A_809 : memref<16x128xf32, #tpu.memory_space<hbm>>) target_semaphore(%arg19 : memref<!tpu.dma_semaphore, #tpu.memory_space<semaphore_mem>>)
        } else {
        }
      } else {
      }
      %mul3A_577 = arith.constant 4 : i32
      %mul3A_578 = arith.muli %mul3A_577, %scan3A_264 : i32
      %add3A_579 = arith.constant 3 : i32
      %add3A_580 = arith.addi %mul3A_578, %add3A_579 : i32
      %add3A_581 = arith.constant 4 : i32
      %add3A_582 = arith.addi %add3A_580, %add3A_581 : i32
      %sub3A_583 = arith.constant 1 : i32
      %sub3A_584 = arith.subi %add3A_582, %sub3A_583 : i32
      %mul3A_585 = arith.constant 32 : i32
      %mul3A_586 = arith.muli %mul3A_585, %sub3A_584 : i32
      %add3A_587 = arith.addi %add3A, %mul3A_586 : i32
      %jit3A_588 = arith.constant 197 : i32
      %div3A_589 = arith.divsi %add3A_587, %jit3A_588 : i32
      %sign3A_590 = arith.constant 0 : i32
      %sign3A_591 = arith.cmpi sgt, %add3A_587, %sign3A_590 : i32
      %sign3A_592 = arith.extui %sign3A_591 : i1 to i32
      %sign3A_593 = arith.constant 0 : i32
      %sign3A_594 = arith.cmpi slt, %add3A_587, %sign3A_593 : i32
      %sign3A_595 = arith.extui %sign3A_594 : i1 to i32
      %sign3A_596 = arith.subi %sign3A_592, %sign3A_595 : i32
      %sign3A_597 = arith.constant 0 : i32
      %sign3A_598 = arith.cmpi sgt, %jit3A_588, %sign3A_597 : i32
      %sign3A_599 = arith.extui %sign3A_598 : i1 to i32
      %sign3A_600 = arith.constant 0 : i32
      %sign3A_601 = arith.cmpi slt, %jit3A_588, %sign3A_600 : i32
      %sign3A_602 = arith.extui %sign3A_601 : i1 to i32
      %sign3A_603 = arith.subi %sign3A_599, %sign3A_602 : i32
      %ne3A_604 = arith.cmpi ne, %sign3A_596, %sign3A_603 : i32
      %rem3A_605 = arith.remsi %add3A_587, %jit3A_588 : i32
      %ne3A_606 = arith.constant 0 : i32
      %ne3A_607 = arith.cmpi ne, %rem3A_605, %ne3A_606 : i32
      %and3A_608 = arith.andi %ne3A_604, %ne3A_607 : i1
      %sub3A_609 = arith.constant 1 : i32
      %sub3A_610 = arith.subi %div3A_589, %sub3A_609 : i32
      %select_n3A_611 = arith.select %and3A_608, %sub3A_610, %div3A_589 : i32
      %jit3A_612 = arith.constant 197 : i32
      %eq3A_613 = arith.constant 0 : i32
      %eq3A_614 = arith.cmpi eq, %jit3A_612, %eq3A_613 : i32
      %jit3A_615 = arith.constant 1 : i32
      %select_n3A_616 = arith.select %eq3A_614, %jit3A_615, %jit3A_612 : i32
      %rem3A_617 = arith.remsi %add3A_587, %select_n3A_616 : i32
      %ne3A_618 = arith.constant 0 : i32
      %ne3A_619 = arith.cmpi ne, %rem3A_617, %ne3A_618 : i32
      %lt3A_620 = arith.constant 0 : i32
      %lt3A_621 = arith.cmpi slt, %rem3A_617, %lt3A_620 : i32
      %lt3A_622 = arith.constant 0 : i32
      %lt3A_623 = arith.cmpi slt, %select_n3A_616, %lt3A_622 : i32
      %ne3A_624 = arith.xori %lt3A_621, %lt3A_623 : i1
      %and3A_625 = arith.andi %ne3A_624, %ne3A_619 : i1
      %add3A_626 = arith.addi %rem3A_617, %select_n3A_616 : i32
      %select_n3A_627 = arith.select %and3A_625, %add3A_626, %rem3A_617 : i32
      %lt3A_628 = arith.constant 161 : i32
      %lt3A_629 = arith.cmpi slt, %sub3A_584, %lt3A_628 : i32
      %mul3A_630 = arith.constant 32 : i32
      %mul3A_631 = arith.muli %mul3A_630, %sub3A_584 : i32
      %add3A_632 = arith.addi %add3A, %mul3A_631 : i32
      %lt3A_633 = arith.constant 5122 : i32
      %lt3A_634 = arith.cmpi slt, %add3A_632, %lt3A_633 : i32
      %and3A_635 = arith.andi %lt3A_629, %lt3A_634 : i1
      %lt3A_636 = arith.constant 195 : i32
      %lt3A_637 = arith.cmpi slt, %select_n3A_627, %lt3A_636 : i32
      %and3A_638 = arith.andi %and3A_635, %lt3A_637 : i1
      %convert_element_type3A_639 = arith.extui %and3A_638 : i1 to i32
      %cond3A_640 = arith.constant 0 : i32
      %cond3A_641 = arith.cmpi ne, %convert_element_type3A_639, %cond3A_640 : i32
      scf.if %cond3A_641 {
        %mul3A_681 = arith.constant 512 : i32
        %mul3A_682 = arith.muli %mul3A_681, %select_n3A_627 : i32
        %dma_start3A = arith.constant 0 : i32
        %dma_start3A_683 = tpu.memref_slice %arg2[%select_n3A_611, %dma_start3A, %mul3A_682] : memref<26x16x100000xf32, #tpu.memory_space<hbm>> -> memref<1x16x512xf32, #tpu.memory_space<hbm>>
        %dma_start3A_684 = tpu.memref_squeeze %dma_start3A_683 : memref<1x16x512xf32, #tpu.memory_space<hbm>> -> memref<16x512xf32, #tpu.memory_space<hbm>>
        %dma_start3A_685 = arith.constant 0 : i32
        %dma_start3A_686 = tpu.memref_slice %arg2[%select_n3A_611, %dma_start3A_685, %mul3A_682] : memref<26x16x100000xf32, #tpu.memory_space<hbm>> -> memref<1x16x512xf32, #tpu.memory_space<hbm>>
        %dma_start3A_687 = tpu.memref_squeeze %dma_start3A_686 : memref<1x16x512xf32, #tpu.memory_space<hbm>> -> memref<16x512xf32, #tpu.memory_space<hbm>>
        tpu.enqueue_dma source(%dma_start3A_687 : memref<16x512xf32, #tpu.memory_space<hbm>>) target(%arg7 : memref<16x512xf32, #tpu.memory_space<vmem>>) target_semaphore(%arg15 : memref<!tpu.dma_semaphore, #tpu.memory_space<semaphore_mem>>)
      } else {
      }
      %lt3A_642 = arith.constant 161 : i32
      %lt3A_643 = arith.cmpi slt, %sub3A_584, %lt3A_642 : i32
      %mul3A_644 = arith.constant 32 : i32
      %mul3A_645 = arith.muli %mul3A_644, %sub3A_584 : i32
      %add3A_646 = arith.addi %add3A, %mul3A_645 : i32
      %lt3A_647 = arith.constant 5122 : i32
      %lt3A_648 = arith.cmpi slt, %add3A_646, %lt3A_647 : i32
      %and3A_649 = arith.andi %lt3A_643, %lt3A_648 : i1
      %eq3A_650 = arith.constant 195 : i32
      %eq3A_651 = arith.cmpi eq, %select_n3A_627, %eq3A_650 : i32
      %and3A_652 = arith.andi %and3A_649, %eq3A_651 : i1
      %convert_element_type3A_653 = arith.extui %and3A_652 : i1 to i32
      %cond3A_654 = arith.constant 0 : i32
      %cond3A_655 = arith.cmpi ne, %convert_element_type3A_653, %cond3A_654 : i32
      scf.if %cond3A_655 {
        %dma_start3A = arith.constant 0 : i32
        %dma_start3A_681 = arith.constant 0 : i32
        %dma_start3A_682 = tpu.memref_slice %arg7[%dma_start3A, %dma_start3A_681] : memref<16x512xf32, #tpu.memory_space<vmem>> -> memref<16x128xf32, #tpu.memory_space<vmem>>
        %dma_start3A_683 = arith.constant 0 : i32
        %dma_start3A_684 = arith.constant 99840 : i32
        %dma_start3A_685 = tpu.memref_slice %arg2[%select_n3A_611, %dma_start3A_683, %dma_start3A_684] : memref<26x16x100000xf32, #tpu.memory_space<hbm>> -> memref<1x16x128xf32, #tpu.memory_space<hbm>>
        %dma_start3A_686 = tpu.memref_squeeze %dma_start3A_685 : memref<1x16x128xf32, #tpu.memory_space<hbm>> -> memref<16x128xf32, #tpu.memory_space<hbm>>
        %dma_start3A_687 = arith.constant 0 : i32
        %dma_start3A_688 = arith.constant 0 : i32
        %dma_start3A_689 = tpu.memref_slice %arg7[%dma_start3A_687, %dma_start3A_688] : memref<16x512xf32, #tpu.memory_space<vmem>> -> memref<16x128xf32, #tpu.memory_space<vmem>>
        %dma_start3A_690 = arith.constant 0 : i32
        %dma_start3A_691 = arith.constant 99840 : i32
        %dma_start3A_692 = tpu.memref_slice %arg2[%select_n3A_611, %dma_start3A_690, %dma_start3A_691] : memref<26x16x100000xf32, #tpu.memory_space<hbm>> -> memref<1x16x128xf32, #tpu.memory_space<hbm>>
        %dma_start3A_693 = tpu.memref_squeeze %dma_start3A_692 : memref<1x16x128xf32, #tpu.memory_space<hbm>> -> memref<16x128xf32, #tpu.memory_space<hbm>>
        tpu.enqueue_dma source(%dma_start3A_693 : memref<16x128xf32, #tpu.memory_space<hbm>>) target(%dma_start3A_689 : memref<16x128xf32, #tpu.memory_space<vmem>>) target_semaphore(%arg15 : memref<!tpu.dma_semaphore, #tpu.memory_space<semaphore_mem>>)
      } else {
      }
      %lt3A_656 = arith.constant 161 : i32
      %lt3A_657 = arith.cmpi slt, %sub3A_584, %lt3A_656 : i32
      %mul3A_658 = arith.constant 32 : i32
      %mul3A_659 = arith.muli %mul3A_658, %sub3A_584 : i32
      %add3A_660 = arith.addi %add3A, %mul3A_659 : i32
      %lt3A_661 = arith.constant 5122 : i32
      %lt3A_662 = arith.cmpi slt, %add3A_660, %lt3A_661 : i32
      %and3A_663 = arith.andi %lt3A_657, %lt3A_662 : i1
      %eq3A_664 = arith.constant 196 : i32
      %eq3A_665 = arith.cmpi eq, %select_n3A_627, %eq3A_664 : i32
      %and3A_666 = arith.andi %and3A_663, %eq3A_665 : i1
      %convert_element_type3A_667 = arith.extui %and3A_666 : i1 to i32
      %cond3A_668 = arith.constant 0 : i32
      %cond3A_669 = arith.cmpi ne, %convert_element_type3A_667, %cond3A_668 : i32
      scf.if %cond3A_669 {
        %dma_start3A = arith.constant 0 : i32
        %dma_start3A_681 = arith.constant 0 : i32
        %dma_start3A_682 = tpu.memref_slice %arg7[%dma_start3A, %dma_start3A_681] : memref<16x512xf32, #tpu.memory_space<vmem>> -> memref<16x128xf32, #tpu.memory_space<vmem>>
        %dma_start3A_683 = arith.constant 0 : i32
        %dma_start3A_684 = arith.constant 0 : i32
        %dma_start3A_685 = tpu.memref_slice %arg3[%select_n3A_611, %dma_start3A_683, %dma_start3A_684] : memref<26x16x128xf32, #tpu.memory_space<hbm>> -> memref<1x16x128xf32, #tpu.memory_space<hbm>>
        %dma_start3A_686 = tpu.memref_squeeze %dma_start3A_685 : memref<1x16x128xf32, #tpu.memory_space<hbm>> -> memref<16x128xf32, #tpu.memory_space<hbm>>
        %dma_start3A_687 = arith.constant 0 : i32
        %dma_start3A_688 = arith.constant 0 : i32
        %dma_start3A_689 = tpu.memref_slice %arg7[%dma_start3A_687, %dma_start3A_688] : memref<16x512xf32, #tpu.memory_space<vmem>> -> memref<16x128xf32, #tpu.memory_space<vmem>>
        %dma_start3A_690 = arith.constant 0 : i32
        %dma_start3A_691 = arith.constant 0 : i32
        %dma_start3A_692 = tpu.memref_slice %arg3[%select_n3A_611, %dma_start3A_690, %dma_start3A_691] : memref<26x16x128xf32, #tpu.memory_space<hbm>> -> memref<1x16x128xf32, #tpu.memory_space<hbm>>
        %dma_start3A_693 = tpu.memref_squeeze %dma_start3A_692 : memref<1x16x128xf32, #tpu.memory_space<hbm>> -> memref<16x128xf32, #tpu.memory_space<hbm>>
        tpu.enqueue_dma source(%dma_start3A_693 : memref<16x128xf32, #tpu.memory_space<hbm>>) target(%dma_start3A_689 : memref<16x128xf32, #tpu.memory_space<vmem>>) target_semaphore(%arg15 : memref<!tpu.dma_semaphore, #tpu.memory_space<semaphore_mem>>)
      } else {
      }
      %lt3A_670 = arith.constant 161 : i32
      %lt3A_671 = arith.cmpi slt, %add3A_580, %lt3A_670 : i32
      %mul3A_672 = arith.constant 32 : i32
      %mul3A_673 = arith.muli %mul3A_672, %add3A_580 : i32
      %add3A_674 = arith.addi %add3A, %mul3A_673 : i32
      %lt3A_675 = arith.constant 5122 : i32
      %lt3A_676 = arith.cmpi slt, %add3A_674, %lt3A_675 : i32
      %and3A_677 = arith.andi %lt3A_671, %lt3A_676 : i1
      %convert_element_type3A_678 = arith.extui %and3A_677 : i1 to i32
      %cond3A_679 = arith.constant 0 : i32
      %cond3A_680 = arith.cmpi ne, %convert_element_type3A_678, %cond3A_679 : i32
      scf.if %cond3A_680 {
        %mul3A_681 = arith.constant 32 : i32
        %mul3A_682 = arith.muli %mul3A_681, %add3A_580 : i32
        %add3A_683 = arith.addi %add3A, %mul3A_682 : i32
        %jit3A_684 = arith.constant 197 : i32
        %div3A_685 = arith.divsi %add3A_683, %jit3A_684 : i32
        %sign3A_686 = arith.constant 0 : i32
        %sign3A_687 = arith.cmpi sgt, %add3A_683, %sign3A_686 : i32
        %sign3A_688 = arith.extui %sign3A_687 : i1 to i32
        %sign3A_689 = arith.constant 0 : i32
        %sign3A_690 = arith.cmpi slt, %add3A_683, %sign3A_689 : i32
        %sign3A_691 = arith.extui %sign3A_690 : i1 to i32
        %sign3A_692 = arith.subi %sign3A_688, %sign3A_691 : i32
        %sign3A_693 = arith.constant 0 : i32
        %sign3A_694 = arith.cmpi sgt, %jit3A_684, %sign3A_693 : i32
        %sign3A_695 = arith.extui %sign3A_694 : i1 to i32
        %sign3A_696 = arith.constant 0 : i32
        %sign3A_697 = arith.cmpi slt, %jit3A_684, %sign3A_696 : i32
        %sign3A_698 = arith.extui %sign3A_697 : i1 to i32
        %sign3A_699 = arith.subi %sign3A_695, %sign3A_698 : i32
        %ne3A_700 = arith.cmpi ne, %sign3A_692, %sign3A_699 : i32
        %rem3A_701 = arith.remsi %add3A_683, %jit3A_684 : i32
        %ne3A_702 = arith.constant 0 : i32
        %ne3A_703 = arith.cmpi ne, %rem3A_701, %ne3A_702 : i32
        %and3A_704 = arith.andi %ne3A_700, %ne3A_703 : i1
        %sub3A_705 = arith.constant 1 : i32
        %sub3A_706 = arith.subi %div3A_685, %sub3A_705 : i32
        %select_n3A_707 = arith.select %and3A_704, %sub3A_706, %div3A_685 : i32
        %jit3A_708 = arith.constant 197 : i32
        %eq3A_709 = arith.constant 0 : i32
        %eq3A_710 = arith.cmpi eq, %jit3A_708, %eq3A_709 : i32
        %jit3A_711 = arith.constant 1 : i32
        %select_n3A_712 = arith.select %eq3A_710, %jit3A_711, %jit3A_708 : i32
        %rem3A_713 = arith.remsi %add3A_683, %select_n3A_712 : i32
        %ne3A_714 = arith.constant 0 : i32
        %ne3A_715 = arith.cmpi ne, %rem3A_713, %ne3A_714 : i32
        %lt3A_716 = arith.constant 0 : i32
        %lt3A_717 = arith.cmpi slt, %rem3A_713, %lt3A_716 : i32
        %lt3A_718 = arith.constant 0 : i32
        %lt3A_719 = arith.cmpi slt, %select_n3A_712, %lt3A_718 : i32
        %ne3A_720 = arith.xori %lt3A_717, %lt3A_719 : i1
        %and3A_721 = arith.andi %ne3A_720, %ne3A_715 : i1
        %add3A_722 = arith.addi %rem3A_713, %select_n3A_712 : i32
        %select_n3A_723 = arith.select %and3A_721, %add3A_722, %rem3A_713 : i32
        %lt3A_724 = arith.constant 195 : i32
        %lt3A_725 = arith.cmpi slt, %select_n3A_723, %lt3A_724 : i32
        %convert_element_type3A_726 = arith.extui %lt3A_725 : i1 to i32
        %cond3A_727 = arith.constant 0 : i32
        %cond3A_728 = arith.cmpi ne, %convert_element_type3A_726, %cond3A_727 : i32
        scf.if %cond3A_728 {
          %dma_wait3A = arith.constant 0 : i32
          %dma_wait3A_804 = arith.constant 0 : i32
          %dma_wait3A_805 = arith.constant 0 : i32
          %dma_wait3A_806 = tpu.memref_slice %arg2[%dma_wait3A, %dma_wait3A_804, %dma_wait3A_805] : memref<26x16x100000xf32, #tpu.memory_space<hbm>> -> memref<1x16x512xf32, #tpu.memory_space<hbm>>
          %dma_wait3A_807 = tpu.memref_squeeze %dma_wait3A_806 : memref<1x16x512xf32, #tpu.memory_space<hbm>> -> memref<16x512xf32, #tpu.memory_space<hbm>>
          %dma_wait3A_808 = arith.constant 0 : i32
          %dma_wait3A_809 = arith.constant 0 : i32
          %dma_wait3A_810 = tpu.memref_slice %arg2[%dma_wait3A, %dma_wait3A_808, %dma_wait3A_809] : memref<26x16x100000xf32, #tpu.memory_space<hbm>> -> memref<1x16x512xf32, #tpu.memory_space<hbm>>
          %dma_wait3A_811 = tpu.memref_squeeze %dma_wait3A_810 : memref<1x16x512xf32, #tpu.memory_space<hbm>> -> memref<16x512xf32, #tpu.memory_space<hbm>>
          tpu.wait_dma2 semaphore(%arg16 : memref<!tpu.dma_semaphore, #tpu.memory_space<semaphore_mem>>) src(%dma_wait3A_811 : memref<16x512xf32, #tpu.memory_space<hbm>>) dst(%arg8 : memref<16x512xf32, #tpu.memory_space<vmem>>)
        } else {
        }
        %ge3A = arith.constant 195 : i32
        %ge3A_729 = arith.cmpi sge, %select_n3A_723, %ge3A : i32
        %convert_element_type3A_730 = arith.extui %ge3A_729 : i1 to i32
        %cond3A_731 = arith.constant 0 : i32
        %cond3A_732 = arith.cmpi ne, %convert_element_type3A_730, %cond3A_731 : i32
        scf.if %cond3A_732 {
          %dma_wait3A = arith.constant 0 : i32
          %dma_wait3A_804 = arith.constant 0 : i32
          %dma_wait3A_805 = arith.constant 0 : i32
          %dma_wait3A_806 = tpu.memref_slice %arg8[%dma_wait3A_804, %dma_wait3A_805] : memref<16x512xf32, #tpu.memory_space<vmem>> -> memref<16x128xf32, #tpu.memory_space<vmem>>
          %dma_wait3A_807 = arith.constant 0 : i32
          %dma_wait3A_808 = arith.constant 0 : i32
          %dma_wait3A_809 = tpu.memref_slice %arg2[%dma_wait3A, %dma_wait3A_807, %dma_wait3A_808] : memref<26x16x100000xf32, #tpu.memory_space<hbm>> -> memref<1x16x128xf32, #tpu.memory_space<hbm>>
          %dma_wait3A_810 = tpu.memref_squeeze %dma_wait3A_809 : memref<1x16x128xf32, #tpu.memory_space<hbm>> -> memref<16x128xf32, #tpu.memory_space<hbm>>
          %dma_wait3A_811 = arith.constant 0 : i32
          %dma_wait3A_812 = arith.constant 0 : i32
          %dma_wait3A_813 = tpu.memref_slice %arg8[%dma_wait3A_811, %dma_wait3A_812] : memref<16x512xf32, #tpu.memory_space<vmem>> -> memref<16x128xf32, #tpu.memory_space<vmem>>
          %dma_wait3A_814 = arith.constant 0 : i32
          %dma_wait3A_815 = arith.constant 0 : i32
          %dma_wait3A_816 = tpu.memref_slice %arg2[%dma_wait3A, %dma_wait3A_814, %dma_wait3A_815] : memref<26x16x100000xf32, #tpu.memory_space<hbm>> -> memref<1x16x128xf32, #tpu.memory_space<hbm>>
          %dma_wait3A_817 = tpu.memref_squeeze %dma_wait3A_816 : memref<1x16x128xf32, #tpu.memory_space<hbm>> -> memref<16x128xf32, #tpu.memory_space<hbm>>
          tpu.wait_dma2 semaphore(%arg16 : memref<!tpu.dma_semaphore, #tpu.memory_space<semaphore_mem>>) src(%dma_wait3A_817 : memref<16x128xf32, #tpu.memory_space<hbm>>) dst(%dma_wait3A_813 : memref<16x128xf32, #tpu.memory_space<vmem>>)
        } else {
        }
        %ge3A_733 = arith.constant 4 : i32
        %ge3A_734 = arith.cmpi sge, %add3A_580, %ge3A_733 : i32
        %convert_element_type3A_735 = arith.extui %ge3A_734 : i1 to i32
        %cond3A_736 = arith.constant 0 : i32
        %cond3A_737 = arith.cmpi ne, %convert_element_type3A_735, %cond3A_736 : i32
        scf.if %cond3A_737 {
          %sub3A_804 = arith.constant 4 : i32
          %sub3A_805 = arith.subi %add3A_580, %sub3A_804 : i32
          %lt3A_806 = arith.constant 161 : i32
          %lt3A_807 = arith.cmpi slt, %sub3A_805, %lt3A_806 : i32
          %mul3A_808 = arith.constant 32 : i32
          %mul3A_809 = arith.muli %mul3A_808, %sub3A_805 : i32
          %add3A_810 = arith.addi %add3A, %mul3A_809 : i32
          %lt3A_811 = arith.constant 5122 : i32
          %lt3A_812 = arith.cmpi slt, %add3A_810, %lt3A_811 : i32
          %and3A_813 = arith.andi %lt3A_807, %lt3A_812 : i1
          %convert_element_type3A_814 = arith.extui %and3A_813 : i1 to i32
          %cond3A_815 = arith.constant 0 : i32
          %cond3A_816 = arith.cmpi ne, %convert_element_type3A_814, %cond3A_815 : i32
          scf.if %cond3A_816 {
            %mul3A_817 = arith.constant 32 : i32
            %mul3A_818 = arith.muli %mul3A_817, %sub3A_805 : i32
            %add3A_819 = arith.addi %add3A, %mul3A_818 : i32
            %jit3A_820 = arith.constant 197 : i32
            %div3A_821 = arith.divsi %add3A_819, %jit3A_820 : i32
            %sign3A_822 = arith.constant 0 : i32
            %sign3A_823 = arith.cmpi sgt, %add3A_819, %sign3A_822 : i32
            %sign3A_824 = arith.extui %sign3A_823 : i1 to i32
            %sign3A_825 = arith.constant 0 : i32
            %sign3A_826 = arith.cmpi slt, %add3A_819, %sign3A_825 : i32
            %sign3A_827 = arith.extui %sign3A_826 : i1 to i32
            %sign3A_828 = arith.subi %sign3A_824, %sign3A_827 : i32
            %sign3A_829 = arith.constant 0 : i32
            %sign3A_830 = arith.cmpi sgt, %jit3A_820, %sign3A_829 : i32
            %sign3A_831 = arith.extui %sign3A_830 : i1 to i32
            %sign3A_832 = arith.constant 0 : i32
            %sign3A_833 = arith.cmpi slt, %jit3A_820, %sign3A_832 : i32
            %sign3A_834 = arith.extui %sign3A_833 : i1 to i32
            %sign3A_835 = arith.subi %sign3A_831, %sign3A_834 : i32
            %ne3A_836 = arith.cmpi ne, %sign3A_828, %sign3A_835 : i32
            %rem3A_837 = arith.remsi %add3A_819, %jit3A_820 : i32
            %ne3A_838 = arith.constant 0 : i32
            %ne3A_839 = arith.cmpi ne, %rem3A_837, %ne3A_838 : i32
            %and3A_840 = arith.andi %ne3A_836, %ne3A_839 : i1
            %sub3A_841 = arith.constant 1 : i32
            %sub3A_842 = arith.subi %div3A_821, %sub3A_841 : i32
            %select_n3A_843 = arith.select %and3A_840, %sub3A_842, %div3A_821 : i32
            %jit3A_844 = arith.constant 197 : i32
            %eq3A_845 = arith.constant 0 : i32
            %eq3A_846 = arith.cmpi eq, %jit3A_844, %eq3A_845 : i32
            %jit3A_847 = arith.constant 1 : i32
            %select_n3A_848 = arith.select %eq3A_846, %jit3A_847, %jit3A_844 : i32
            %rem3A_849 = arith.remsi %add3A_819, %select_n3A_848 : i32
            %ne3A_850 = arith.constant 0 : i32
            %ne3A_851 = arith.cmpi ne, %rem3A_849, %ne3A_850 : i32
            %lt3A_852 = arith.constant 0 : i32
            %lt3A_853 = arith.cmpi slt, %rem3A_849, %lt3A_852 : i32
            %lt3A_854 = arith.constant 0 : i32
            %lt3A_855 = arith.cmpi slt, %select_n3A_848, %lt3A_854 : i32
            %ne3A_856 = arith.xori %lt3A_853, %lt3A_855 : i1
            %and3A_857 = arith.andi %ne3A_856, %ne3A_851 : i1
            %add3A_858 = arith.addi %rem3A_849, %select_n3A_848 : i32
            %select_n3A_859 = arith.select %and3A_857, %add3A_858, %rem3A_849 : i32
            %lt3A_860 = arith.constant 195 : i32
            %lt3A_861 = arith.cmpi slt, %select_n3A_859, %lt3A_860 : i32
            %convert_element_type3A_862 = arith.extui %lt3A_861 : i1 to i32
            %cond3A_863 = arith.constant 0 : i32
            %cond3A_864 = arith.cmpi ne, %convert_element_type3A_862, %cond3A_863 : i32
            scf.if %cond3A_864 {
              %dma_wait3A = arith.constant 0 : i32
              %dma_wait3A_870 = arith.constant 0 : i32
              %dma_wait3A_871 = arith.constant 0 : i32
              %dma_wait3A_872 = tpu.memref_slice %arg2[%dma_wait3A, %dma_wait3A_870, %dma_wait3A_871] : memref<26x16x100000xf32, #tpu.memory_space<hbm>> -> memref<1x16x512xf32, #tpu.memory_space<hbm>>
              %dma_wait3A_873 = tpu.memref_squeeze %dma_wait3A_872 : memref<1x16x512xf32, #tpu.memory_space<hbm>> -> memref<16x512xf32, #tpu.memory_space<hbm>>
              %dma_wait3A_874 = arith.constant 0 : i32
              %dma_wait3A_875 = arith.constant 0 : i32
              %dma_wait3A_876 = tpu.memref_slice %arg2[%dma_wait3A, %dma_wait3A_874, %dma_wait3A_875] : memref<26x16x100000xf32, #tpu.memory_space<hbm>> -> memref<1x16x512xf32, #tpu.memory_space<hbm>>
              %dma_wait3A_877 = tpu.memref_squeeze %dma_wait3A_876 : memref<1x16x512xf32, #tpu.memory_space<hbm>> -> memref<16x512xf32, #tpu.memory_space<hbm>>
              tpu.wait_dma2 semaphore(%arg20 : memref<!tpu.dma_semaphore, #tpu.memory_space<semaphore_mem>>) src(%dma_wait3A_877 : memref<16x512xf32, #tpu.memory_space<hbm>>) dst(%arg12 : memref<64x128xf32, #tpu.memory_space<vmem>>)
            } else {
            }
            %ge3A_865 = arith.constant 195 : i32
            %ge3A_866 = arith.cmpi sge, %select_n3A_859, %ge3A_865 : i32
            %convert_element_type3A_867 = arith.extui %ge3A_866 : i1 to i32
            %cond3A_868 = arith.constant 0 : i32
            %cond3A_869 = arith.cmpi ne, %convert_element_type3A_867, %cond3A_868 : i32
            scf.if %cond3A_869 {
              %dma_wait3A = arith.constant 0 : i32
              %dma_wait3A_870 = arith.constant 0 : i32
              %dma_wait3A_871 = arith.constant 0 : i32
              %dma_wait3A_872 = tpu.memref_slice %arg12[%dma_wait3A_870, %dma_wait3A_871] : memref<64x128xf32, #tpu.memory_space<vmem>> -> memref<16x128xf32, #tpu.memory_space<vmem>>
              %dma_wait3A_873 = arith.constant 0 : i32
              %dma_wait3A_874 = arith.constant 0 : i32
              %dma_wait3A_875 = tpu.memref_slice %arg2[%dma_wait3A, %dma_wait3A_873, %dma_wait3A_874] : memref<26x16x100000xf32, #tpu.memory_space<hbm>> -> memref<1x16x128xf32, #tpu.memory_space<hbm>>
              %dma_wait3A_876 = tpu.memref_squeeze %dma_wait3A_875 : memref<1x16x128xf32, #tpu.memory_space<hbm>> -> memref<16x128xf32, #tpu.memory_space<hbm>>
              %dma_wait3A_877 = arith.constant 0 : i32
              %dma_wait3A_878 = arith.constant 0 : i32
              %dma_wait3A_879 = tpu.memref_slice %arg12[%dma_wait3A_877, %dma_wait3A_878] : memref<64x128xf32, #tpu.memory_space<vmem>> -> memref<16x128xf32, #tpu.memory_space<vmem>>
              %dma_wait3A_880 = arith.constant 0 : i32
              %dma_wait3A_881 = arith.constant 0 : i32
              %dma_wait3A_882 = tpu.memref_slice %arg2[%dma_wait3A, %dma_wait3A_880, %dma_wait3A_881] : memref<26x16x100000xf32, #tpu.memory_space<hbm>> -> memref<1x16x128xf32, #tpu.memory_space<hbm>>
              %dma_wait3A_883 = tpu.memref_squeeze %dma_wait3A_882 : memref<1x16x128xf32, #tpu.memory_space<hbm>> -> memref<16x128xf32, #tpu.memory_space<hbm>>
              tpu.wait_dma2 semaphore(%arg20 : memref<!tpu.dma_semaphore, #tpu.memory_space<semaphore_mem>>) src(%dma_wait3A_883 : memref<16x128xf32, #tpu.memory_space<hbm>>) dst(%dma_wait3A_879 : memref<16x128xf32, #tpu.memory_space<vmem>>)
            } else {
            }
          } else {
          }
        } else {
        }
        %mul3A_738 = arith.constant 32 : i32
        %mul3A_739 = arith.muli %mul3A_738, %add3A_580 : i32
        %add3A_740 = arith.addi %add3A, %mul3A_739 : i32
        %jit3A_741 = arith.constant 197 : i32
        %div3A_742 = arith.divsi %add3A_740, %jit3A_741 : i32
        %sign3A_743 = arith.constant 0 : i32
        %sign3A_744 = arith.cmpi sgt, %add3A_740, %sign3A_743 : i32
        %sign3A_745 = arith.extui %sign3A_744 : i1 to i32
        %sign3A_746 = arith.constant 0 : i32
        %sign3A_747 = arith.cmpi slt, %add3A_740, %sign3A_746 : i32
        %sign3A_748 = arith.extui %sign3A_747 : i1 to i32
        %sign3A_749 = arith.subi %sign3A_745, %sign3A_748 : i32
        %sign3A_750 = arith.constant 0 : i32
        %sign3A_751 = arith.cmpi sgt, %jit3A_741, %sign3A_750 : i32
        %sign3A_752 = arith.extui %sign3A_751 : i1 to i32
        %sign3A_753 = arith.constant 0 : i32
        %sign3A_754 = arith.cmpi slt, %jit3A_741, %sign3A_753 : i32
        %sign3A_755 = arith.extui %sign3A_754 : i1 to i32
        %sign3A_756 = arith.subi %sign3A_752, %sign3A_755 : i32
        %ne3A_757 = arith.cmpi ne, %sign3A_749, %sign3A_756 : i32
        %rem3A_758 = arith.remsi %add3A_740, %jit3A_741 : i32
        %ne3A_759 = arith.constant 0 : i32
        %ne3A_760 = arith.cmpi ne, %rem3A_758, %ne3A_759 : i32
        %and3A_761 = arith.andi %ne3A_757, %ne3A_760 : i1
        %sub3A_762 = arith.constant 1 : i32
        %sub3A_763 = arith.subi %div3A_742, %sub3A_762 : i32
        %select_n3A_764 = arith.select %and3A_761, %sub3A_763, %div3A_742 : i32
        %jit3A_765 = arith.constant 197 : i32
        %eq3A_766 = arith.constant 0 : i32
        %eq3A_767 = arith.cmpi eq, %jit3A_765, %eq3A_766 : i32
        %jit3A_768 = arith.constant 1 : i32
        %select_n3A_769 = arith.select %eq3A_767, %jit3A_768, %jit3A_765 : i32
        %rem3A_770 = arith.remsi %add3A_740, %select_n3A_769 : i32
        %ne3A_771 = arith.constant 0 : i32
        %ne3A_772 = arith.cmpi ne, %rem3A_770, %ne3A_771 : i32
        %lt3A_773 = arith.constant 0 : i32
        %lt3A_774 = arith.cmpi slt, %rem3A_770, %lt3A_773 : i32
        %lt3A_775 = arith.constant 0 : i32
        %lt3A_776 = arith.cmpi slt, %select_n3A_769, %lt3A_775 : i32
        %ne3A_777 = arith.xori %lt3A_774, %lt3A_776 : i1
        %and3A_778 = arith.andi %ne3A_777, %ne3A_772 : i1
        %add3A_779 = arith.addi %rem3A_770, %select_n3A_769 : i32
        %select_n3A_780 = arith.select %and3A_778, %add3A_779, %rem3A_770 : i32
        %mul3A_781 = arith.constant 12512 : i32
        %mul3A_782 = arith.muli %select_n3A_764, %mul3A_781 : i32
        %lt3A_783 = arith.constant 195 : i32
        %lt3A_784 = arith.cmpi slt, %select_n3A_780, %lt3A_783 : i32
        %mul3A_785 = arith.constant 64 : i32
        %mul3A_786 = arith.muli %mul3A_785, %select_n3A_780 : i32
        %eq3A_787 = arith.constant 195 : i32
        %eq3A_788 = arith.cmpi eq, %select_n3A_780, %eq3A_787 : i32
        %jit3A_789 = arith.constant 12480 : i32
        %jit3A_790 = arith.constant 12496 : i32
        %select_n3A_791 = arith.select %eq3A_788, %jit3A_789, %jit3A_790 : i32
        %select_n3A_792 = arith.select %lt3A_784, %mul3A_786, %select_n3A_791 : i32
        %add3A_793 = arith.addi %mul3A_782, %select_n3A_792 : i32
        %lt3A_794 = arith.constant 195 : i32
        %lt3A_795 = arith.cmpi slt, %select_n3A_780, %lt3A_794 : i32
        %convert_element_type3A_796 = arith.extui %lt3A_795 : i1 to i32
        %cond3A_797 = arith.constant 0 : i32
        %cond3A_798 = arith.cmpi ne, %convert_element_type3A_796, %cond3A_797 : i32
        scf.if %cond3A_798 {
          %dma_start3A = arith.constant 0 : i32
          %dma_start3A_804 = tpu.memref_slice %arg4[%add3A_793, %dma_start3A] : memref<325312x128xf32, #tpu.memory_space<hbm>> -> memref<64x128xf32, #tpu.memory_space<hbm>>
          %dma_start3A_805 = arith.constant 0 : i32
          %dma_start3A_806 = tpu.memref_slice %arg4[%add3A_793, %dma_start3A_805] : memref<325312x128xf32, #tpu.memory_space<hbm>> -> memref<64x128xf32, #tpu.memory_space<hbm>>
          tpu.enqueue_dma source(%arg12 : memref<64x128xf32, #tpu.memory_space<vmem>>) target(%dma_start3A_806 : memref<64x128xf32, #tpu.memory_space<hbm>>) target_semaphore(%arg20 : memref<!tpu.dma_semaphore, #tpu.memory_space<semaphore_mem>>)
        } else {
        }
        %ge3A_799 = arith.constant 195 : i32
        %ge3A_800 = arith.cmpi sge, %select_n3A_780, %ge3A_799 : i32
        %convert_element_type3A_801 = arith.extui %ge3A_800 : i1 to i32
        %cond3A_802 = arith.constant 0 : i32
        %cond3A_803 = arith.cmpi ne, %convert_element_type3A_801, %cond3A_802 : i32
        scf.if %cond3A_803 {
          %dma_start3A = arith.constant 0 : i32
          %dma_start3A_804 = arith.constant 0 : i32
          %dma_start3A_805 = tpu.memref_slice %arg12[%dma_start3A, %dma_start3A_804] : memref<64x128xf32, #tpu.memory_space<vmem>> -> memref<16x128xf32, #tpu.memory_space<vmem>>
          %dma_start3A_806 = arith.constant 0 : i32
          %dma_start3A_807 = tpu.memref_slice %arg4[%add3A_793, %dma_start3A_806] : memref<325312x128xf32, #tpu.memory_space<hbm>> -> memref<16x128xf32, #tpu.memory_space<hbm>>
          %dma_start3A_808 = arith.constant 0 : i32
          %dma_start3A_809 = tpu.memref_slice %arg4[%add3A_793, %dma_start3A_808] : memref<325312x128xf32, #tpu.memory_space<hbm>> -> memref<16x128xf32, #tpu.memory_space<hbm>>
          %dma_start3A_810 = arith.constant 0 : i32
          %dma_start3A_811 = arith.constant 0 : i32
          %dma_start3A_812 = tpu.memref_slice %arg12[%dma_start3A_810, %dma_start3A_811] : memref<64x128xf32, #tpu.memory_space<vmem>> -> memref<16x128xf32, #tpu.memory_space<vmem>>
          tpu.enqueue_dma source(%dma_start3A_812 : memref<16x128xf32, #tpu.memory_space<vmem>>) target(%dma_start3A_809 : memref<16x128xf32, #tpu.memory_space<hbm>>) target_semaphore(%arg20 : memref<!tpu.dma_semaphore, #tpu.memory_space<semaphore_mem>>)
        } else {
        }
      } else {
      }
    }
    %scan3A_227 = arith.constant 41 : i32
    %add3A_228 = arith.constant 5120 : i32
    %add3A_229 = arith.addi %add3A, %add3A_228 : i32
    %lt3A_230 = arith.constant 5122 : i32
    %lt3A_231 = arith.cmpi slt, %add3A_229, %lt3A_230 : i32
    %and3A_232 = arith.constant true
    %and3A_233 = arith.andi %and3A_232, %lt3A_231 : i1
    %convert_element_type3A_234 = arith.extui %and3A_233 : i1 to i32
    %cond3A_235 = arith.constant 0 : i32
    %cond3A_236 = arith.cmpi ne, %convert_element_type3A_234, %cond3A_235 : i32
    scf.if %cond3A_236 {
      %add3A_264 = arith.constant 5120 : i32
      %add3A_265 = arith.addi %add3A, %add3A_264 : i32
      %jit3A_266 = arith.constant 197 : i32
      %div3A_267 = arith.divsi %add3A_265, %jit3A_266 : i32
      %sign3A_268 = arith.constant 0 : i32
      %sign3A_269 = arith.cmpi sgt, %add3A_265, %sign3A_268 : i32
      %sign3A_270 = arith.extui %sign3A_269 : i1 to i32
      %sign3A_271 = arith.constant 0 : i32
      %sign3A_272 = arith.cmpi slt, %add3A_265, %sign3A_271 : i32
      %sign3A_273 = arith.extui %sign3A_272 : i1 to i32
      %sign3A_274 = arith.subi %sign3A_270, %sign3A_273 : i32
      %sign3A_275 = arith.constant 0 : i32
      %sign3A_276 = arith.cmpi sgt, %jit3A_266, %sign3A_275 : i32
      %sign3A_277 = arith.extui %sign3A_276 : i1 to i32
      %sign3A_278 = arith.constant 0 : i32
      %sign3A_279 = arith.cmpi slt, %jit3A_266, %sign3A_278 : i32
      %sign3A_280 = arith.extui %sign3A_279 : i1 to i32
      %sign3A_281 = arith.subi %sign3A_277, %sign3A_280 : i32
      %ne3A_282 = arith.cmpi ne, %sign3A_274, %sign3A_281 : i32
      %rem3A_283 = arith.remsi %add3A_265, %jit3A_266 : i32
      %ne3A_284 = arith.constant 0 : i32
      %ne3A_285 = arith.cmpi ne, %rem3A_283, %ne3A_284 : i32
      %and3A_286 = arith.andi %ne3A_282, %ne3A_285 : i1
      %sub3A_287 = arith.constant 1 : i32
      %sub3A_288 = arith.subi %div3A_267, %sub3A_287 : i32
      %select_n3A_289 = arith.select %and3A_286, %sub3A_288, %div3A_267 : i32
      %jit3A_290 = arith.constant 197 : i32
      %eq3A_291 = arith.constant 0 : i32
      %eq3A_292 = arith.cmpi eq, %jit3A_290, %eq3A_291 : i32
      %jit3A_293 = arith.constant 1 : i32
      %select_n3A_294 = arith.select %eq3A_292, %jit3A_293, %jit3A_290 : i32
      %rem3A_295 = arith.remsi %add3A_265, %select_n3A_294 : i32
      %ne3A_296 = arith.constant 0 : i32
      %ne3A_297 = arith.cmpi ne, %rem3A_295, %ne3A_296 : i32
      %lt3A_298 = arith.constant 0 : i32
      %lt3A_299 = arith.cmpi slt, %rem3A_295, %lt3A_298 : i32
      %lt3A_300 = arith.constant 0 : i32
      %lt3A_301 = arith.cmpi slt, %select_n3A_294, %lt3A_300 : i32
      %ne3A_302 = arith.xori %lt3A_299, %lt3A_301 : i1
      %and3A_303 = arith.andi %ne3A_302, %ne3A_297 : i1
      %add3A_304 = arith.addi %rem3A_295, %select_n3A_294 : i32
      %select_n3A_305 = arith.select %and3A_303, %add3A_304, %rem3A_295 : i32
      %lt3A_306 = arith.constant 195 : i32
      %lt3A_307 = arith.cmpi slt, %select_n3A_305, %lt3A_306 : i32
      %convert_element_type3A_308 = arith.extui %lt3A_307 : i1 to i32
      %cond3A_309 = arith.constant 0 : i32
      %cond3A_310 = arith.cmpi ne, %convert_element_type3A_308, %cond3A_309 : i32
      scf.if %cond3A_310 {
        %dma_wait3A = arith.constant 0 : i32
        %dma_wait3A_315 = arith.constant 0 : i32
        %dma_wait3A_316 = arith.constant 0 : i32
        %dma_wait3A_317 = tpu.memref_slice %arg2[%dma_wait3A, %dma_wait3A_315, %dma_wait3A_316] : memref<26x16x100000xf32, #tpu.memory_space<hbm>> -> memref<1x16x512xf32, #tpu.memory_space<hbm>>
        %dma_wait3A_318 = tpu.memref_squeeze %dma_wait3A_317 : memref<1x16x512xf32, #tpu.memory_space<hbm>> -> memref<16x512xf32, #tpu.memory_space<hbm>>
        %dma_wait3A_319 = arith.constant 0 : i32
        %dma_wait3A_320 = arith.constant 0 : i32
        %dma_wait3A_321 = tpu.memref_slice %arg2[%dma_wait3A, %dma_wait3A_319, %dma_wait3A_320] : memref<26x16x100000xf32, #tpu.memory_space<hbm>> -> memref<1x16x512xf32, #tpu.memory_space<hbm>>
        %dma_wait3A_322 = tpu.memref_squeeze %dma_wait3A_321 : memref<1x16x512xf32, #tpu.memory_space<hbm>> -> memref<16x512xf32, #tpu.memory_space<hbm>>
        tpu.wait_dma2 semaphore(%arg17 : memref<!tpu.dma_semaphore, #tpu.memory_space<semaphore_mem>>) src(%dma_wait3A_322 : memref<16x512xf32, #tpu.memory_space<hbm>>) dst(%arg9 : memref<64x128xf32, #tpu.memory_space<vmem>>)
      } else {
      }
      %ge3A = arith.constant 195 : i32
      %ge3A_311 = arith.cmpi sge, %select_n3A_305, %ge3A : i32
      %convert_element_type3A_312 = arith.extui %ge3A_311 : i1 to i32
      %cond3A_313 = arith.constant 0 : i32
      %cond3A_314 = arith.cmpi ne, %convert_element_type3A_312, %cond3A_313 : i32
      scf.if %cond3A_314 {
        %dma_wait3A = arith.constant 0 : i32
        %dma_wait3A_315 = arith.constant 0 : i32
        %dma_wait3A_316 = arith.constant 0 : i32
        %dma_wait3A_317 = tpu.memref_slice %arg9[%dma_wait3A_315, %dma_wait3A_316] : memref<64x128xf32, #tpu.memory_space<vmem>> -> memref<16x128xf32, #tpu.memory_space<vmem>>
        %dma_wait3A_318 = arith.constant 0 : i32
        %dma_wait3A_319 = arith.constant 0 : i32
        %dma_wait3A_320 = tpu.memref_slice %arg2[%dma_wait3A, %dma_wait3A_318, %dma_wait3A_319] : memref<26x16x100000xf32, #tpu.memory_space<hbm>> -> memref<1x16x128xf32, #tpu.memory_space<hbm>>
        %dma_wait3A_321 = tpu.memref_squeeze %dma_wait3A_320 : memref<1x16x128xf32, #tpu.memory_space<hbm>> -> memref<16x128xf32, #tpu.memory_space<hbm>>
        %dma_wait3A_322 = arith.constant 0 : i32
        %dma_wait3A_323 = arith.constant 0 : i32
        %dma_wait3A_324 = tpu.memref_slice %arg9[%dma_wait3A_322, %dma_wait3A_323] : memref<64x128xf32, #tpu.memory_space<vmem>> -> memref<16x128xf32, #tpu.memory_space<vmem>>
        %dma_wait3A_325 = arith.constant 0 : i32
        %dma_wait3A_326 = arith.constant 0 : i32
        %dma_wait3A_327 = tpu.memref_slice %arg2[%dma_wait3A, %dma_wait3A_325, %dma_wait3A_326] : memref<26x16x100000xf32, #tpu.memory_space<hbm>> -> memref<1x16x128xf32, #tpu.memory_space<hbm>>
        %dma_wait3A_328 = tpu.memref_squeeze %dma_wait3A_327 : memref<1x16x128xf32, #tpu.memory_space<hbm>> -> memref<16x128xf32, #tpu.memory_space<hbm>>
        tpu.wait_dma2 semaphore(%arg17 : memref<!tpu.dma_semaphore, #tpu.memory_space<semaphore_mem>>) src(%dma_wait3A_328 : memref<16x128xf32, #tpu.memory_space<hbm>>) dst(%dma_wait3A_324 : memref<16x128xf32, #tpu.memory_space<vmem>>)
      } else {
      }
    } else {
    }
    %add3A_237 = arith.constant 5152 : i32
    %add3A_238 = arith.addi %add3A, %add3A_237 : i32
    %lt3A_239 = arith.constant 5122 : i32
    %lt3A_240 = arith.cmpi slt, %add3A_238, %lt3A_239 : i32
    %and3A_241 = arith.constant false
    %and3A_242 = arith.andi %and3A_241, %lt3A_240 : i1
    %convert_element_type3A_243 = arith.extui %and3A_242 : i1 to i32
    %cond3A_244 = arith.constant 0 : i32
    %cond3A_245 = arith.cmpi ne, %convert_element_type3A_243, %cond3A_244 : i32
    scf.if %cond3A_245 {
      %add3A_264 = arith.constant 5152 : i32
      %add3A_265 = arith.addi %add3A, %add3A_264 : i32
      %jit3A_266 = arith.constant 197 : i32
      %div3A_267 = arith.divsi %add3A_265, %jit3A_266 : i32
      %sign3A_268 = arith.constant 0 : i32
      %sign3A_269 = arith.cmpi sgt, %add3A_265, %sign3A_268 : i32
      %sign3A_270 = arith.extui %sign3A_269 : i1 to i32
      %sign3A_271 = arith.constant 0 : i32
      %sign3A_272 = arith.cmpi slt, %add3A_265, %sign3A_271 : i32
      %sign3A_273 = arith.extui %sign3A_272 : i1 to i32
      %sign3A_274 = arith.subi %sign3A_270, %sign3A_273 : i32
      %sign3A_275 = arith.constant 0 : i32
      %sign3A_276 = arith.cmpi sgt, %jit3A_266, %sign3A_275 : i32
      %sign3A_277 = arith.extui %sign3A_276 : i1 to i32
      %sign3A_278 = arith.constant 0 : i32
      %sign3A_279 = arith.cmpi slt, %jit3A_266, %sign3A_278 : i32
      %sign3A_280 = arith.extui %sign3A_279 : i1 to i32
      %sign3A_281 = arith.subi %sign3A_277, %sign3A_280 : i32
      %ne3A_282 = arith.cmpi ne, %sign3A_274, %sign3A_281 : i32
      %rem3A_283 = arith.remsi %add3A_265, %jit3A_266 : i32
      %ne3A_284 = arith.constant 0 : i32
      %ne3A_285 = arith.cmpi ne, %rem3A_283, %ne3A_284 : i32
      %and3A_286 = arith.andi %ne3A_282, %ne3A_285 : i1
      %sub3A_287 = arith.constant 1 : i32
      %sub3A_288 = arith.subi %div3A_267, %sub3A_287 : i32
      %select_n3A_289 = arith.select %and3A_286, %sub3A_288, %div3A_267 : i32
      %jit3A_290 = arith.constant 197 : i32
      %eq3A_291 = arith.constant 0 : i32
      %eq3A_292 = arith.cmpi eq, %jit3A_290, %eq3A_291 : i32
      %jit3A_293 = arith.constant 1 : i32
      %select_n3A_294 = arith.select %eq3A_292, %jit3A_293, %jit3A_290 : i32
      %rem3A_295 = arith.remsi %add3A_265, %select_n3A_294 : i32
      %ne3A_296 = arith.constant 0 : i32
      %ne3A_297 = arith.cmpi ne, %rem3A_295, %ne3A_296 : i32
      %lt3A_298 = arith.constant 0 : i32
      %lt3A_299 = arith.cmpi slt, %rem3A_295, %lt3A_298 : i32
      %lt3A_300 = arith.constant 0 : i32
      %lt3A_301 = arith.cmpi slt, %select_n3A_294, %lt3A_300 : i32
      %ne3A_302 = arith.xori %lt3A_299, %lt3A_301 : i1
      %and3A_303 = arith.andi %ne3A_302, %ne3A_297 : i1
      %add3A_304 = arith.addi %rem3A_295, %select_n3A_294 : i32
      %select_n3A_305 = arith.select %and3A_303, %add3A_304, %rem3A_295 : i32
      %lt3A_306 = arith.constant 195 : i32
      %lt3A_307 = arith.cmpi slt, %select_n3A_305, %lt3A_306 : i32
      %convert_element_type3A_308 = arith.extui %lt3A_307 : i1 to i32
      %cond3A_309 = arith.constant 0 : i32
      %cond3A_310 = arith.cmpi ne, %convert_element_type3A_308, %cond3A_309 : i32
      scf.if %cond3A_310 {
        %dma_wait3A = arith.constant 0 : i32
        %dma_wait3A_315 = arith.constant 0 : i32
        %dma_wait3A_316 = arith.constant 0 : i32
        %dma_wait3A_317 = tpu.memref_slice %arg2[%dma_wait3A, %dma_wait3A_315, %dma_wait3A_316] : memref<26x16x100000xf32, #tpu.memory_space<hbm>> -> memref<1x16x512xf32, #tpu.memory_space<hbm>>
        %dma_wait3A_318 = tpu.memref_squeeze %dma_wait3A_317 : memref<1x16x512xf32, #tpu.memory_space<hbm>> -> memref<16x512xf32, #tpu.memory_space<hbm>>
        %dma_wait3A_319 = arith.constant 0 : i32
        %dma_wait3A_320 = arith.constant 0 : i32
        %dma_wait3A_321 = tpu.memref_slice %arg2[%dma_wait3A, %dma_wait3A_319, %dma_wait3A_320] : memref<26x16x100000xf32, #tpu.memory_space<hbm>> -> memref<1x16x512xf32, #tpu.memory_space<hbm>>
        %dma_wait3A_322 = tpu.memref_squeeze %dma_wait3A_321 : memref<1x16x512xf32, #tpu.memory_space<hbm>> -> memref<16x512xf32, #tpu.memory_space<hbm>>
        tpu.wait_dma2 semaphore(%arg18 : memref<!tpu.dma_semaphore, #tpu.memory_space<semaphore_mem>>) src(%dma_wait3A_322 : memref<16x512xf32, #tpu.memory_space<hbm>>) dst(%arg10 : memref<64x128xf32, #tpu.memory_space<vmem>>)
      } else {
      }
      %ge3A = arith.constant 195 : i32
      %ge3A_311 = arith.cmpi sge, %select_n3A_305, %ge3A : i32
      %convert_element_type3A_312 = arith.extui %ge3A_311 : i1 to i32
      %cond3A_313 = arith.constant 0 : i32
      %cond3A_314 = arith.cmpi ne, %convert_element_type3A_312, %cond3A_313 : i32
      scf.if %cond3A_314 {
        %dma_wait3A = arith.constant 0 : i32
        %dma_wait3A_315 = arith.constant 0 : i32
        %dma_wait3A_316 = arith.constant 0 : i32
        %dma_wait3A_317 = tpu.memref_slice %arg10[%dma_wait3A_315, %dma_wait3A_316] : memref<64x128xf32, #tpu.memory_space<vmem>> -> memref<16x128xf32, #tpu.memory_space<vmem>>
        %dma_wait3A_318 = arith.constant 0 : i32
        %dma_wait3A_319 = arith.constant 0 : i32
        %dma_wait3A_320 = tpu.memref_slice %arg2[%dma_wait3A, %dma_wait3A_318, %dma_wait3A_319] : memref<26x16x100000xf32, #tpu.memory_space<hbm>> -> memref<1x16x128xf32, #tpu.memory_space<hbm>>
        %dma_wait3A_321 = tpu.memref_squeeze %dma_wait3A_320 : memref<1x16x128xf32, #tpu.memory_space<hbm>> -> memref<16x128xf32, #tpu.memory_space<hbm>>
        %dma_wait3A_322 = arith.constant 0 : i32
        %dma_wait3A_323 = arith.constant 0 : i32
        %dma_wait3A_324 = tpu.memref_slice %arg10[%dma_wait3A_322, %dma_wait3A_323] : memref<64x128xf32, #tpu.memory_space<vmem>> -> memref<16x128xf32, #tpu.memory_space<vmem>>
        %dma_wait3A_325 = arith.constant 0 : i32
        %dma_wait3A_326 = arith.constant 0 : i32
        %dma_wait3A_327 = tpu.memref_slice %arg2[%dma_wait3A, %dma_wait3A_325, %dma_wait3A_326] : memref<26x16x100000xf32, #tpu.memory_space<hbm>> -> memref<1x16x128xf32, #tpu.memory_space<hbm>>
        %dma_wait3A_328 = tpu.memref_squeeze %dma_wait3A_327 : memref<1x16x128xf32, #tpu.memory_space<hbm>> -> memref<16x128xf32, #tpu.memory_space<hbm>>
        tpu.wait_dma2 semaphore(%arg18 : memref<!tpu.dma_semaphore, #tpu.memory_space<semaphore_mem>>) src(%dma_wait3A_328 : memref<16x128xf32, #tpu.memory_space<hbm>>) dst(%dma_wait3A_324 : memref<16x128xf32, #tpu.memory_space<vmem>>)
      } else {
      }
    } else {
    }
    %add3A_246 = arith.constant 5184 : i32
    %add3A_247 = arith.addi %add3A, %add3A_246 : i32
    %lt3A_248 = arith.constant 5122 : i32
    %lt3A_249 = arith.cmpi slt, %add3A_247, %lt3A_248 : i32
    %and3A_250 = arith.constant false
    %and3A_251 = arith.andi %and3A_250, %lt3A_249 : i1
    %convert_element_type3A_252 = arith.extui %and3A_251 : i1 to i32
    %cond3A_253 = arith.constant 0 : i32
    %cond3A_254 = arith.cmpi ne, %convert_element_type3A_252, %cond3A_253 : i32
    scf.if %cond3A_254 {
      %add3A_264 = arith.constant 5184 : i32
      %add3A_265 = arith.addi %add3A, %add3A_264 : i32
      %jit3A_266 = arith.constant 197 : i32
      %div3A_267 = arith.divsi %add3A_265, %jit3A_266 : i32
      %sign3A_268 = arith.constant 0 : i32
      %sign3A_269 = arith.cmpi sgt, %add3A_265, %sign3A_268 : i32
      %sign3A_270 = arith.extui %sign3A_269 : i1 to i32
      %sign3A_271 = arith.constant 0 : i32
      %sign3A_272 = arith.cmpi slt, %add3A_265, %sign3A_271 : i32
      %sign3A_273 = arith.extui %sign3A_272 : i1 to i32
      %sign3A_274 = arith.subi %sign3A_270, %sign3A_273 : i32
      %sign3A_275 = arith.constant 0 : i32
      %sign3A_276 = arith.cmpi sgt, %jit3A_266, %sign3A_275 : i32
      %sign3A_277 = arith.extui %sign3A_276 : i1 to i32
      %sign3A_278 = arith.constant 0 : i32
      %sign3A_279 = arith.cmpi slt, %jit3A_266, %sign3A_278 : i32
      %sign3A_280 = arith.extui %sign3A_279 : i1 to i32
      %sign3A_281 = arith.subi %sign3A_277, %sign3A_280 : i32
      %ne3A_282 = arith.cmpi ne, %sign3A_274, %sign3A_281 : i32
      %rem3A_283 = arith.remsi %add3A_265, %jit3A_266 : i32
      %ne3A_284 = arith.constant 0 : i32
      %ne3A_285 = arith.cmpi ne, %rem3A_283, %ne3A_284 : i32
      %and3A_286 = arith.andi %ne3A_282, %ne3A_285 : i1
      %sub3A_287 = arith.constant 1 : i32
      %sub3A_288 = arith.subi %div3A_267, %sub3A_287 : i32
      %select_n3A_289 = arith.select %and3A_286, %sub3A_288, %div3A_267 : i32
      %jit3A_290 = arith.constant 197 : i32
      %eq3A_291 = arith.constant 0 : i32
      %eq3A_292 = arith.cmpi eq, %jit3A_290, %eq3A_291 : i32
      %jit3A_293 = arith.constant 1 : i32
      %select_n3A_294 = arith.select %eq3A_292, %jit3A_293, %jit3A_290 : i32
      %rem3A_295 = arith.remsi %add3A_265, %select_n3A_294 : i32
      %ne3A_296 = arith.constant 0 : i32
      %ne3A_297 = arith.cmpi ne, %rem3A_295, %ne3A_296 : i32
      %lt3A_298 = arith.constant 0 : i32
      %lt3A_299 = arith.cmpi slt, %rem3A_295, %lt3A_298 : i32
      %lt3A_300 = arith.constant 0 : i32
      %lt3A_301 = arith.cmpi slt, %select_n3A_294, %lt3A_300 : i32
      %ne3A_302 = arith.xori %lt3A_299, %lt3A_301 : i1
      %and3A_303 = arith.andi %ne3A_302, %ne3A_297 : i1
      %add3A_304 = arith.addi %rem3A_295, %select_n3A_294 : i32
      %select_n3A_305 = arith.select %and3A_303, %add3A_304, %rem3A_295 : i32
      %lt3A_306 = arith.constant 195 : i32
      %lt3A_307 = arith.cmpi slt, %select_n3A_305, %lt3A_306 : i32
      %convert_element_type3A_308 = arith.extui %lt3A_307 : i1 to i32
      %cond3A_309 = arith.constant 0 : i32
      %cond3A_310 = arith.cmpi ne, %convert_element_type3A_308, %cond3A_309 : i32
      scf.if %cond3A_310 {
        %dma_wait3A = arith.constant 0 : i32
        %dma_wait3A_315 = arith.constant 0 : i32
        %dma_wait3A_316 = arith.constant 0 : i32
        %dma_wait3A_317 = tpu.memref_slice %arg2[%dma_wait3A, %dma_wait3A_315, %dma_wait3A_316] : memref<26x16x100000xf32, #tpu.memory_space<hbm>> -> memref<1x16x512xf32, #tpu.memory_space<hbm>>
        %dma_wait3A_318 = tpu.memref_squeeze %dma_wait3A_317 : memref<1x16x512xf32, #tpu.memory_space<hbm>> -> memref<16x512xf32, #tpu.memory_space<hbm>>
        %dma_wait3A_319 = arith.constant 0 : i32
        %dma_wait3A_320 = arith.constant 0 : i32
        %dma_wait3A_321 = tpu.memref_slice %arg2[%dma_wait3A, %dma_wait3A_319, %dma_wait3A_320] : memref<26x16x100000xf32, #tpu.memory_space<hbm>> -> memref<1x16x512xf32, #tpu.memory_space<hbm>>
        %dma_wait3A_322 = tpu.memref_squeeze %dma_wait3A_321 : memref<1x16x512xf32, #tpu.memory_space<hbm>> -> memref<16x512xf32, #tpu.memory_space<hbm>>
        tpu.wait_dma2 semaphore(%arg19 : memref<!tpu.dma_semaphore, #tpu.memory_space<semaphore_mem>>) src(%dma_wait3A_322 : memref<16x512xf32, #tpu.memory_space<hbm>>) dst(%arg11 : memref<64x128xf32, #tpu.memory_space<vmem>>)
      } else {
      }
      %ge3A = arith.constant 195 : i32
      %ge3A_311 = arith.cmpi sge, %select_n3A_305, %ge3A : i32
      %convert_element_type3A_312 = arith.extui %ge3A_311 : i1 to i32
      %cond3A_313 = arith.constant 0 : i32
      %cond3A_314 = arith.cmpi ne, %convert_element_type3A_312, %cond3A_313 : i32
      scf.if %cond3A_314 {
        %dma_wait3A = arith.constant 0 : i32
        %dma_wait3A_315 = arith.constant 0 : i32
        %dma_wait3A_316 = arith.constant 0 : i32
        %dma_wait3A_317 = tpu.memref_slice %arg11[%dma_wait3A_315, %dma_wait3A_316] : memref<64x128xf32, #tpu.memory_space<vmem>> -> memref<16x128xf32, #tpu.memory_space<vmem>>
        %dma_wait3A_318 = arith.constant 0 : i32
        %dma_wait3A_319 = arith.constant 0 : i32
        %dma_wait3A_320 = tpu.memref_slice %arg2[%dma_wait3A, %dma_wait3A_318, %dma_wait3A_319] : memref<26x16x100000xf32, #tpu.memory_space<hbm>> -> memref<1x16x128xf32, #tpu.memory_space<hbm>>
        %dma_wait3A_321 = tpu.memref_squeeze %dma_wait3A_320 : memref<1x16x128xf32, #tpu.memory_space<hbm>> -> memref<16x128xf32, #tpu.memory_space<hbm>>
        %dma_wait3A_322 = arith.constant 0 : i32
        %dma_wait3A_323 = arith.constant 0 : i32
        %dma_wait3A_324 = tpu.memref_slice %arg11[%dma_wait3A_322, %dma_wait3A_323] : memref<64x128xf32, #tpu.memory_space<vmem>> -> memref<16x128xf32, #tpu.memory_space<vmem>>
        %dma_wait3A_325 = arith.constant 0 : i32
        %dma_wait3A_326 = arith.constant 0 : i32
        %dma_wait3A_327 = tpu.memref_slice %arg2[%dma_wait3A, %dma_wait3A_325, %dma_wait3A_326] : memref<26x16x100000xf32, #tpu.memory_space<hbm>> -> memref<1x16x128xf32, #tpu.memory_space<hbm>>
        %dma_wait3A_328 = tpu.memref_squeeze %dma_wait3A_327 : memref<1x16x128xf32, #tpu.memory_space<hbm>> -> memref<16x128xf32, #tpu.memory_space<hbm>>
        tpu.wait_dma2 semaphore(%arg19 : memref<!tpu.dma_semaphore, #tpu.memory_space<semaphore_mem>>) src(%dma_wait3A_328 : memref<16x128xf32, #tpu.memory_space<hbm>>) dst(%dma_wait3A_324 : memref<16x128xf32, #tpu.memory_space<vmem>>)
      } else {
      }
    } else {
    }
    %add3A_255 = arith.constant 5216 : i32
    %add3A_256 = arith.addi %add3A, %add3A_255 : i32
    %lt3A_257 = arith.constant 5122 : i32
    %lt3A_258 = arith.cmpi slt, %add3A_256, %lt3A_257 : i32
    %and3A_259 = arith.constant false
    %and3A_260 = arith.andi %and3A_259, %lt3A_258 : i1
    %convert_element_type3A_261 = arith.extui %and3A_260 : i1 to i32
    %cond3A_262 = arith.constant 0 : i32
    %cond3A_263 = arith.cmpi ne, %convert_element_type3A_261, %cond3A_262 : i32
    scf.if %cond3A_263 {
      %add3A_264 = arith.constant 5216 : i32
      %add3A_265 = arith.addi %add3A, %add3A_264 : i32
      %jit3A_266 = arith.constant 197 : i32
      %div3A_267 = arith.divsi %add3A_265, %jit3A_266 : i32
      %sign3A_268 = arith.constant 0 : i32
      %sign3A_269 = arith.cmpi sgt, %add3A_265, %sign3A_268 : i32
      %sign3A_270 = arith.extui %sign3A_269 : i1 to i32
      %sign3A_271 = arith.constant 0 : i32
      %sign3A_272 = arith.cmpi slt, %add3A_265, %sign3A_271 : i32
      %sign3A_273 = arith.extui %sign3A_272 : i1 to i32
      %sign3A_274 = arith.subi %sign3A_270, %sign3A_273 : i32
      %sign3A_275 = arith.constant 0 : i32
      %sign3A_276 = arith.cmpi sgt, %jit3A_266, %sign3A_275 : i32
      %sign3A_277 = arith.extui %sign3A_276 : i1 to i32
      %sign3A_278 = arith.constant 0 : i32
      %sign3A_279 = arith.cmpi slt, %jit3A_266, %sign3A_278 : i32
      %sign3A_280 = arith.extui %sign3A_279 : i1 to i32
      %sign3A_281 = arith.subi %sign3A_277, %sign3A_280 : i32
      %ne3A_282 = arith.cmpi ne, %sign3A_274, %sign3A_281 : i32
      %rem3A_283 = arith.remsi %add3A_265, %jit3A_266 : i32
      %ne3A_284 = arith.constant 0 : i32
      %ne3A_285 = arith.cmpi ne, %rem3A_283, %ne3A_284 : i32
      %and3A_286 = arith.andi %ne3A_282, %ne3A_285 : i1
      %sub3A_287 = arith.constant 1 : i32
      %sub3A_288 = arith.subi %div3A_267, %sub3A_287 : i32
      %select_n3A_289 = arith.select %and3A_286, %sub3A_288, %div3A_267 : i32
      %jit3A_290 = arith.constant 197 : i32
      %eq3A_291 = arith.constant 0 : i32
      %eq3A_292 = arith.cmpi eq, %jit3A_290, %eq3A_291 : i32
      %jit3A_293 = arith.constant 1 : i32
      %select_n3A_294 = arith.select %eq3A_292, %jit3A_293, %jit3A_290 : i32
      %rem3A_295 = arith.remsi %add3A_265, %select_n3A_294 : i32
      %ne3A_296 = arith.constant 0 : i32
      %ne3A_297 = arith.cmpi ne, %rem3A_295, %ne3A_296 : i32
      %lt3A_298 = arith.constant 0 : i32
      %lt3A_299 = arith.cmpi slt, %rem3A_295, %lt3A_298 : i32
      %lt3A_300 = arith.constant 0 : i32
      %lt3A_301 = arith.cmpi slt, %select_n3A_294, %lt3A_300 : i32
      %ne3A_302 = arith.xori %lt3A_299, %lt3A_301 : i1
      %and3A_303 = arith.andi %ne3A_302, %ne3A_297 : i1
      %add3A_304 = arith.addi %rem3A_295, %select_n3A_294 : i32
      %select_n3A_305 = arith.select %and3A_303, %add3A_304, %rem3A_295 : i32
      %lt3A_306 = arith.constant 195 : i32
      %lt3A_307 = arith.cmpi slt, %select_n3A_305, %lt3A_306 : i32
      %convert_element_type3A_308 = arith.extui %lt3A_307 : i1 to i32
      %cond3A_309 = arith.constant 0 : i32
      %cond3A_310 = arith.cmpi ne, %convert_element_type3A_308, %cond3A_309 : i32
      scf.if %cond3A_310 {
        %dma_wait3A = arith.constant 0 : i32
        %dma_wait3A_315 = arith.constant 0 : i32
        %dma_wait3A_316 = arith.constant 0 : i32
        %dma_wait3A_317 = tpu.memref_slice %arg2[%dma_wait3A, %dma_wait3A_315, %dma_wait3A_316] : memref<26x16x100000xf32, #tpu.memory_space<hbm>> -> memref<1x16x512xf32, #tpu.memory_space<hbm>>
        %dma_wait3A_318 = tpu.memref_squeeze %dma_wait3A_317 : memref<1x16x512xf32, #tpu.memory_space<hbm>> -> memref<16x512xf32, #tpu.memory_space<hbm>>
        %dma_wait3A_319 = arith.constant 0 : i32
        %dma_wait3A_320 = arith.constant 0 : i32
        %dma_wait3A_321 = tpu.memref_slice %arg2[%dma_wait3A, %dma_wait3A_319, %dma_wait3A_320] : memref<26x16x100000xf32, #tpu.memory_space<hbm>> -> memref<1x16x512xf32, #tpu.memory_space<hbm>>
        %dma_wait3A_322 = tpu.memref_squeeze %dma_wait3A_321 : memref<1x16x512xf32, #tpu.memory_space<hbm>> -> memref<16x512xf32, #tpu.memory_space<hbm>>
        tpu.wait_dma2 semaphore(%arg20 : memref<!tpu.dma_semaphore, #tpu.memory_space<semaphore_mem>>) src(%dma_wait3A_322 : memref<16x512xf32, #tpu.memory_space<hbm>>) dst(%arg12 : memref<64x128xf32, #tpu.memory_space<vmem>>)
      } else {
      }
      %ge3A = arith.constant 195 : i32
      %ge3A_311 = arith.cmpi sge, %select_n3A_305, %ge3A : i32
      %convert_element_type3A_312 = arith.extui %ge3A_311 : i1 to i32
      %cond3A_313 = arith.constant 0 : i32
      %cond3A_314 = arith.cmpi ne, %convert_element_type3A_312, %cond3A_313 : i32
      scf.if %cond3A_314 {
        %dma_wait3A = arith.constant 0 : i32
        %dma_wait3A_315 = arith.constant 0 : i32
        %dma_wait3A_316 = arith.constant 0 : i32
        %dma_wait3A_317 = tpu.memref_slice %arg12[%dma_wait3A_315, %dma_wait3A_316] : memref<64x128xf32, #tpu.memory_space<vmem>> -> memref<16x128xf32, #tpu.memory_space<vmem>>
        %dma_wait3A_318 = arith.constant 0 : i32
        %dma_wait3A_319 = arith.constant 0 : i32
        %dma_wait3A_320 = tpu.memref_slice %arg2[%dma_wait3A, %dma_wait3A_318, %dma_wait3A_319] : memref<26x16x100000xf32, #tpu.memory_space<hbm>> -> memref<1x16x128xf32, #tpu.memory_space<hbm>>
        %dma_wait3A_321 = tpu.memref_squeeze %dma_wait3A_320 : memref<1x16x128xf32, #tpu.memory_space<hbm>> -> memref<16x128xf32, #tpu.memory_space<hbm>>
        %dma_wait3A_322 = arith.constant 0 : i32
        %dma_wait3A_323 = arith.constant 0 : i32
        %dma_wait3A_324 = tpu.memref_slice %arg12[%dma_wait3A_322, %dma_wait3A_323] : memref<64x128xf32, #tpu.memory_space<vmem>> -> memref<16x128xf32, #tpu.memory_space<vmem>>
        %dma_wait3A_325 = arith.constant 0 : i32
        %dma_wait3A_326 = arith.constant 0 : i32
        %dma_wait3A_327 = tpu.memref_slice %arg2[%dma_wait3A, %dma_wait3A_325, %dma_wait3A_326] : memref<26x16x100000xf32, #tpu.memory_space<hbm>> -> memref<1x16x128xf32, #tpu.memory_space<hbm>>
        %dma_wait3A_328 = tpu.memref_squeeze %dma_wait3A_327 : memref<1x16x128xf32, #tpu.memory_space<hbm>> -> memref<16x128xf32, #tpu.memory_space<hbm>>
        tpu.wait_dma2 semaphore(%arg20 : memref<!tpu.dma_semaphore, #tpu.memory_space<semaphore_mem>>) src(%dma_wait3A_328 : memref<16x128xf32, #tpu.memory_space<hbm>>) dst(%dma_wait3A_324 : memref<16x128xf32, #tpu.memory_space<vmem>>)
      } else {
      }
    } else {
    }
    return
  }
}

module attributes {stable_mosaic.version = 14 : i64} {
  func.func @_mlp_body(%arg0: i32, %arg1: memref<2048x13xf32, #tpu.memory_space<vmem>>, %arg2: memref<2048x416xf32, #tpu.memory_space<vmem>>, %arg3: memref<13x200xf32, #tpu.memory_space<vmem>>, %arg4: memref<416x200xf32, #tpu.memory_space<vmem>>, %arg5: memref<1x200xf32, #tpu.memory_space<vmem>>, %arg6: memref<200x50xf32, #tpu.memory_space<vmem>>, %arg7: memref<1x50xf32, #tpu.memory_space<vmem>>, %arg8: memref<50x2xf32, #tpu.memory_space<vmem>>, %arg9: memref<1x2xf32, #tpu.memory_space<vmem>>, %arg10: memref<2048x2xf32, #tpu.memory_space<vmem>>) attributes {dimension_semantics = [#tpu.dimension_semantics<arbitrary>], iteration_bounds = array<i64: 8>, scalar_prefetch = 0 : i64, scratch_operands = 0 : i64, tpu.core_type = #tpu.core_type<tc>, window_params = [{transform_indices = @transform_0, window_bounds = array<i64: 2048, 13>}, {transform_indices = @transform_1, window_bounds = array<i64: 2048, 416>}, {pipeline_mode = #tpu.pipeline_mode<synchronous>, transform_indices = @transform_2, window_bounds = array<i64: 13, 200>}, {pipeline_mode = #tpu.pipeline_mode<synchronous>, transform_indices = @transform_3, window_bounds = array<i64: 416, 200>}, {pipeline_mode = #tpu.pipeline_mode<synchronous>, transform_indices = @transform_4, window_bounds = array<i64: 1, 200>}, {pipeline_mode = #tpu.pipeline_mode<synchronous>, transform_indices = @transform_5, window_bounds = array<i64: 200, 50>}, {pipeline_mode = #tpu.pipeline_mode<synchronous>, transform_indices = @transform_6, window_bounds = array<i64: 1, 50>}, {pipeline_mode = #tpu.pipeline_mode<synchronous>, transform_indices = @transform_7, window_bounds = array<i64: 50, 2>}, {pipeline_mode = #tpu.pipeline_mode<synchronous>, transform_indices = @transform_8, window_bounds = array<i64: 1, 2>}, {transform_indices = @transform_9, window_bounds = array<i64: 2048, 2>}]} {
    %get3A = arith.constant 0 : index
    %get3A_0 = arith.constant 0 : index
    %get3A_1 = vector.load %arg1[%get3A, %get3A_0] : memref<2048x13xf32, #tpu.memory_space<vmem>>, vector<2048x13xf32>
    %get3A_2 = arith.constant 0 : index
    %get3A_3 = arith.constant 0 : index
    %get3A_4 = vector.load %arg3[%get3A_2, %get3A_3] : memref<13x200xf32, #tpu.memory_space<vmem>>, vector<13x200xf32>
    %dot_general3A = arith.constant dense<0.000000e+00> : vector<2048x200xf32>
    %dot_general3A_5 = tpu.matmul %get3A_1, %get3A_4, %dot_general3A {dimension_numbers = #tpu.dot_dimension_numbers<[1], [0], [0], [1], [0, 0, 1, 1], [], []>, transpose_lhs_hint = false} : vector<2048x13xf32>, vector<13x200xf32>, vector<2048x200xf32> -> vector<2048x200xf32>
    %get3A_6 = arith.constant 0 : index
    %get3A_7 = arith.constant 0 : index
    %get3A_8 = vector.load %arg2[%get3A_6, %get3A_7] : memref<2048x416xf32, #tpu.memory_space<vmem>>, vector<2048x416xf32>
    %get3A_9 = arith.constant 0 : index
    %get3A_10 = arith.constant 0 : index
    %get3A_11 = vector.load %arg4[%get3A_9, %get3A_10] : memref<416x200xf32, #tpu.memory_space<vmem>>, vector<416x200xf32>
    %dot_general3A_12 = arith.constant dense<0.000000e+00> : vector<2048x200xf32>
    %dot_general3A_13 = tpu.matmul %get3A_8, %get3A_11, %dot_general3A_12 {dimension_numbers = #tpu.dot_dimension_numbers<[1], [0], [0], [1], [0, 0, 1, 1], [], []>, transpose_lhs_hint = false} : vector<2048x416xf32>, vector<416x200xf32>, vector<2048x200xf32> -> vector<2048x200xf32>
    %add3A = arith.addf %dot_general3A_5, %dot_general3A_13 : vector<2048x200xf32>
    %get3A_14 = arith.constant 0 : index
    %get3A_15 = arith.constant 0 : index
    %get3A_16 = vector.load %arg5[%get3A_14, %get3A_15] : memref<1x200xf32, #tpu.memory_space<vmem>>, vector<1x200xf32>
    %add3A_17 = vector.broadcast %get3A_16 : vector<1x200xf32> to vector<2048x200xf32>
    %add3A_18 = arith.addf %add3A, %add3A_17 : vector<2048x200xf32>
    %max3A = arith.constant 0.000000e+00 : f32
    %max3A_19 = vector.broadcast %max3A : f32 to vector<2048x200xf32>
    %max3A_20 = arith.maximumf %add3A_18, %max3A_19 : vector<2048x200xf32>
    %get3A_21 = arith.constant 0 : index
    %get3A_22 = arith.constant 0 : index
    %get3A_23 = vector.load %arg6[%get3A_21, %get3A_22] : memref<200x50xf32, #tpu.memory_space<vmem>>, vector<200x50xf32>
    %dot_general3A_24 = arith.constant dense<0.000000e+00> : vector<2048x50xf32>
    %dot_general3A_25 = tpu.matmul %max3A_20, %get3A_23, %dot_general3A_24 {dimension_numbers = #tpu.dot_dimension_numbers<[1], [0], [0], [1], [0, 0, 1, 1], [], []>, transpose_lhs_hint = false} : vector<2048x200xf32>, vector<200x50xf32>, vector<2048x50xf32> -> vector<2048x50xf32>
    %get3A_26 = arith.constant 0 : index
    %get3A_27 = arith.constant 0 : index
    %get3A_28 = vector.load %arg7[%get3A_26, %get3A_27] : memref<1x50xf32, #tpu.memory_space<vmem>>, vector<1x50xf32>
    %add3A_29 = vector.broadcast %get3A_28 : vector<1x50xf32> to vector<2048x50xf32>
    %add3A_30 = arith.addf %dot_general3A_25, %add3A_29 : vector<2048x50xf32>
    %max3A_31 = arith.constant 0.000000e+00 : f32
    %max3A_32 = vector.broadcast %max3A_31 : f32 to vector<2048x50xf32>
    %max3A_33 = arith.maximumf %add3A_30, %max3A_32 : vector<2048x50xf32>
    %get3A_34 = arith.constant 0 : index
    %get3A_35 = arith.constant 0 : index
    %get3A_36 = vector.load %arg8[%get3A_34, %get3A_35] : memref<50x2xf32, #tpu.memory_space<vmem>>, vector<50x2xf32>
    %dot_general3A_37 = arith.constant dense<0.000000e+00> : vector<2048x2xf32>
    %dot_general3A_38 = tpu.matmul %max3A_33, %get3A_36, %dot_general3A_37 {dimension_numbers = #tpu.dot_dimension_numbers<[1], [0], [0], [1], [0, 0, 1, 1], [], []>, transpose_lhs_hint = false} : vector<2048x50xf32>, vector<50x2xf32>, vector<2048x2xf32> -> vector<2048x2xf32>
    %get3A_39 = arith.constant 0 : index
    %get3A_40 = arith.constant 0 : index
    %get3A_41 = vector.load %arg9[%get3A_39, %get3A_40] : memref<1x2xf32, #tpu.memory_space<vmem>>, vector<1x2xf32>
    %add3A_42 = vector.broadcast %get3A_41 : vector<1x2xf32> to vector<2048x2xf32>
    %add3A_43 = arith.addf %dot_general3A_38, %add3A_42 : vector<2048x2xf32>
    %reduce_max3A = arith.constant dense<0xFF800000> : vector<2048xf32>
    %reduce_max3A_44 = vector.multi_reduction <maximumf>, %add3A_43, %reduce_max3A [1] : vector<2048x2xf32> to vector<2048xf32>
    %broadcast_in_dim3A = vector.shape_cast %reduce_max3A_44 : vector<2048xf32> to vector<2048x1xf32>
    %sub3A = vector.broadcast %broadcast_in_dim3A : vector<2048x1xf32> to vector<2048x2xf32>
    %sub3A_45 = arith.subf %add3A_43, %sub3A : vector<2048x2xf32>
    %exp3A = math.exp %sub3A_45 : vector<2048x2xf32>
    %reduce_sum3A = arith.constant dense<0.000000e+00> : vector<2048xf32>
    %reduce_sum3A_46 = vector.multi_reduction <add>, %exp3A, %reduce_sum3A [1] : vector<2048x2xf32> to vector<2048xf32>
    %broadcast_in_dim3A_47 = vector.shape_cast %reduce_sum3A_46 : vector<2048xf32> to vector<2048x1xf32>
    %div3A = vector.broadcast %broadcast_in_dim3A_47 : vector<2048x1xf32> to vector<2048x2xf32>
    %div3A_48 = arith.divf %exp3A, %div3A : vector<2048x2xf32>
    %swap3A = arith.constant 0 : index
    %swap3A_49 = arith.constant 0 : index
    %swap3A_50 = vector.load %arg10[%swap3A, %swap3A_49] : memref<2048x2xf32, #tpu.memory_space<vmem>>, vector<2048x2xf32>
    tpu.vector_store %arg10[%swap3A, %swap3A_49], %div3A_48 {strides = array<i32>} : memref<2048x2xf32, #tpu.memory_space<vmem>>, vector<2048x2xf32>,
    return
  }
  func.func @transform_0(%arg0: i32) -> (i32, i32) {
    %c0_i32 = arith.constant 0 : i32
    %c0_i32_0 = arith.constant 0 : i32
    return %arg0, %c0_i32 : i32, i32
  }
  func.func @transform_1(%arg0: i32) -> (i32, i32) {
    %c0_i32 = arith.constant 0 : i32
    %c0_i32_0 = arith.constant 0 : i32
    return %arg0, %c0_i32 : i32, i32
  }
  func.func @transform_2(%arg0: i32) -> (i32, i32) {
    %c0_i32 = arith.constant 0 : i32
    %c0_i32_0 = arith.constant 0 : i32
    %c0_i32_1 = arith.constant 0 : i32
    return %c0_i32, %c0_i32_0 : i32, i32
  }
  func.func @transform_3(%arg0: i32) -> (i32, i32) {
    %c0_i32 = arith.constant 0 : i32
    %c0_i32_0 = arith.constant 0 : i32
    %c0_i32_1 = arith.constant 0 : i32
    return %c0_i32, %c0_i32_0 : i32, i32
  }
  func.func @transform_4(%arg0: i32) -> (i32, i32) {
    %c0_i32 = arith.constant 0 : i32
    %c0_i32_0 = arith.constant 0 : i32
    %c0_i32_1 = arith.constant 0 : i32
    return %c0_i32, %c0_i32_0 : i32, i32
  }
  func.func @transform_5(%arg0: i32) -> (i32, i32) {
    %c0_i32 = arith.constant 0 : i32
    %c0_i32_0 = arith.constant 0 : i32
    %c0_i32_1 = arith.constant 0 : i32
    return %c0_i32, %c0_i32_0 : i32, i32
  }
  func.func @transform_6(%arg0: i32) -> (i32, i32) {
    %c0_i32 = arith.constant 0 : i32
    %c0_i32_0 = arith.constant 0 : i32
    %c0_i32_1 = arith.constant 0 : i32
    return %c0_i32, %c0_i32_0 : i32, i32
  }
  func.func @transform_7(%arg0: i32) -> (i32, i32) {
    %c0_i32 = arith.constant 0 : i32
    %c0_i32_0 = arith.constant 0 : i32
    %c0_i32_1 = arith.constant 0 : i32
    return %c0_i32, %c0_i32_0 : i32, i32
  }
  func.func @transform_8(%arg0: i32) -> (i32, i32) {
    %c0_i32 = arith.constant 0 : i32
    %c0_i32_0 = arith.constant 0 : i32
    %c0_i32_1 = arith.constant 0 : i32
    return %c0_i32, %c0_i32_0 : i32, i32
  }
  func.func @transform_9(%arg0: i32) -> (i32, i32) {
    %c0_i32 = arith.constant 0 : i32
    %c0_i32_0 = arith.constant 0 : i32
    return %arg0, %c0_i32 : i32, i32
  }
}

</mosaic_0001>

<sc_bundles>
// kernel: kernel.5.cloned.1.call-start
scs
__scs_entry_jumppad:
0x0: {  	(pc) =	sbr.rel $0x88, $3  }
0x1: {  	(tag) =	ssettag $0x0;
	lr =	simm.s32 $0x1  }
0x2: {  	[smem:$0x3F98] =	sst lr;
	_ =	strace $0xD0000000  }
0x3: {  	_ = 	snop  }
0x4: {  	_ = 	snop  }
0x5: {  	_ = 	snop  }
0x6: {  	_ = 	snop  }
0x7: {  	_ = 	snop  }
__scs_overlays_trampoline_lowered:
0x8: {  	[smem:$0x3FA7] =	sst s0  }
0x9: {  	[smem:$0x3FA8] =	sst s1  }
0xa: {  	[smem:$0x3FA9] =	sst s2  }
0xb: {  	[smem:$0x3FAA] =	sst s3  }
0xc: {  	[smem:$0x3FAB] =	sst s4  }
0xd: {  	[smem:$0x3FAC] =	sst s5  }
0xe: {  	[smem:$0x3FAD] =	sst s6  }
0xf: {  	[smem:$0x3FAE] =	sst s7  }
0x10: {  	[smem:$0x3FAF] =	sst s8  }
0x11: {  	[smem:$0x3FB0] =	sst s9;
	s0 =	simm.s32 @!p0 $0x0  }
0x12: {  	s1 =	sld [smem:$0x3F96];
	s0 =	simm.s32 @p0 $0x1  }
0x13: {  	[smem:$0x3FB1] =	sst s0;
	s0 =	simm.s32 @!p1 $0x0  }
0x14: {  	s2 =	sld [smem:$0x3F95];
	s0 =	simm.s32 @p1 $0x1  }
0x15: {  	[smem:$0x3FB2] =	sst s0;
	s0 =	simm.s32 @!p2 $0x0  }
0x16: {  	s3 =	sld [smem:$0x3FDB];
	s0 =	simm.s32 @p2 $0x1  }
0x17: {  	s4 =	simm.s32 $0x1BF5;
	[smem:$0x3FB4] =	sst s0  }
0x18: {  	s0 =	sld [smem:$0x3F97];
	_ =	swait.ge [sflag:s4], $0x0  }
0x19: {  	s7 =	sld [smem:$0x3F98]  }
0x1a: {  	s8 =	sadd.s32 $0xFFFFE003, lr  }
0x1b: {  	s9 =	sadd.s32 $0xFFFFFEF7, lr;
	s5 =	simm.s32 $0xFFFFFFFF;
	p2 =	slt.u32 s8, $0xFFFFF086  }
0x1c: {  	p1 =	slt.u32 s9, $0xF7A;
	s5 =	simm.s32 @!p2 $0x0  }
0x1d: {  	s5 =	simm.s32 @p1 $0x1;
	p0 =	seq.s32 s7, s2  }
0x1e: {  	s7 =	smul.u32 @!p0 $0xF7A, s2;
	p2 =	seq.s32 @!p0 s5, $0x0  }
0x1f: {  	s9 =	smul.u32 $0xF7A, s1;
	s8 =	simm.s32 @!p0 $0x1BF5;
	p2 =	por !p2, p0  }
0x20: {  	[sflag:s8] =	ssyncset.s32 @!p0 $0xFFFFF086;
	s6 =	sadd.s32 @!p0 s3, s7;
	s7 =	simm.s32 @!p0 $0x108  }
0x21: {  	s3 =	sadd.s32 s3, s9;
	s6 =	sadd.s32 @!p0 $0x88, s6;
	s7 =	simm.s32 @p2 $0x1082  }
0x22: {  	[simem:s7], [sflag:s8] =	dma.local @!p0 [hbm:s6], $0xF7A  }
0x23: {  	s9 =	sor.u32 $0xD0000000, s2;
	s6 =	simm.s32 $0x108;
	_ =	swait.ge @!p0 [sflag:s8], $0x0  }
0x24: {  	s3 =	sadd.s32 $0x88, s3;
	s6 =	simm.s32 @!p1 $0x1082;
	[sflag:s4] =	ssyncset.s32 $0xFFFFF086  }
0x25: {  	[simem:s6], [sflag:s4] =	dma.local [hbm:s3], $0xF7A  }
0x26: {  	[smem:$0x3F98] =	sst s1;
	(tag) =	ssettag s2;
	_ =	strace s9  }
0x27: {  	s1 =	sld [smem:$0x3FA8]  }
0x28: {  	s2 =	sld [smem:$0x3FA9]  }
0x29: {  	s4 =	sld [smem:$0x3FAB]  }
0x2a: {  	p0 =	seq.s32 s5, $0x0;
	s5 =	sld [smem:$0x3FAC]  }
0x2b: {  	s6 =	sld [smem:$0x3FAD]  }
0x2c: {  	s7 =	sld [smem:$0x3FAE]  }
0x2d: {  	s3 =	simm.s32 $0x108;
	s8 =	sld [smem:$0x3FAF]  }
0x2e: {  	s3 =	simm.s32 @!p0 $0x1082;
	s9 =	sld [smem:$0x3FB0]  }
0x2f: {  	lr =	sadd.s32 s0, s3;
	s0 =	sld [smem:$0x3FA7]  }
0x30: {  	s3 =	sld [smem:$0x3FAA]  }
0x31: {  	[smem:$0x3FB3] =	sst s10  }
0x32: {  	s10 =	sld [smem:$0x3FB1];
	_ =	sdelay $0x3  }
0x33: {  	p0 =	seq.s32 s10, $0x1;
	s10 =	sld [smem:$0x3FB3];
	_ =	sdelay $0x3  }
0x34: {  	[smem:$0x3FB3] =	sst s10  }
0x35: {  	s10 =	sld [smem:$0x3FB2];
	_ =	sdelay $0x3  }
0x36: {  	p1 =	seq.s32 s10, $0x1;
	s10 =	sld [smem:$0x3FB3];
	_ =	sdelay $0x3  }
0x37: {  	[smem:$0x3FB3] =	sst s10  }
0x38: {  	s10 =	sld [smem:$0x3FB4]  }
0x39: {  	_ = 	snop;
	(pc) =	sbr.ind lr, $3  }
0x3a: {  	_ = 	snop  }
0x3b: {  	_ = 	snop  }
0x3c: {  	p2 =	seq.s32 s10, $0x1;
	s10 =	sld [smem:$0x3FB3]  }
0x3d: {  	_ =	shalt  }
0x3e: {  	_ =	shalt  }
0x3f: {  	_ =	shalt  }
0x40: {  	_ =	shalt  }
0x41: {  	_ =	shalt  }
0x42: {  	_ =	shalt  }
0x43: {  	_ =	shalt  }
0x44: {  	_ =	shalt  }
0x45: {  	_ =	shalt  }
0x46: {  	_ =	shalt  }
0x47: {  	_ =	shalt  }
0x48: {  	_ =	shalt  }
0x49: {  	_ =	shalt  }
0x4a: {  	_ =	shalt  }
0x4b: {  	_ =	shalt  }
0x4c: {  	_ =	shalt  }
0x4d: {  	_ =	shalt  }
0x4e: {  	_ =	shalt  }
0x4f: {  	_ =	shalt  }
0x50: {  	_ =	shalt  }
0x51: {  	_ =	shalt  }
0x52: {  	_ =	shalt  }
0x53: {  	_ =	shalt  }
0x54: {  	_ =	shalt  }
0x55: {  	_ =	shalt  }
0x56: {  	_ =	shalt  }
0x57: {  	_ =	shalt  }
0x58: {  	_ =	shalt  }
0x59: {  	_ =	shalt  }
0x5a: {  	_ =	shalt  }
0x5b: {  	_ =	shalt  }
0x5c: {  	_ =	shalt  }
0x5d: {  	_ =	shalt  }
0x5e: {  	_ =	shalt  }
0x5f: {  	_ =	shalt  }
0x60: {  	_ =	shalt  }
0x61: {  	_ =	shalt  }
0x62: {  	_ =	shalt  }
0x63: {  	_ =	shalt  }
0x64: {  	_ =	shalt  }
0x65: {  	_ =	shalt  }
0x66: {  	_ =	shalt  }
0x67: {  	_ =	shalt  }
0x68: {  	_ =	shalt  }
0x69: {  	_ =	shalt  }
0x6a: {  	_ =	shalt  }
0x6b: {  	_ =	shalt  }
0x6c: {  	_ =	shalt  }
0x6d: {  	_ =	shalt  }
0x6e: {  	_ =	shalt  }
0x6f: {  	_ =	shalt  }
0x70: {  	_ =	shalt  }
0x71: {  	_ =	shalt  }
0x72: {  	_ =	shalt  }
0x73: {  	_ =	shalt  }
0x74: {  	_ =	shalt  }
0x75: {  	_ =	shalt  }
0x76: {  	_ =	shalt  }
0x77: {  	_ =	shalt  }
0x78: {  	_ =	shalt  }
0x79: {  	_ =	shalt  }
0x7a: {  	_ =	shalt  }
0x7b: {  	_ =	shalt  }
0x7c: {  	_ =	shalt  }
0x7d: {  	_ =	shalt  }
0x7e: {  	_ =	shalt  }
0x7f: {  	_ =	shalt  }
0x80: {  	_ =	shalt  }
0x81: {  	_ =	shalt  }
0x82: {  	_ =	shalt  }
0x83: {  	_ =	shalt  }
0x84: {  	_ =	shalt  }
0x85: {  	_ =	shalt  }
0x86: {  	_ =	shalt  }
0x87: {  	_ =	shalt  }
.Lfunc_end0:
.L_simem_size_0:
called_computation_lowered:
.L_overlay_start_0:
0x88: {  	s2 =	sld [smem:$0x3FD9]  }
0x89: {  	s3 =	sld [smem:$0x3FFE];
	_ =	sdelay $0x1  }
0x8a: {  	s1 =	srdreg.scid  }
0x8b: {  	s0 =	sand.u32 $0x1, s1  }
0x8c: {  	s17 =	sshll.u32 s0, $0xA;
	s2 =	sadd.s32 s3, s2  }
0x8d: {  	s2 =	sadd.s32 s2, s17  }
0x8e: {  	[smem:$0x3FBF] =	sst s2  }
0x8f: {  	_ = 	snop  }
0x90: {  	s2 =	sld [smem:$0x3FC7];
	(tm) =	ssettm $0x1  }
0x91: {  	s18 =	sld [smem:$0x3FFB];
	_ =	sdelay $0x3  }
0x92: {  	_ =	strace s18  }
0x93: {  	s3 =	sld [smem:$0x3FFC];
	_ =	sdelay $0x3  }
0x94: {  	_ =	strace s3  }
0x95: {  	s3 =	sld [smem:$0x3FFD];
	_ =	sdelay $0x3  }
0x96: {  	_ =	strace s3  }
0x97: {  	_ =	strace $0x8FFFFFFF  }
0x98: {  	s19 =	sld [smem:$0x3FDB];
	_ =	sdelay $0x1  }
0x99: {  	s4 =	simm.s32 $_scs_section_size  }
0x9a: {  	s5 =	simm.s32 $_size__tile_overlayer_lowered;
	s6 =	simm.s32 $_tile_overlayer_lowered  }
0x9b: {  	s22 =	simm.s32 $0x1BFF;
	s21 =	sshll.u32 s6, $0x1;
	s3 =	sadd.s32 s4, s19  }
0x9c: {  	s7 =	simm.s32 $0x0;
	s20 =	sshll.u32 s5, $0x1;
	s5 =	sadd.s32 s21, s3  }
0x9d: {  	[timem:s7], [sflag:s22] =	dma.local [hbm:s5], s20  }
0x9e: {  	_ =	swait.ge [sflag:s22], s20  }
0x9f: {  	s4 =	ssub.s32 $0x0, s20;
	[sflag:s22] =	ssyncset.done $0x0  }
0xa0: {  	[sflag:s22] =	ssyncadd.s32 s4;
	_ =	sdelay $0x1  }
0xa1: {  	s23 =	simm.s32 $0x1B8B  }
0xa2: {  	_ =	swait.ge [sflag:s23], $0x1  }
0xa3: {  	[sflag:s23] =	ssyncset.done $0x0  }
0xa4: {  	s25 =	simm.s32 $0x1B8E;
	s24 =	sld [smem:$0x3FFE];
	[sflag:s23] =	ssyncadd.s32 $0xFFFFFFFF  }
0xa5: {  	s26 =	simm.s32 $execute0_lowered;
	[smem:$0x3FD2] =	sst s25  }
0xa6: {  	s5 =	sshll.u32 s26, $0x1;
	_ =	strace $0x80000046;
	[dreg:$0x1] =	wrdreg $0xFFFFFFFF  }
0xa7: {  	s28 =	simm.s32 $_size_execute0_lowered;
	s3 =	sadd.s32 s3, s5;
	[dreg:$0x0] =	wrdreg $0x0  }
0xa8: {  	s5 =	sshll.u32 s28, $0x1;
	[dreg:$0x2] =	wrdreg s3  }
0xa9: {  	[dreg:$0x3] =	wrdreg s5  }
0xaa: {  	[dreg:$0x4] =	wrdreg $0xC0  }
0xab: {  	_ =	task [dreg:s7], $0x5FFFF  }
0xac: {  	[dreg:$0x1] =	wrdreg $0xFFFFFFFF  }
0xad: {  	[dreg:$0x0] =	wrdreg $0x60  }
0xae: {  	[dreg:$0x2] =	wrdreg s2  }
0xaf: {  	[dreg:$0x3] =	wrdreg s24  }
0xb0: {  	[dreg:$0x4] =	wrdreg $0x9  }
0xb1: {  	_ =	task.clear_ibuf [dreg:s7], $0x5FFFF;
	_ =	strace $0x90000046  }
0xb2: {  	s29 =	simm.s32 $0x9;
	_ =	strace $0x80000048  }
0xb3: {  	_ =	swait.ge [sflag:s29], $0x1  }
0xb4: {  	[sflag:s29] =	ssyncadd.s32 $0xFFFFFFFF  }
0xb5: {  	_ =	strace $0x90000048  }
0xb6: {  	_ =	sfence  }
0xb7: {  	s30 =	sld [smem:$0x0];
	_ =	sdelay $0x2  }
0xb8: {  	s31 =	sshll.u32 s1, $0xD;
	s1 =	sshrl.u32 s1, $0x2  }
0xb9: {  	s3 =	sand.u32 $0x4000, s31;
	s1 =	sadd.s32 s1, s30  }
0xba: {  	s0 =	sor.u32 s3, s0;
	s1 =	sshll.u32 s1, $0x11  }
0xbb: {  	s0 =	sor.u32 s1, s0  }
0xbc: {  	s0 =	sadd.s32 $0x8F2B, s0  }
0xbd: {  	[sflag:s0] =	ssyncadd.remote.s32 $0x1  }
0xbe: {  	_ =	sfence.sel $0xFFFF  }
0xbf: {  	[dreg:$0x0] =	wrdreg $0xFFFFFFFF;
	(pc) =	sbr.abs _section_cstart, $3  }
0xc0: {  	[dreg:$0x1] =	wrdreg $0xFFFFFFFF  }
0xc1: {  	_ =	task.clear_ibuf [dreg:s7], $0x2FFFF;
	_ =	strace $0x9FFFFFFF  }
0xc2: {  	(tm) =	ssettm $0x7FFFFFFF  }
0xc3: {  	_ =	shalt  }
tec
execute0_lowered:
.L_overlay_start_1:
0x0: {  	(tag) =	ssettag $0x1  }
0x1: {  	s1 =	rddreg [dreg:$0x0]  }
0x2: {  	s0 =	rddreg [dreg:$0x1];
	s3 =	srdreg.scid;
	s2 =	simm.s32 $0x0  }
0x3: {  	s7 =	stileid.u32;
	s21 =	simm.s32 $0x1000;
	s3 =	sand.u32 $0x1, s3  }
0x4: {  	[smem:$0x7FF] =	sst s2;
	s9 =	sshll.u32 s7, $0x1;
	s4 =	sadd.s32 $0x1C00, s0  }
0x5: {  	s5 =	sadd.s32 $0x3600, s0;
	s24 =	sshll.u32 s7, $0xD;
	p1 =	sne.s32 s7, $0x0  }
0x6: {  	s7 =	simm.s32 $0x0;
	s8 =	sor.u32 $0x1400, s3;
	_ =	strace $0x80000047  }
0x7: {  	[dreg:$0x3] =	wrdreg s4;
	s6 =	sor.u32 s3, s9;
	s22 =	ssub.s32 $0x2, s3  }
0x8: {  	s25 =	sshll.u32 s3, $0xC;
	s13 =	sor.u32 $0x80, s9;
	s15 =	sor.u32 $0xA0, s9  }
0x9: {  	s17 =	sor.u32 $0xC0, s9;
	s19 =	sor.u32 $0x60, s9;
	s10 =	smul.u32 $0x14CB, s8  }
0xa: {  	s11 =	sshll.u32 s6, $0x9;
	s12 =	sshrl.u32 s22, $0x1;
	s26 =	sor.u32 s25, s24  }
0xb: {  	s28 =	sor.u32 $0x80, s6;
	[dreg:$0x8] =	wrdreg s26;
	s10 =	sshrl.u32 s10, $0x14  }
0xc: {  	s29 =	sor.u32 $0xA0, s6;
	[dreg:$0x9] =	wrdreg s28;
	s10 =	smul.u32 $0xC5, s10  }
0xd: {  	s30 =	sor.u32 $0xC0, s6;
	s31 =	sor.u32 $0x60, s6;
	[dreg:$0xa] =	wrdreg s29  }
0xe: {  	s0 =	ssub.s32 s22, s12;
	[dreg:$0xb] =	wrdreg s30;
	s8 =	ssub.s32 s8, s10  }
0xf: {  	[dreg:$0xc] =	wrdreg s31;
	s0 =	smax.u32 s0, $0x1;
	p0 =	sgt.u32 @!p1 s8, $0xC2  }
0x10: {  	[dreg:$0x7] =	wrdreg s0;
	s0 =	sshll.u32 s31, $0x6;
	p2 =	por !p0, p1  }
0x11: {  	s23 =	sadd.s32 s1, s11;
	[dreg:$0xd] =	wrdreg s0;
	s0 =	simm.s32 @!p2 $0x0  }
0x12: {  	s11 =	sadd.s32 $0x4000, s23;
	[dreg:$0x4] =	wrdreg s23;
	s0 =	simm.s32 @p2 $0x1  }
.Ltmp0:
0x13: {  	[smem:$0x7FB] =	sst s0;
	s0 =	simm.s32 @!p1 $0x0;
	(pc) =	sbr.rel .LBB2_1-.Ltmp0, $4  }
0x14: {  	[dreg:$0x5] =	wrdreg s11;
	p0 =	por p0, p1;
	s0 =	simm.s32 @p1 $0x1  }
0x15: {  	s4 =	sadd.s32 $0x8000, s23;
	[smem:$0x7FC] =	sst s0;
	s0 =	simm.s32 @!p0 $0x0  }
0x16: {  	s24 =	simm.s32 $0x4000;
	[dreg:$0x6] =	wrdreg s4;
	s0 =	simm.s32 @p0 $0x1  }
0x17: {  	s22 =	simm.s32 $0xC3800;
	s23 =	simm.s32 $0x2000;
	[smem:$0x7FD] =	sst s0  }
.LBB2_29:
0x18: {  	s0 =	sld [smem:$0x7FB];
	_ =	sdelay $0x2  }
0x19: {  	p0 =	seq.s32 s0, $0x1  }
0x1a: {  	s0 =	simm.s32 @!p0 $0x5  }
0x1b: {  	_ =	swait.ge @!p0 [sflag:s0], $0x800  }
0x1c: {  	s31 =	sld [smem:$0x7FD];
	_ =	sdelay $0x2  }
0x1d: {  	[sflag:s0] =	ssyncset.done @!p0 $0x0;
	p1 =	seq.s32 s31, $0x1  }
0x1e: {  	[sflag:s0] =	ssyncadd.s32 @!p0 $0xFFFFF800;
	s0 =	simm.s32 @!p1 $0x5  }
0x1f: {  	_ =	swait.ge @!p1 [sflag:s0], $0x2000  }
0x20: {  	s7 =	rddreg [dreg:$0xe]  }
0x21: {  	s4 =	rddreg [dreg:$0x7];
	s7 =	sadd.s32 $0x1, s7  }
0x22: {  	p0 =	sne.s32 s7, s4  }
.Ltmp1:
0x23: {  	_ = 	snop;
	(pc) =	sbr.rel @!p0 .LBB2_30-.Ltmp1, $3  }
0x24: {  	_ =	sdelay $0x1  }
0x25: {  	[sflag:s0] =	ssyncset.done @!p1 $0x0  }
0x26: {  	[sflag:s0] =	ssyncadd.s32 @!p1 $0xFFFFE000  }
.LBB2_1:
0x27: {  	[dreg:$0xe] =	wrdreg s7  }
0x28: {  	s0 =	rddreg [dreg:$0x4]  }
0x29: {  	s29 =	rddreg [dreg:$0x5]  }
0x2a: {  	s30 =	rddreg [dreg:$0x6]  }
0x2b: {  	s31 =	rddreg [dreg:$0xd]  }
0x2c: {  	s18 =	rddreg [dreg:$0xc]  }
0x2d: {  	s16 =	rddreg [dreg:$0xb]  }
0x2e: {  	[tilespmem:s2], [sflag:$0x1] =	stream.strided.gather [hbm4b:s0+s21], $0x2000, s22, s21, $0x38;
	[tilespmem:$0x10000] =	vst v63  }
.Ltmp2:
0x2f: {  	s14 =	rddreg [dreg:$0xa];
	(pc) =	sbr.rel .LBB2_2-.Ltmp2, $4  }
0x30: {  	s12 =	rddreg [dreg:$0x9]  }
0x31: {  	[tilespmem:s23], [sflag:$0x2] =	stream.strided.gather [hbm4b:s29+s21], $0x2000, s22, s21, $0x38;
	[tilespmem:$0x10000] =	vst v63  }
0x32: {  	s11 =	rddreg [dreg:$0x8];
	s10 =	simm.s32 $0x0  }
0x33: {  	[tilespmem:s24], [sflag:$0x3] =	stream.strided.gather [hbm4b:s30+s21], $0x2000, s22, s21, $0x38;
	[tilespmem:$0x10000] =	vst v63  }
.LBB2_23:
0x34: {  	s4 =	smulhi.u32 $0x4CAB8873, s16;
	_ =	sdelay $0x1  }
0x35: {  	s25 =	ssub.s32 s16, s4  }
0x36: {  	s25 =	sshrl.u32 s25, $0x1  }
0x37: {  	s4 =	sadd.s32 s4, s25  }
0x38: {  	s26 =	sshrl.u32 s4, $0x7  }
0x39: {  	s28 =	smul.u32 $0xC5, s26;
	_ =	sdelay $0x1  }
0x3a: {  	s29 =	sadd.s32 $0xC0, s7;
	s30 =	ssub.s32 s17, s28  }
0x3b: {  	p0 =	sgt.u32 s29, $0x1401;
	s0 =	sadd.s32 s30, s0  }
0x3c: {  	p1 =	sgt.u32 @!p0 s0, $0xC2  }
0x3d: {  	p1 =	por p0, p1  }
.Ltmp3:
0x3e: {  	_ = 	snop;
	(pc) =	sbr.rel @p1 .LBB2_25-.Ltmp3, $1  }
0x3f: {  	_ =	sdelay $0x3  }
0x40: {  	s0 =	smul.u32 $0xC2000, s26;
	_ =	sdelay $0x1  }
0x41: {  	s0 =	sadd.s32 s0, s11  }
0x42: {  	s0 =	sadd.s32 $0xC0000, s0  }
0x43: {  	s0 =	sshrl.u32 s0, $0x3  }
0x44: {  	s0 =	sadd.s32 s1, s0  }
0x45: {  	[tilespmem:s24], [sflag:$0x3] =	stream.strided.gather [hbm4b:s0+s21], $0x2000, s22, s21, $0x38;
	[tilespmem:$0x10000] =	vst v63  }
.LBB2_28:
0x46: {  	p0 =	seq.s32 @!p3 s10, $0x0  }
0x47: {  	p1 =	por p0, p3  }
0x48: {  	s0 =	sadd.s32 @!p1 s10, s6  }
0x49: {  	s0 =	sadd.s32 @!p1 $0xFFFFFFE0, s0  }
0x4a: {  	s4 =	smulhi.u32 @!p1 $0x532AE21D, s0;
	s7 =	sshra.s32 @!p1 s0, $0x1F  }
0x4b: {  	s7 =	smul.u32 @!p1 $0x532AE21D, s7;
	_ =	sdelay $0x1  }
0x4c: {  	s4 =	sadd.s32 @!p1 s7, s4  }
0x4d: {  	s7 =	sshrl.u32 @!p1 s4, $0x1F;
	s4 =	sshra.s32 @!p1 s4, $0x6  }
0x4e: {  	s4 =	sadd.s32 @!p1 s7, s4  }
0x4f: {  	s4 =	smul.u32 @!p1 $0xC5, s4;
	_ =	sdelay $0x1  }
0x50: {  	p6 =	por !p4, p3;
	p4 =	por p4, p3;
	s0 =	ssub.s32 @!p1 s0, s4  }
0x51: {  	s30 =	smul.u32 $0x3140, s9;
	s11 =	sadd.s32 $0x80000, s11;
	p2 =	slt.s32 @!p1 s0, $0x0  }
0x52: {  	s12 =	sadd.s32 $0x80, s12;
	s4 =	simm.s32 @!p6 $0x4;
	p2 =	por @!p3 !p2, p0  }
0x53: {  	_ =	swait.ge @!p6 [sflag:s4], $0x800;
	s7 =	sadd.s32 @!p1 $0xC5, s0;
	p2 =	por !p2, p3  }
0x54: {  	s14 =	sadd.s32 $0x80, s14;
	[sflag:s4] =	ssyncset.done @!p6 $0x0;
	s0 =	smov.u32 @p2 s7  }
0x55: {  	[sflag:s4] =	ssyncadd.s32 @!p6 $0xFFFFF800;
	s4 =	simm.s32 @!p4 $0x4;
	p1 =	sgt.s32 @!p1 s0, $0xC2  }
0x56: {  	s16 =	sadd.s32 $0x80, s16;
	_ =	swait.ge @!p4 [sflag:s4], $0x2000;
	p2 =	por @!p3 !p1, p0  }
0x57: {  	s7 =	simm.s32 @!p3 $0x30C0;
	[sflag:s4] =	ssyncset.done @!p4 $0x0;
	p2 =	por p2, p3  }
0x58: {  	[sflag:s4] =	ssyncadd.s32 @!p4 $0xFFFFE000;
	p0 =	por @!p3 p1, p0;
	s0 =	simm.s32 @!p2 $0x8  }
0x59: {  	s4 =	ssub.s32 s31, s30;
	p1 =	slt.u32 @!p3 s8, $0xC3;
	_ =	swait.ge @!p2 [sflag:s0], $0x800  }
0x5a: {  	s8 =	smul.u32 @!p3 $0x30E0, s20;
	p0 =	por p0, p3;
	[sflag:s0] =	ssyncset.done @!p2 $0x0  }
0x5b: {  	[sflag:s0] =	ssyncadd.s32 @!p2 $0xFFFFF800;
	s0 =	simm.s32 @!p0 $0x8;
	p2 =	por !p5, p3  }
0x5c: {  	p1 =	por !p1, p3;
	s7 =	simm.s32 @p2 $0x30D0;
	_ =	swait.ge @!p0 [sflag:s0], $0x2000  }
0x5d: {  	s10 =	sadd.s32 $0x80, s10;
	s4 =	smov.u32 @p1 s7;
	[sflag:s0] =	ssyncset.done @!p0 $0x0  }
0x5e: {  	s4 =	sadd.s32 @!p3 s8, s4;
	[sflag:s0] =	ssyncadd.s32 @!p0 $0xFFFFE000;
	p0 =	sne.s32 s10, $0x1480  }
.Ltmp4:
0x5f: {  	s18 =	sadd.s32 $0x80, s18;
	s0 =	sshll.u32 @!p3 s4, $0x4;
	(pc) =	sbr.rel @!p0 .LBB2_29-.Ltmp4, $4  }
0x60: {  	s7 =	simm.s32 @!p6 $0xE000;
	s4 =	simm.s32 @!p6 $0x0;
	s0 =	sadd.s32 @!p3 s5, s0  }
0x61: {  	[hbm4b:s0+s4] =	stream.linear.scatter @!p6 [tilespmem:s7], [sflag:$0x8], $0x800, $0x38;
	[tilespmem:$0x10000] =	vst v63  }
0x62: {  	s31 =	sadd.s32 $0x2000, s31;
	s4 =	simm.s32 @!p4 $0x0;
	s7 =	simm.s32 @!p4 $0xE000  }
0x63: {  	[hbm4b:s0+s4] =	stream.linear.scatter @!p4 [tilespmem:s7], [sflag:$0x8], $0x2000, $0x38;
	[tilespmem:$0x10000] =	vst v63  }
.LBB2_2:
0x64: {  	s0 =	smulhi.u32 $0x4CAB8873, s18;
	_ =	sdelay $0x1  }
0x65: {  	s7 =	ssub.s32 s18, s0  }
0x66: {  	s7 =	sshrl.u32 s7, $0x1  }
0x67: {  	s0 =	sadd.s32 s0, s7  }
0x68: {  	s7 =	sadd.s32 s10, s6;
	s9 =	sshrl.u32 s0, $0x7  }
0x69: {  	s8 =	sadd.s32 $0x60, s7;
	s26 =	smul.u32 $0xC5, s9  }
0x6a: {  	s20 =	smulhi.u32 $0x4CAB8873, s8  }
0x6b: {  	s0 =	sadd.s32 s10, s3;
	s28 =	ssub.s32 s19, s26  }
0x6c: {  	p3 =	sgt.u32 s8, $0x1401;
	s29 =	ssub.s32 s8, s20;
	s8 =	sadd.s32 s28, s0  }
0x6d: {  	p4 =	sgt.u32 @!p3 s8, $0xC2  }
0x6e: {  	p0 =	por p3, p4  }
.Ltmp5:
0x6f: {  	_ = 	snop;
	(pc) =	sbr.rel @p0 .LBB2_4-.Ltmp5, $4  }
0x70: {  	_ = 	snop  }
0x71: {  	s30 =	sshrl.u32 s29, $0x1  }
0x72: {  	s20 =	sadd.s32 s20, s30  }
0x73: {  	s20 =	sshrl.u32 s20, $0x7  }
0x74: {  	s26 =	smul.u32 $0xC2000, s9;
	_ =	sdelay $0x1  }
.Ltmp6:
0x75: {  	s26 =	sadd.s32 s26, s11;
	(pc) =	sbr.rel .LBB2_7-.Ltmp6, $4  }
0x76: {  	s26 =	sadd.s32 $0x60000, s26  }
0x77: {  	s26 =	sshrl.u32 s26, $0x3  }
0x78: {  	s4 =	simm.s32 $0x6000;
	p5 =	por $0x0, $0x0;
	s26 =	sadd.s32 s1, s26  }
0x79: {  	[tilespmem:s4], [sflag:$0x4] =	stream.strided.gather [hbm4b:s26+s21], $0x2000, s22, s21, $0x38;
	[tilespmem:$0x10000] =	vst v63  }
.LBB2_25:
0x7a: {  	s0 =	ssub.s32 $0xFFFFFFFC, s28  }
0x7b: {  	s0 =	sadd.s32 s0, s7  }
0x7c: {  	p1 =	sne.s32 @!p0 s0, $0xFFFFFFFF  }
0x7d: {  	s4 =	smulhi.u32 $0x4CAB8873, s29;
	p1 =	por p0, p1  }
.Ltmp7:
0x7e: {  	_ = 	snop;
	(pc) =	sbr.rel @p1 .LBB2_27-.Ltmp7, $4  }
0x7f: {  	s25 =	ssub.s32 s29, s4  }
0x80: {  	s30 =	sshrl.u32 s25, $0x1  }
0x81: {  	s4 =	sadd.s32 s4, s30  }
0x82: {  	s7 =	sshrl.u32 s4, $0x7  }
0x83: {  	s0 =	smul.u32 $0x187000, s7;
	_ =	sdelay $0x1  }
0x84: {  	s0 =	sshrl.u32 s0, $0x3  }
.Ltmp8:
0x85: {  	s0 =	sadd.s32 s1, s0;
	(pc) =	sbr.rel .LBB2_28-.Ltmp8, $4  }
0x86: {  	s4 =	sadd.s32 $0x18600, s0  }
0x87: {  	[tilespmem:s24], [sflag:$0x3] =	stream.linear.gather [hbm4b:s4+s2], $0x400, $0x38;
	[tilespmem:$0x10000] =	vst v63  }
0x88: {  	s30 =	simm.s32 $0x5000;
	s0 =	sadd.s32 $0x30D00, s0  }
0x89: {  	[tilespmem:s30], [sflag:$0x3] =	stream.linear.gather [hbm4b:s0+s2], $0x400, $0x38;
	[tilespmem:$0x10000] =	vst v63  }
.LBB2_4:
0x8a: {  	s26 =	ssub.s32 s7, s26  }
0x8b: {  	s26 =	sadd.s32 $0xFFFFFF9C, s26  }
0x8c: {  	p0 =	sne.s32 @!p3 s26, $0xFFFFFFFF  }
0x8d: {  	p0 =	por p3, p0  }
.Ltmp9:
0x8e: {  	_ = 	snop;
	(pc) =	sbr.rel @p0 .LBB2_6-.Ltmp9, $1  }
0x8f: {  	_ =	sdelay $0x3  }
0x90: {  	s26 =	smul.u32 $0x187000, s20;
	_ =	sdelay $0x1  }
0x91: {  	s26 =	sshrl.u32 s26, $0x3  }
.Ltmp10:
0x92: {  	s26 =	sadd.s32 s1, s26;
	(pc) =	sbr.rel .LBB2_7-.Ltmp10, $4  }
0x93: {  	s4 =	simm.s32 $0x6000;
	s28 =	sadd.s32 $0x18600, s26  }
0x94: {  	[tilespmem:s4], [sflag:$0x4] =	stream.linear.gather [hbm4b:s28+s2], $0x400, $0x38;
	[tilespmem:$0x10000] =	vst v63  }
0x95: {  	s30 =	simm.s32 $0x7000;
	p5 =	por $0x1, $0x1;
	s26 =	sadd.s32 $0x30D00, s26  }
0x96: {  	[tilespmem:s30], [sflag:$0x4] =	stream.linear.gather [hbm4b:s26+s2], $0x400, $0x38;
	[tilespmem:$0x10000] =	vst v63  }
.LBB2_27:
0x97: {  	p1 =	sne.s32 @!p0 s0, $0x0  }
0x98: {  	p0 =	por p1, p0  }
.Ltmp11:
0x99: {  	s4 =	rddreg [dreg:$0x3];
	s0 =	sshll.u32 @!p0 s7, $0x8;
	(pc) =	sbr.rel .LBB2_28-.Ltmp11, $4  }
0x9a: {  	s7 =	simm.s32 @!p0 $0x4000;
	s0 =	sadd.s32 @!p0 s4, s0;
	s4 =	simm.s32 @!p0 $0x0  }
0x9b: {  	[tilespmem:s7], [sflag:$0x3] =	stream.linear.gather @!p0 [hbm4b:s0+s4], $0x400, $0x38;
	[tilespmem:$0x10000] =	vst v63  }
0x9c: {  	s0 =	sadd.s32 @!p0 $0x80, s0;
	s7 =	simm.s32 @!p0 $0x5000  }
0x9d: {  	[tilespmem:s7], [sflag:$0x3] =	stream.linear.gather @!p0 [hbm4b:s0+s4], $0x400, $0x38;
	[tilespmem:$0x10000] =	vst v63  }
.LBB2_6:
0x9e: {  	p0 =	sne.s32 @!p3 s26, $0x0  }
0x9f: {  	p1 =	por p0, p3  }
0xa0: {  	s4 =	rddreg [dreg:$0x3];
	s28 =	sshll.u32 @!p1 s20, $0x8  }
0xa1: {  	s29 =	simm.s32 @!p1 $0x0;
	s30 =	simm.s32 @!p1 $0x6000;
	s28 =	sadd.s32 @!p1 s4, s28  }
0xa2: {  	[tilespmem:s30], [sflag:$0x4] =	stream.linear.gather @!p1 [hbm4b:s28+s29], $0x400, $0x38;
	[tilespmem:$0x10000] =	vst v63  }
0xa3: {  	s28 =	sadd.s32 @!p1 $0x80, s28;
	s30 =	simm.s32 @!p1 $0x7000  }
0xa4: {  	[tilespmem:s30], [sflag:$0x4] =	stream.linear.gather @!p1 [hbm4b:s28+s29], $0x400, $0x38;
	[tilespmem:$0x10000] =	vst v63  }
0xa5: {  	p5 =	seq.s32 s26, $0xFFFFFFFF;
	p0 =	por !p0, p3;
	p1 =	por @!p1 $0x0, $0x0  }
0xa6: {  	p1 =	por @!p0 p5, p5  }
0xa7: {  	p5 =	por @!p3 p1, p1  }
.LBB2_7:
0xa8: {  	p0 =	sgt.u32 s7, $0x1401  }
.Ltmp12:
0xa9: {  	_ = 	snop;
	(pc) =	sbr.rel @p0 .LBB2_9-.Ltmp12, $1  }
0xaa: {  	_ =	sdelay $0x3  }
0xab: {  	p0 =	seq.s32 s10, $0x0  }
0xac: {  	s26 =	sadd.s32 @!p0 s10, s6  }
0xad: {  	s28 =	smul.u32 $0x532B, s7;
	s26 =	sadd.s32 @!p0 $0xFFFFFF80, s26  }
0xae: {  	s29 =	smulhi.u32 @!p0 $0x532AE21D, s26;
	s30 =	sshra.s32 @!p0 s26, $0x1F  }
0xaf: {  	s30 =	smul.u32 @!p0 $0x532AE21D, s30  }
0xb0: {  	s28 =	sshrl.u32 s28, $0x16  }
0xb1: {  	s4 =	smul.u32 $0xC5, s28;
	s29 =	sadd.s32 @!p0 s30, s29  }
0xb2: {  	s30 =	sshrl.u32 @!p0 s29, $0x1F;
	s29 =	sshra.s32 @!p0 s29, $0x6  }
0xb3: {  	s4 =	ssub.s32 s7, s4;
	s29 =	sadd.s32 @!p0 s30, s29  }
0xb4: {  	s30 =	sand.u32 $0xFFFF, s4;
	s29 =	smul.u32 @!p0 $0xC5, s29  }
0xb5: {  	p6 =	sgt.u32 s30, $0xC2  }
0xb6: {  	s25 =	simm.s32 @p6 $0x1;
	s26 =	ssub.s32 @!p0 s26, s29  }
0xb7: {  	_ =	swait.ge @p6 [sflag:s25], $0x800;
	p1 =	slt.s32 @!p0 s26, $0x0  }
0xb8: {  	[sflag:s25] =	ssyncset.done @p6 $0x0;
	s29 =	sadd.s32 @!p0 $0xC5, s26;
	p1 =	por !p1, p0  }
0xb9: {  	[sflag:s25] =	ssyncadd.s32 @p6 $0xFFFFF800;
	s25 =	simm.s32 @!p6 $0x1;
	s29 =	smov.u32 @p1 s26  }
0xba: {  	s28 =	smul.u32 $0x30E0, s28;
	_ =	swait.ge @!p6 [sflag:s25], $0x2000;
	p1 =	sgt.s32 @!p0 s29, $0xC2  }
0xbb: {  	s4 =	sshll.u32 s4, $0x6;
	[sflag:s25] =	ssyncset.done @!p6 $0x0;
	p2 =	por !p1, p0  }
0xbc: {  	s26 =	simm.s32 $0x30C0;
	[sflag:s25] =	ssyncadd.s32 @!p6 $0xFFFFE000;
	s25 =	simm.s32 @!p2 $0x5  }
0xbd: {  	p0 =	por p1, p0;
	p1 =	seq.s32 s30, $0xC3;
	_ =	swait.ge @!p2 [sflag:s25], $0x800  }
0xbe: {  	s4 =	sand.u32 $0xFFC0, s4;
	s26 =	simm.s32 @!p1 $0x30D0;
	[sflag:s25] =	ssyncset.done @!p2 $0x0  }
0xbf: {  	s4 =	smov.u32 @p6 s26;
	[sflag:s25] =	ssyncadd.s32 @!p2 $0xFFFFF800;
	s25 =	simm.s32 @!p0 $0x5  }
0xc0: {  	s4 =	sadd.s32 s28, s4;
	_ =	swait.ge @!p0 [sflag:s25], $0x2000  }
0xc1: {  	s26 =	simm.s32 @p6 $0x8000;
	s4 =	sshll.u32 s4, $0x4;
	[sflag:s25] =	ssyncset.done @!p0 $0x0  }
0xc2: {  	s4 =	sadd.s32 s5, s4;
	[sflag:s25] =	ssyncadd.s32 @!p0 $0xFFFFE000;
	s25 =	simm.s32 @p6 $0x0  }
0xc3: {  	[hbm4b:s4+s25] =	stream.linear.scatter @p6 [tilespmem:s26], [sflag:$0x5], $0x800, $0x38;
	[tilespmem:$0x10000] =	vst v63  }
0xc4: {  	s25 =	simm.s32 @!p6 $0x0;
	s26 =	simm.s32 @!p6 $0x8000  }
0xc5: {  	[hbm4b:s4+s25] =	stream.linear.scatter @!p6 [tilespmem:s26], [sflag:$0x5], $0x2000, $0x38;
	[tilespmem:$0x10000] =	vst v63  }
.LBB2_9:
0xc6: {  	s4 =	smulhi.u32 $0x4CAB8873, s12;
	_ =	sdelay $0x1  }
0xc7: {  	s25 =	ssub.s32 s12, s4  }
0xc8: {  	s25 =	sshrl.u32 s25, $0x1  }
0xc9: {  	s4 =	sadd.s32 s4, s25  }
0xca: {  	s26 =	sshrl.u32 s4, $0x7  }
0xcb: {  	s28 =	smul.u32 $0xC5, s26;
	_ =	sdelay $0x1  }
0xcc: {  	s29 =	sadd.s32 $0x80, s7;
	s30 =	ssub.s32 s13, s28  }
0xcd: {  	p0 =	sgt.u32 s29, $0x1401;
	s4 =	sadd.s32 s30, s0  }
0xce: {  	p1 =	sgt.u32 @!p0 s4, $0xC2  }
0xcf: {  	p1 =	por p0, p1  }
.Ltmp13:
0xd0: {  	_ = 	snop;
	(pc) =	sbr.rel @p1 .LBB2_11-.Ltmp13, $1  }
0xd1: {  	_ =	sdelay $0x3  }
0xd2: {  	s4 =	smul.u32 $0xC2000, s26;
	_ =	sdelay $0x1  }
.Ltmp14:
0xd3: {  	s4 =	sadd.s32 s4, s11;
	(pc) =	sbr.rel .LBB2_14-.Ltmp14, $4  }
0xd4: {  	s4 =	sadd.s32 $0x80000, s4  }
0xd5: {  	s4 =	sshrl.u32 s4, $0x3  }
0xd6: {  	s4 =	sadd.s32 s1, s4  }
0xd7: {  	[tilespmem:s2], [sflag:$0x1] =	stream.strided.gather [hbm4b:s4+s21], $0x2000, s22, s21, $0x38;
	[tilespmem:$0x10000] =	vst v63  }
.LBB2_11:
0xd8: {  	s25 =	ssub.s32 $0xFFFFFFBC, s28  }
0xd9: {  	s26 =	sadd.s32 s25, s7  }
0xda: {  	p1 =	sne.s32 @!p0 s26, $0xFFFFFFFF  }
0xdb: {  	s4 =	smulhi.u32 $0x4CAB8873, s29;
	p1 =	por p0, p1  }
.Ltmp15:
0xdc: {  	_ = 	snop;
	(pc) =	sbr.rel @p1 .LBB2_13-.Ltmp15, $4  }
0xdd: {  	s28 =	ssub.s32 s29, s4  }
0xde: {  	s30 =	sshrl.u32 s28, $0x1  }
0xdf: {  	s4 =	sadd.s32 s4, s30  }
0xe0: {  	s28 =	sshrl.u32 s4, $0x7  }
0xe1: {  	s4 =	smul.u32 $0x187000, s28;
	_ =	sdelay $0x1  }
0xe2: {  	s4 =	sshrl.u32 s4, $0x3  }
.Ltmp16:
0xe3: {  	s4 =	sadd.s32 s1, s4;
	(pc) =	sbr.rel .LBB2_14-.Ltmp16, $4  }
0xe4: {  	s25 =	sadd.s32 $0x18600, s4  }
0xe5: {  	[tilespmem:s2], [sflag:$0x1] =	stream.linear.gather [hbm4b:s25+s2], $0x400, $0x38;
	[tilespmem:$0x10000] =	vst v63  }
0xe6: {  	s4 =	sadd.s32 $0x30D00, s4  }
0xe7: {  	[tilespmem:s21], [sflag:$0x1] =	stream.linear.gather [hbm4b:s4+s2], $0x400, $0x38;
	[tilespmem:$0x10000] =	vst v63  }
.LBB2_13:
0xe8: {  	p1 =	sne.s32 @!p0 s26, $0x0  }
0xe9: {  	p0 =	por p1, p0  }
0xea: {  	s25 =	rddreg [dreg:$0x3];
	s4 =	sshll.u32 @!p0 s28, $0x8  }
0xeb: {  	s4 =	sadd.s32 @!p0 s25, s4;
	s25 =	simm.s32 @!p0 $0x0  }
0xec: {  	[tilespmem:s25], [sflag:$0x1] =	stream.linear.gather @!p0 [hbm4b:s4+s25], $0x400, $0x38;
	[tilespmem:$0x10000] =	vst v63  }
0xed: {  	s26 =	simm.s32 @!p0 $0x1000;
	s4 =	sadd.s32 @!p0 $0x80, s4  }
0xee: {  	[tilespmem:s26], [sflag:$0x1] =	stream.linear.gather @!p0 [hbm4b:s4+s25], $0x400, $0x38;
	[tilespmem:$0x10000] =	vst v63  }
.LBB2_14:
0xef: {  	s26 =	sadd.s32 $0x20, s7  }
0xf0: {  	p0 =	sgt.u32 s26, $0x1401  }
.Ltmp17:
0xf1: {  	_ = 	snop;
	(pc) =	sbr.rel @p0 .LBB2_16-.Ltmp17, $1  }
0xf2: {  	_ =	sdelay $0x3  }
0xf3: {  	p0 =	seq.s32 s10, $0x0  }
0xf4: {  	s4 =	sadd.s32 @!p0 s10, s6  }
0xf5: {  	s25 =	smul.u32 $0x532B, s26;
	s4 =	sadd.s32 @!p0 $0xFFFFFFA0, s4  }
0xf6: {  	s28 =	smulhi.u32 @!p0 $0x532AE21D, s4;
	s29 =	sshra.s32 @!p0 s4, $0x1F  }
0xf7: {  	s29 =	smul.u32 @!p0 $0x532AE21D, s29  }
0xf8: {  	s25 =	sshrl.u32 s25, $0x16  }
0xf9: {  	s30 =	smul.u32 $0xC5, s25;
	s28 =	sadd.s32 @!p0 s29, s28  }
0xfa: {  	s29 =	sshrl.u32 @!p0 s28, $0x1F;
	s28 =	sshra.s32 @!p0 s28, $0x6  }
0xfb: {  	s26 =	ssub.s32 s26, s30;
	s28 =	sadd.s32 @!p0 s29, s28  }
0xfc: {  	s29 =	sand.u32 $0xFFFF, s26;
	s28 =	smul.u32 @!p0 $0xC5, s28  }
0xfd: {  	p6 =	sgt.u32 s29, $0xC2  }
0xfe: {  	s30 =	simm.s32 @p6 $0x2;
	s4 =	ssub.s32 @!p0 s4, s28  }
0xff: {  	_ =	swait.ge @p6 [sflag:s30], $0x800;
	p1 =	slt.s32 @!p0 s4, $0x0  }
0x100: {  	[sflag:s30] =	ssyncset.done @p6 $0x0;
	s28 =	sadd.s32 @!p0 $0xC5, s4;
	p1 =	por !p1, p0  }
0x101: {  	[sflag:s30] =	ssyncadd.s32 @p6 $0xFFFFF800;
	s30 =	simm.s32 @!p6 $0x2;
	s28 =	smov.u32 @p1 s4  }
0x102: {  	s25 =	smul.u32 $0x30E0, s25;
	_ =	swait.ge @!p6 [sflag:s30], $0x2000;
	p1 =	sgt.s32 @!p0 s28, $0xC2  }
0x103: {  	s26 =	sshll.u32 s26, $0x6;
	[sflag:s30] =	ssyncset.done @!p6 $0x0;
	p2 =	por !p1, p0  }
0x104: {  	s28 =	simm.s32 $0x30C0;
	[sflag:s30] =	ssyncadd.s32 @!p6 $0xFFFFE000;
	s4 =	simm.s32 @!p2 $0x6  }
0x105: {  	p0 =	por p1, p0;
	p1 =	seq.s32 s29, $0xC3;
	_ =	swait.ge @!p2 [sflag:s4], $0x800  }
0x106: {  	s26 =	sand.u32 $0xFFC0, s26;
	s28 =	simm.s32 @!p1 $0x30D0;
	[sflag:s4] =	ssyncset.done @!p2 $0x0  }
0x107: {  	s26 =	smov.u32 @p6 s28;
	[sflag:s4] =	ssyncadd.s32 @!p2 $0xFFFFF800;
	s4 =	simm.s32 @!p0 $0x6  }
0x108: {  	s25 =	sadd.s32 s25, s26;
	_ =	swait.ge @!p0 [sflag:s4], $0x2000  }
0x109: {  	s26 =	simm.s32 @p6 $0xA000;
	s30 =	sshll.u32 s25, $0x4;
	[sflag:s4] =	ssyncset.done @!p0 $0x0  }
0x10a: {  	s25 =	simm.s32 @p6 $0x0;
	[sflag:s4] =	ssyncadd.s32 @!p0 $0xFFFFE000;
	s4 =	sadd.s32 s5, s30  }
0x10b: {  	[hbm4b:s4+s25] =	stream.linear.scatter @p6 [tilespmem:s26], [sflag:$0x6], $0x800, $0x38;
	[tilespmem:$0x10000] =	vst v63  }
0x10c: {  	s25 =	simm.s32 @!p6 $0x0;
	s26 =	simm.s32 @!p6 $0xA000  }
0x10d: {  	[hbm4b:s4+s25] =	stream.linear.scatter @!p6 [tilespmem:s26], [sflag:$0x6], $0x2000, $0x38;
	[tilespmem:$0x10000] =	vst v63  }
.LBB2_16:
0x10e: {  	s4 =	smulhi.u32 $0x4CAB8873, s14;
	_ =	sdelay $0x1  }
0x10f: {  	s25 =	ssub.s32 s14, s4  }
0x110: {  	s25 =	sshrl.u32 s25, $0x1  }
0x111: {  	s4 =	sadd.s32 s4, s25  }
0x112: {  	s26 =	sshrl.u32 s4, $0x7  }
0x113: {  	s28 =	smul.u32 $0xC5, s26;
	_ =	sdelay $0x1  }
0x114: {  	s29 =	sadd.s32 $0xA0, s7;
	s30 =	ssub.s32 s15, s28  }
0x115: {  	p0 =	sgt.u32 s29, $0x1401;
	s4 =	sadd.s32 s30, s0  }
0x116: {  	p1 =	sgt.u32 @!p0 s4, $0xC2  }
0x117: {  	p1 =	por p0, p1  }
.Ltmp18:
0x118: {  	_ = 	snop;
	(pc) =	sbr.rel @p1 .LBB2_18-.Ltmp18, $1  }
0x119: {  	_ =	sdelay $0x3  }
0x11a: {  	s4 =	smul.u32 $0xC2000, s26;
	_ =	sdelay $0x1  }
.Ltmp19:
0x11b: {  	s4 =	sadd.s32 s4, s11;
	(pc) =	sbr.rel .LBB2_21-.Ltmp19, $4  }
0x11c: {  	s4 =	sadd.s32 $0xA0000, s4  }
0x11d: {  	s4 =	sshrl.u32 s4, $0x3  }
0x11e: {  	s4 =	sadd.s32 s1, s4  }
0x11f: {  	[tilespmem:s23], [sflag:$0x2] =	stream.strided.gather [hbm4b:s4+s21], $0x2000, s22, s21, $0x38;
	[tilespmem:$0x10000] =	vst v63  }
.LBB2_18:
0x120: {  	s25 =	ssub.s32 $0xFFFFFFDC, s28  }
0x121: {  	s26 =	sadd.s32 s25, s7  }
0x122: {  	p1 =	sne.s32 @!p0 s26, $0xFFFFFFFF  }
0x123: {  	s4 =	smulhi.u32 $0x4CAB8873, s29;
	p1 =	por p0, p1  }
.Ltmp20:
0x124: {  	_ = 	snop;
	(pc) =	sbr.rel @p1 .LBB2_20-.Ltmp20, $4  }
0x125: {  	s28 =	ssub.s32 s29, s4  }
0x126: {  	s30 =	sshrl.u32 s28, $0x1  }
0x127: {  	s4 =	sadd.s32 s4, s30  }
0x128: {  	s28 =	sshrl.u32 s4, $0x7  }
0x129: {  	s4 =	smul.u32 $0x187000, s28;
	_ =	sdelay $0x1  }
0x12a: {  	s4 =	sshrl.u32 s4, $0x3  }
.Ltmp21:
0x12b: {  	s4 =	sadd.s32 s1, s4;
	(pc) =	sbr.rel .LBB2_21-.Ltmp21, $4  }
0x12c: {  	s25 =	sadd.s32 $0x18600, s4  }
0x12d: {  	[tilespmem:s23], [sflag:$0x2] =	stream.linear.gather [hbm4b:s25+s2], $0x400, $0x38;
	[tilespmem:$0x10000] =	vst v63  }
0x12e: {  	s30 =	simm.s32 $0x3000;
	s4 =	sadd.s32 $0x30D00, s4  }
0x12f: {  	[tilespmem:s30], [sflag:$0x2] =	stream.linear.gather [hbm4b:s4+s2], $0x400, $0x38;
	[tilespmem:$0x10000] =	vst v63  }
.LBB2_20:
0x130: {  	p1 =	sne.s32 @!p0 s26, $0x0  }
0x131: {  	p0 =	por p1, p0  }
0x132: {  	s25 =	rddreg [dreg:$0x3];
	s4 =	sshll.u32 @!p0 s28, $0x8  }
0x133: {  	s26 =	simm.s32 @!p0 $0x2000;
	s4 =	sadd.s32 @!p0 s25, s4;
	s25 =	simm.s32 @!p0 $0x0  }
0x134: {  	[tilespmem:s26], [sflag:$0x2] =	stream.linear.gather @!p0 [hbm4b:s4+s25], $0x400, $0x38;
	[tilespmem:$0x10000] =	vst v63  }
0x135: {  	s4 =	sadd.s32 @!p0 $0x80, s4;
	s26 =	simm.s32 @!p0 $0x3000  }
0x136: {  	[tilespmem:s26], [sflag:$0x2] =	stream.linear.gather @!p0 [hbm4b:s4+s25], $0x400, $0x38;
	[tilespmem:$0x10000] =	vst v63  }
.LBB2_21:
0x137: {  	s26 =	sadd.s32 $0x40, s7  }
0x138: {  	p0 =	sgt.u32 s26, $0x1401  }
.Ltmp22:
0x139: {  	_ = 	snop;
	(pc) =	sbr.rel @p0 .LBB2_23-.Ltmp22, $1  }
0x13a: {  	_ =	sdelay $0x3  }
0x13b: {  	p0 =	seq.s32 s10, $0x0  }
0x13c: {  	s4 =	sadd.s32 @!p0 s10, s6  }
0x13d: {  	s25 =	smul.u32 $0x532B, s26;
	s4 =	sadd.s32 @!p0 $0xFFFFFFC0, s4  }
0x13e: {  	s28 =	smulhi.u32 @!p0 $0x532AE21D, s4;
	s29 =	sshra.s32 @!p0 s4, $0x1F  }
0x13f: {  	s29 =	smul.u32 @!p0 $0x532AE21D, s29  }
0x140: {  	s25 =	sshrl.u32 s25, $0x16  }
0x141: {  	s30 =	smul.u32 $0xC5, s25;
	s28 =	sadd.s32 @!p0 s29, s28  }
0x142: {  	s29 =	sshrl.u32 @!p0 s28, $0x1F;
	s28 =	sshra.s32 @!p0 s28, $0x6  }
0x143: {  	s26 =	ssub.s32 s26, s30;
	s28 =	sadd.s32 @!p0 s29, s28  }
0x144: {  	s29 =	sand.u32 $0xFFFF, s26;
	s28 =	smul.u32 @!p0 $0xC5, s28  }
0x145: {  	p6 =	sgt.u32 s29, $0xC2  }
0x146: {  	s30 =	simm.s32 @p6 $0x3;
	s4 =	ssub.s32 @!p0 s4, s28  }
0x147: {  	_ =	swait.ge @p6 [sflag:s30], $0x800;
	p1 =	slt.s32 @!p0 s4, $0x0  }
0x148: {  	[sflag:s30] =	ssyncset.done @p6 $0x0;
	s28 =	sadd.s32 @!p0 $0xC5, s4;
	p1 =	por !p1, p0  }
0x149: {  	[sflag:s30] =	ssyncadd.s32 @p6 $0xFFFFF800;
	s30 =	simm.s32 @!p6 $0x3;
	s28 =	smov.u32 @p1 s4  }
0x14a: {  	s25 =	smul.u32 $0x30E0, s25;
	_ =	swait.ge @!p6 [sflag:s30], $0x2000;
	p1 =	sgt.s32 @!p0 s28, $0xC2  }
0x14b: {  	s26 =	sshll.u32 s26, $0x6;
	[sflag:s30] =	ssyncset.done @!p6 $0x0;
	p2 =	por !p1, p0  }
0x14c: {  	s28 =	simm.s32 $0x30C0;
	[sflag:s30] =	ssyncadd.s32 @!p6 $0xFFFFE000;
	s4 =	simm.s32 @!p2 $0x7  }
0x14d: {  	p0 =	por p1, p0;
	p1 =	seq.s32 s29, $0xC3;
	_ =	swait.ge @!p2 [sflag:s4], $0x800  }
0x14e: {  	s26 =	sand.u32 $0xFFC0, s26;
	s28 =	simm.s32 @!p1 $0x30D0;
	[sflag:s4] =	ssyncset.done @!p2 $0x0  }
0x14f: {  	s26 =	smov.u32 @p6 s28;
	[sflag:s4] =	ssyncadd.s32 @!p2 $0xFFFFF800;
	s4 =	simm.s32 @!p0 $0x7  }
0x150: {  	s25 =	sadd.s32 s25, s26;
	s26 =	simm.s32 @p6 $0xC000;
	_ =	swait.ge @!p0 [sflag:s4], $0x2000  }
.Ltmp23:
0x151: {  	s30 =	sshll.u32 s25, $0x4;
	[sflag:s4] =	ssyncset.done @!p0 $0x0;
	(pc) =	sbr.rel .LBB2_23-.Ltmp23, $4  }
0x152: {  	s25 =	simm.s32 @p6 $0x0;
	[sflag:s4] =	ssyncadd.s32 @!p0 $0xFFFFE000;
	s4 =	sadd.s32 s5, s30  }
0x153: {  	[hbm4b:s4+s25] =	stream.linear.scatter @p6 [tilespmem:s26], [sflag:$0x7], $0x800, $0x38;
	[tilespmem:$0x10000] =	vst v63  }
0x154: {  	s25 =	simm.s32 @!p6 $0x0;
	s26 =	simm.s32 @!p6 $0xC000  }
0x155: {  	[hbm4b:s4+s25] =	stream.linear.scatter @!p6 [tilespmem:s26], [sflag:$0x7], $0x2000, $0x38;
	[tilespmem:$0x10000] =	vst v63  }
.LBB2_30:
0x156: {  	_ =	sfence.sel $0x180000  }
0x157: {  	[bflag:$0x0] =	sbarrier.arrive $0xFFFF  }
0x158: {  	_ =	strace $0x90000047  }
0x159: {  	[bflag:$0x2] =	sbarrier.arrive $0xFFFF  }
0x15a: {  	s1 =	sld [smem:$0x7FC];
	_ =	sdelay $0x2  }
0x15b: {  	s0 =	rddreg [dreg:$0x2];
	p0 =	seq.s32 s1, $0x1  }
0x15c: {  	s0 =	sadd.s32 @!p0 $0x100000, s0  }
0x15d: {  	[sflag:s0] =	ssyncadd.tile.s32 @!p0 $0x1;
	_ =	shalt  }
.Lfunc_end2:
_tile_overlayer_lowered:
.L_overlay_start_2:
0x15e: {  	(tag) =	ssettag $0x2  }
0x15f: {  	s0 =	rddreg [dreg:$0x0];
	s2 =	stileid.u32  }
0x160: {  	s1 =	rddreg [dreg:$0x1];
	p0 =	sne.s32 s2, $0x0  }
0x161: {  	s3 =	rddreg [dreg:$0x2];
	[bflag:$0x3] =	sbarrier.arrive $0xFFFF;
	s2 =	simm.s32 @!p0 $0x1C09  }
0x162: {  	[timem:s3], [sflag:s2] =	dma.local @!p0 [hbm:s0], s1  }
0x163: {  	s0 =	simm.s32 @!p0 $0x9  }
0x164: {  	_ =	swait.ge @!p0 [sflag:s0], s1  }
0x165: {  	s1 =	ssub.s32 @!p0 $0x0, s1;
	[sflag:s0] =	ssyncset.done @!p0 $0x0  }
0x166: {  	[sflag:s0] =	ssyncadd.s32 @!p0 s1  }
0x167: {  	[bflag:$0x3] =	sbarrier.arrive $0xFFFF  }
0x168: {  	_ =	shalt  }

// kernel: kernel.8.cloned.1.call-start
scs
__scs_entry_jumppad:
0x0: {  	(pc) =	sbr.rel $0x88, $3  }
0x1: {  	(tag) =	ssettag $0x0;
	lr =	simm.s32 $0x1  }
0x2: {  	[smem:$0x3F98] =	sst lr;
	_ =	strace $0xD0000000  }
0x3: {  	_ = 	snop  }
0x4: {  	_ = 	snop  }
0x5: {  	_ = 	snop  }
0x6: {  	_ = 	snop  }
0x7: {  	_ = 	snop  }
__scs_overlays_trampoline_lowered:
0x8: {  	[smem:$0x3FA7] =	sst s0  }
0x9: {  	[smem:$0x3FA8] =	sst s1  }
0xa: {  	[smem:$0x3FA9] =	sst s2  }
0xb: {  	[smem:$0x3FAA] =	sst s3  }
0xc: {  	[smem:$0x3FAB] =	sst s4  }
0xd: {  	[smem:$0x3FAC] =	sst s5  }
0xe: {  	[smem:$0x3FAD] =	sst s6  }
0xf: {  	[smem:$0x3FAE] =	sst s7  }
0x10: {  	[smem:$0x3FAF] =	sst s8  }
0x11: {  	[smem:$0x3FB0] =	sst s9;
	s0 =	simm.s32 @!p0 $0x0  }
0x12: {  	s1 =	sld [smem:$0x3F96];
	s0 =	simm.s32 @p0 $0x1  }
0x13: {  	[smem:$0x3FB1] =	sst s0;
	s0 =	simm.s32 @!p1 $0x0  }
0x14: {  	s2 =	sld [smem:$0x3F95];
	s0 =	simm.s32 @p1 $0x1  }
0x15: {  	[smem:$0x3FB2] =	sst s0;
	s0 =	simm.s32 @!p2 $0x0  }
0x16: {  	s3 =	sld [smem:$0x3FDB];
	s0 =	simm.s32 @p2 $0x1  }
0x17: {  	s4 =	simm.s32 $0x1BF5;
	[smem:$0x3FB4] =	sst s0  }
0x18: {  	s0 =	sld [smem:$0x3F97];
	_ =	swait.ge [sflag:s4], $0x0  }
0x19: {  	s7 =	sld [smem:$0x3F98]  }
0x1a: {  	s8 =	sadd.s32 $0xFFFFE003, lr  }
0x1b: {  	s9 =	sadd.s32 $0xFFFFFEF7, lr;
	s5 =	simm.s32 $0xFFFFFFFF;
	p2 =	slt.u32 s8, $0xFFFFF086  }
0x1c: {  	p1 =	slt.u32 s9, $0xF7A;
	s5 =	simm.s32 @!p2 $0x0  }
0x1d: {  	s5 =	simm.s32 @p1 $0x1;
	p0 =	seq.s32 s7, s2  }
0x1e: {  	s7 =	smul.u32 @!p0 $0xF7A, s2;
	p2 =	seq.s32 @!p0 s5, $0x0  }
0x1f: {  	s9 =	smul.u32 $0xF7A, s1;
	s8 =	simm.s32 @!p0 $0x1BF5;
	p2 =	por !p2, p0  }
0x20: {  	[sflag:s8] =	ssyncset.s32 @!p0 $0xFFFFF086;
	s6 =	sadd.s32 @!p0 s3, s7;
	s7 =	simm.s32 @!p0 $0x108  }
0x21: {  	s3 =	sadd.s32 s3, s9;
	s6 =	sadd.s32 @!p0 $0x88, s6;
	s7 =	simm.s32 @p2 $0x1082  }
0x22: {  	[simem:s7], [sflag:s8] =	dma.local @!p0 [hbm:s6], $0xF7A  }
0x23: {  	s9 =	sor.u32 $0xD0000000, s2;
	s6 =	simm.s32 $0x108;
	_ =	swait.ge @!p0 [sflag:s8], $0x0  }
0x24: {  	s3 =	sadd.s32 $0x88, s3;
	s6 =	simm.s32 @!p1 $0x1082;
	[sflag:s4] =	ssyncset.s32 $0xFFFFF086  }
0x25: {  	[simem:s6], [sflag:s4] =	dma.local [hbm:s3], $0xF7A  }
0x26: {  	[smem:$0x3F98] =	sst s1;
	(tag) =	ssettag s2;
	_ =	strace s9  }
0x27: {  	s1 =	sld [smem:$0x3FA8]  }
0x28: {  	s2 =	sld [smem:$0x3FA9]  }
0x29: {  	s4 =	sld [smem:$0x3FAB]  }
0x2a: {  	p0 =	seq.s32 s5, $0x0;
	s5 =	sld [smem:$0x3FAC]  }
0x2b: {  	s6 =	sld [smem:$0x3FAD]  }
0x2c: {  	s7 =	sld [smem:$0x3FAE]  }
0x2d: {  	s3 =	simm.s32 $0x108;
	s8 =	sld [smem:$0x3FAF]  }
0x2e: {  	s3 =	simm.s32 @!p0 $0x1082;
	s9 =	sld [smem:$0x3FB0]  }
0x2f: {  	lr =	sadd.s32 s0, s3;
	s0 =	sld [smem:$0x3FA7]  }
0x30: {  	s3 =	sld [smem:$0x3FAA]  }
0x31: {  	[smem:$0x3FB3] =	sst s10  }
0x32: {  	s10 =	sld [smem:$0x3FB1];
	_ =	sdelay $0x3  }
0x33: {  	p0 =	seq.s32 s10, $0x1;
	s10 =	sld [smem:$0x3FB3];
	_ =	sdelay $0x3  }
0x34: {  	[smem:$0x3FB3] =	sst s10  }
0x35: {  	s10 =	sld [smem:$0x3FB2];
	_ =	sdelay $0x3  }
0x36: {  	p1 =	seq.s32 s10, $0x1;
	s10 =	sld [smem:$0x3FB3];
	_ =	sdelay $0x3  }
0x37: {  	[smem:$0x3FB3] =	sst s10  }
0x38: {  	s10 =	sld [smem:$0x3FB4]  }
0x39: {  	_ = 	snop;
	(pc) =	sbr.ind lr, $3  }
0x3a: {  	_ = 	snop  }
0x3b: {  	_ = 	snop  }
0x3c: {  	p2 =	seq.s32 s10, $0x1;
	s10 =	sld [smem:$0x3FB3]  }
0x3d: {  	_ =	shalt  }
0x3e: {  	_ =	shalt  }
0x3f: {  	_ =	shalt  }
0x40: {  	_ =	shalt  }
0x41: {  	_ =	shalt  }
0x42: {  	_ =	shalt  }
0x43: {  	_ =	shalt  }
0x44: {  	_ =	shalt  }
0x45: {  	_ =	shalt  }
0x46: {  	_ =	shalt  }
0x47: {  	_ =	shalt  }
0x48: {  	_ =	shalt  }
0x49: {  	_ =	shalt  }
0x4a: {  	_ =	shalt  }
0x4b: {  	_ =	shalt  }
0x4c: {  	_ =	shalt  }
0x4d: {  	_ =	shalt  }
0x4e: {  	_ =	shalt  }
0x4f: {  	_ =	shalt  }
0x50: {  	_ =	shalt  }
0x51: {  	_ =	shalt  }
0x52: {  	_ =	shalt  }
0x53: {  	_ =	shalt  }
0x54: {  	_ =	shalt  }
0x55: {  	_ =	shalt  }
0x56: {  	_ =	shalt  }
0x57: {  	_ =	shalt  }
0x58: {  	_ =	shalt  }
0x59: {  	_ =	shalt  }
0x5a: {  	_ =	shalt  }
0x5b: {  	_ =	shalt  }
0x5c: {  	_ =	shalt  }
0x5d: {  	_ =	shalt  }
0x5e: {  	_ =	shalt  }
0x5f: {  	_ =	shalt  }
0x60: {  	_ =	shalt  }
0x61: {  	_ =	shalt  }
0x62: {  	_ =	shalt  }
0x63: {  	_ =	shalt  }
0x64: {  	_ =	shalt  }
0x65: {  	_ =	shalt  }
0x66: {  	_ =	shalt  }
0x67: {  	_ =	shalt  }
0x68: {  	_ =	shalt  }
0x69: {  	_ =	shalt  }
0x6a: {  	_ =	shalt  }
0x6b: {  	_ =	shalt  }
0x6c: {  	_ =	shalt  }
0x6d: {  	_ =	shalt  }
0x6e: {  	_ =	shalt  }
0x6f: {  	_ =	shalt  }
0x70: {  	_ =	shalt  }
0x71: {  	_ =	shalt  }
0x72: {  	_ =	shalt  }
0x73: {  	_ =	shalt  }
0x74: {  	_ =	shalt  }
0x75: {  	_ =	shalt  }
0x76: {  	_ =	shalt  }
0x77: {  	_ =	shalt  }
0x78: {  	_ =	shalt  }
0x79: {  	_ =	shalt  }
0x7a: {  	_ =	shalt  }
0x7b: {  	_ =	shalt  }
0x7c: {  	_ =	shalt  }
0x7d: {  	_ =	shalt  }
0x7e: {  	_ =	shalt  }
0x7f: {  	_ =	shalt  }
0x80: {  	_ =	shalt  }
0x81: {  	_ =	shalt  }
0x82: {  	_ =	shalt  }
0x83: {  	_ =	shalt  }
0x84: {  	_ =	shalt  }
0x85: {  	_ =	shalt  }
0x86: {  	_ =	shalt  }
0x87: {  	_ =	shalt  }
.Lfunc_end0:
.L_simem_size_0:
called_computation.1_lowered:
.L_overlay_start_0:
0x88: {  	s2 =	sld [smem:$0x3FD9]  }
0x89: {  	s3 =	sld [smem:$0x3FFE];
	_ =	sdelay $0x1  }
0x8a: {  	s1 =	srdreg.scid  }
0x8b: {  	s0 =	sand.u32 $0x1, s1  }
0x8c: {  	s16 =	sshll.u32 s0, $0xA;
	s2 =	sadd.s32 s3, s2  }
0x8d: {  	s2 =	sadd.s32 s2, s16  }
0x8e: {  	[smem:$0x3FBF] =	sst s2  }
0x8f: {  	_ = 	snop  }
0x90: {  	(tm) =	ssettm $0x1  }
0x91: {  	s17 =	sld [smem:$0x3FFB];
	_ =	sdelay $0x3  }
0x92: {  	_ =	strace s17  }
0x93: {  	s2 =	sld [smem:$0x3FFC];
	_ =	sdelay $0x3  }
0x94: {  	_ =	strace s2  }
0x95: {  	s2 =	sld [smem:$0x3FFD];
	_ =	sdelay $0x3  }
0x96: {  	_ =	strace s2  }
0x97: {  	_ =	strace $0x8FFFFFFF  }
0x98: {  	s18 =	sld [smem:$0x3FDB];
	_ =	sdelay $0x1  }
0x99: {  	s19 =	simm.s32 $_scs_section_size  }
0x9a: {  	s4 =	simm.s32 $_size__tile_overlayer_lowered;
	s5 =	simm.s32 $_tile_overlayer_lowered  }
0x9b: {  	s22 =	simm.s32 $0x1BFF;
	s21 =	sshll.u32 s5, $0x1;
	s2 =	sadd.s32 s19, s18  }
0x9c: {  	s6 =	simm.s32 $0x0;
	s20 =	sshll.u32 s4, $0x1;
	s4 =	sadd.s32 s21, s2  }
0x9d: {  	[timem:s6], [sflag:s22] =	dma.local [hbm:s4], s20  }
0x9e: {  	_ =	swait.ge [sflag:s22], s20  }
0x9f: {  	s3 =	ssub.s32 $0x0, s20;
	[sflag:s22] =	ssyncset.done $0x0  }
0xa0: {  	[sflag:s22] =	ssyncadd.s32 s3;
	_ =	sdelay $0x1  }
0xa1: {  	s23 =	simm.s32 $0x1B8B  }
0xa2: {  	_ =	swait.ge [sflag:s23], $0x1  }
0xa3: {  	[sflag:s23] =	ssyncset.done $0x0  }
0xa4: {  	s25 =	simm.s32 $0x1B8E;
	s24 =	sld [smem:$0x3FFE];
	[sflag:s23] =	ssyncadd.s32 $0xFFFFFFFF  }
0xa5: {  	s26 =	simm.s32 $execute0_lowered;
	[smem:$0x3FD2] =	sst s25  }
0xa6: {  	s4 =	sshll.u32 s26, $0x1;
	_ =	strace $0x80000049;
	[dreg:$0x1] =	wrdreg $0xFFFFFFFF  }
0xa7: {  	s28 =	simm.s32 $_size_execute0_lowered;
	s2 =	sadd.s32 s2, s4;
	[dreg:$0x0] =	wrdreg $0x0  }
0xa8: {  	s4 =	sshll.u32 s28, $0x1;
	[dreg:$0x2] =	wrdreg s2  }
0xa9: {  	[dreg:$0x3] =	wrdreg s4  }
0xaa: {  	[dreg:$0x4] =	wrdreg $0xC0  }
0xab: {  	_ =	task [dreg:s6], $0x5FFFF  }
0xac: {  	[dreg:$0x1] =	wrdreg $0xFFFFFFFF  }
0xad: {  	[dreg:$0x0] =	wrdreg $0x60  }
0xae: {  	[dreg:$0x2] =	wrdreg s24  }
0xaf: {  	[dreg:$0x3] =	wrdreg $0x9  }
0xb0: {  	_ =	task.clear_ibuf [dreg:s6], $0x4FFFF;
	_ =	strace $0x90000049  }
0xb1: {  	s29 =	simm.s32 $0x9;
	_ =	strace $0x8000004B  }
0xb2: {  	_ =	swait.ge [sflag:s29], $0x1  }
0xb3: {  	[sflag:s29] =	ssyncadd.s32 $0xFFFFFFFF  }
0xb4: {  	_ =	strace $0x9000004B  }
0xb5: {  	_ =	sfence  }
0xb6: {  	s30 =	sld [smem:$0x0];
	_ =	sdelay $0x2  }
0xb7: {  	s31 =	sshll.u32 s1, $0xD;
	s1 =	sshrl.u32 s1, $0x2  }
0xb8: {  	s3 =	sand.u32 $0x4000, s31;
	s1 =	sadd.s32 s1, s30  }
0xb9: {  	s0 =	sor.u32 s3, s0;
	s1 =	sshll.u32 s1, $0x11  }
0xba: {  	s0 =	sor.u32 s1, s0  }
0xbb: {  	s0 =	sadd.s32 $0x8F2B, s0  }
0xbc: {  	[sflag:s0] =	ssyncadd.remote.s32 $0x1  }
0xbd: {  	_ =	sfence.sel $0xFFFF  }
0xbe: {  	[dreg:$0x0] =	wrdreg $0xFFFFFFFF;
	(pc) =	sbr.abs _section_cstart, $3  }
0xbf: {  	[dreg:$0x1] =	wrdreg $0xFFFFFFFF  }
0xc0: {  	_ =	task.clear_ibuf [dreg:s6], $0x2FFFF;
	_ =	strace $0x9FFFFFFF  }
0xc1: {  	(tm) =	ssettm $0x7FFFFFFF  }
tec
execute0_lowered:
.L_overlay_start_1:
0x0: {  	(tag) =	ssettag $0x1  }
0x1: {  	s1 =	srdreg.scid;
	s0 =	stileid.u32  }
0x2: {  	s13 =	sand.u32 $0x1, s1;
	s31 =	sshll.u32 s0, $0x1  }
0x3: {  	s6 =	sor.u32 s13, s31  }
0x4: {  	s9 =	rddreg [dreg:$0x0];
	s3 =	smul.u32 $0x680, s6  }
0x5: {  	s2 =	simm.s32 $0x0;
	s1 =	rddreg [dreg:$0x1]  }
0x6: {  	[smem:$0x7FF] =	sst s2;
	s3 =	sadd.s32 s3, s9  }
0x7: {  	_ =	strace $0x8000004A;
	s4 =	sadd.s32 $0x4FA200, s3;
	s3 =	simm.s32 $0x2  }
0x8: {  	[tilespmem:s2], [sflag:$0x2] =	stream.linear.gather [hbm4b:s4+s2], $0x3400, $0x38;
	[tilespmem:$0x10400] =	vst v63  }
0x9: {  	s7 =	simm.s32 $0x3400;
	_ =	swait.ge [sflag:s3], $0x3400  }
0xa: {  	s8 =	simm.s32 $0x1;
	s5 =	sadd.s32 $0x3600, s9;
	[sflag:s3] =	ssyncset.done $0x0  }
0xb: {  	s10 =	smul.u32 $0x6800, s6;
	s6 =	simm.s32 $0xD00;
	[sflag:s3] =	ssyncadd.s32 $0xFFFFCC00  }
0xc: {  	[tilespmem:s7], [sflag:$0x1] =	stream.indirect.gather [hbm4b:s5+s6], $0x10, s2, s6, $0xb8;
	[tilespmem:$0x10400] =	vst v63  }
0xd: {  	_ =	swait.ge [sflag:s8], $0xD000  }
0xe: {  	s14 =	sadd.s32 s10, s9;
	[sflag:s8] =	ssyncset.done $0x0  }
0xf: {  	s9 =	sadd.s32 $0x507200, s14;
	[sflag:s8] =	ssyncadd.s32 $0xFFFF3000  }
0x10: {  	[hbm4b:s9+s2] =	stream.linear.scatter [tilespmem:s7], [sflag:$0x2], $0xD000, $0x38;
	[tilespmem:$0x10400] =	vst v63  }
0x11: {  	_ =	swait.ge [sflag:s3], $0xD000  }
0x12: {  	[sflag:s3] =	ssyncset.done $0x0  }
0x13: {  	[sflag:s3] =	ssyncadd.s32 $0xFFFF3000  }
0x14: {  	[tilespmem:s7], [sflag:$0x1] =	stream.indirect.gather [hbm4b:s5+s6], $0x10, s6, s6, $0xb8;
	[tilespmem:$0x10400] =	vst v63  }
0x15: {  	_ =	swait.ge [sflag:s8], $0xD000  }
0x16: {  	[sflag:s8] =	ssyncset.done $0x0  }
0x17: {  	s10 =	sadd.s32 $0x508C00, s14;
	[sflag:s8] =	ssyncadd.s32 $0xFFFF3000  }
0x18: {  	[hbm4b:s10+s2] =	stream.linear.scatter [tilespmem:s7], [sflag:$0x2], $0xD000, $0x38;
	[tilespmem:$0x10400] =	vst v63  }
0x19: {  	_ =	swait.ge [sflag:s3], $0xD000  }
0x1a: {  	[sflag:s3] =	ssyncset.done $0x0  }
0x1b: {  	s11 =	simm.s32 $0x1A00;
	[sflag:s3] =	ssyncadd.s32 $0xFFFF3000  }
0x1c: {  	[tilespmem:s7], [sflag:$0x1] =	stream.indirect.gather [hbm4b:s5+s6], $0x10, s11, s6, $0xb8;
	[tilespmem:$0x10400] =	vst v63  }
0x1d: {  	_ =	swait.ge [sflag:s8], $0xD000  }
0x1e: {  	[sflag:s8] =	ssyncset.done $0x0  }
0x1f: {  	s15 =	ssub.s32 $0x2, s13;
	s12 =	sadd.s32 $0x50A600, s14;
	[sflag:s8] =	ssyncadd.s32 $0xFFFF3000  }
0x20: {  	[hbm4b:s12+s2] =	stream.linear.scatter [tilespmem:s7], [sflag:$0x2], $0xD000, $0x38;
	[tilespmem:$0x10400] =	vst v63  }
0x21: {  	s16 =	sshrl.u32 s15, $0x1;
	_ =	swait.ge [sflag:s3], $0xD000  }
0x22: {  	s15 =	ssub.s32 s15, s16;
	[sflag:s3] =	ssyncset.done $0x0  }
0x23: {  	s13 =	simm.s32 $0x2700;
	s15 =	smax.u32 s15, $0x1;
	[sflag:s3] =	ssyncadd.s32 $0xFFFF3000  }
0x24: {  	[tilespmem:s7], [sflag:$0x1] =	stream.indirect.gather [hbm4b:s5+s6], $0x10, s13, s6, $0xb8;
	[tilespmem:$0x10400] =	vst v63  }
0x25: {  	p0 =	sne.s32 s15, $0x1;
	_ =	swait.ge [sflag:s8], $0xD000  }
.Ltmp0:
0x26: {  	[sflag:s8] =	ssyncset.done $0x0;
	(pc) =	sbr.rel @!p0 .LBB2_2-.Ltmp0, $4  }
0x27: {  	s14 =	sadd.s32 $0x50C000, s14;
	[sflag:s8] =	ssyncadd.s32 $0xFFFF3000  }
0x28: {  	[hbm4b:s14+s2] =	stream.linear.scatter [tilespmem:s7], [sflag:$0x2], $0xD000, $0x38;
	[tilespmem:$0x10400] =	vst v63  }
0x29: {  	_ =	swait.ge [sflag:s3], $0xD000  }
0x2a: {  	s15 =	sadd.s32 $0xFFFFFFFF, s15;
	[sflag:s3] =	ssyncset.done $0x0  }
.LBB2_1:
0x2b: {  	p0 =	sne.s32 s15, $0x1;
	s15 =	sadd.s32 $0xFFFFFFFF, s15;
	[sflag:s3] =	ssyncadd.s32 $0xFFFF3000  }
0x2c: {  	[tilespmem:s2], [sflag:$0x2] =	stream.linear.gather [hbm4b:s4+s2], $0x3400, $0x38;
	[tilespmem:$0x10400] =	vst v63  }
0x2d: {  	_ =	swait.ge [sflag:s3], $0x3400  }
0x2e: {  	[sflag:s3] =	ssyncset.done $0x0  }
0x2f: {  	[sflag:s3] =	ssyncadd.s32 $0xFFFFCC00  }
0x30: {  	[tilespmem:s7], [sflag:$0x1] =	stream.indirect.gather [hbm4b:s5+s6], $0x10, s2, s6, $0xb8;
	[tilespmem:$0x10400] =	vst v63  }
0x31: {  	_ =	swait.ge [sflag:s8], $0xD000  }
0x32: {  	[sflag:s8] =	ssyncset.done $0x0  }
0x33: {  	[sflag:s8] =	ssyncadd.s32 $0xFFFF3000  }
0x34: {  	[hbm4b:s9+s2] =	stream.linear.scatter [tilespmem:s7], [sflag:$0x2], $0xD000, $0x38;
	[tilespmem:$0x10400] =	vst v63  }
0x35: {  	_ =	swait.ge [sflag:s3], $0xD000  }
0x36: {  	[sflag:s3] =	ssyncset.done $0x0  }
0x37: {  	[sflag:s3] =	ssyncadd.s32 $0xFFFF3000  }
0x38: {  	[tilespmem:s7], [sflag:$0x1] =	stream.indirect.gather [hbm4b:s5+s6], $0x10, s6, s6, $0xb8;
	[tilespmem:$0x10400] =	vst v63  }
0x39: {  	_ =	swait.ge [sflag:s8], $0xD000  }
0x3a: {  	[sflag:s8] =	ssyncset.done $0x0  }
0x3b: {  	[sflag:s8] =	ssyncadd.s32 $0xFFFF3000  }
0x3c: {  	[hbm4b:s10+s2] =	stream.linear.scatter [tilespmem:s7], [sflag:$0x2], $0xD000, $0x38;
	[tilespmem:$0x10400] =	vst v63  }
0x3d: {  	_ =	swait.ge [sflag:s3], $0xD000  }
0x3e: {  	[sflag:s3] =	ssyncset.done $0x0  }
0x3f: {  	[sflag:s3] =	ssyncadd.s32 $0xFFFF3000  }
0x40: {  	[tilespmem:s7], [sflag:$0x1] =	stream.indirect.gather [hbm4b:s5+s6], $0x10, s11, s6, $0xb8;
	[tilespmem:$0x10400] =	vst v63  }
0x41: {  	_ =	swait.ge [sflag:s8], $0xD000  }
0x42: {  	[sflag:s8] =	ssyncset.done $0x0  }
0x43: {  	[sflag:s8] =	ssyncadd.s32 $0xFFFF3000  }
0x44: {  	[hbm4b:s12+s2] =	stream.linear.scatter [tilespmem:s7], [sflag:$0x2], $0xD000, $0x38;
	[tilespmem:$0x10400] =	vst v63  }
0x45: {  	_ =	swait.ge [sflag:s3], $0xD000  }
0x46: {  	[sflag:s3] =	ssyncset.done $0x0  }
0x47: {  	[sflag:s3] =	ssyncadd.s32 $0xFFFF3000  }
0x48: {  	[tilespmem:s7], [sflag:$0x1] =	stream.indirect.gather [hbm4b:s5+s6], $0x10, s13, s6, $0xb8;
	[tilespmem:$0x10400] =	vst v63  }
0x49: {  	_ =	swait.ge [sflag:s8], $0xD000  }
.Ltmp1:
0x4a: {  	[sflag:s8] =	ssyncset.done $0x0;
	(pc) =	sbr.rel @p0 .LBB2_1-.Ltmp1, $4  }
0x4b: {  	[sflag:s8] =	ssyncadd.s32 $0xFFFF3000  }
0x4c: {  	[hbm4b:s14+s2] =	stream.linear.scatter [tilespmem:s7], [sflag:$0x2], $0xD000, $0x38;
	[tilespmem:$0x10400] =	vst v63  }
0x4d: {  	_ =	swait.ge [sflag:s3], $0xD000  }
0x4e: {  	[sflag:s3] =	ssyncset.done $0x0  }
.LBB2_2:
0x4f: {  	[sflag:s3] =	ssyncadd.s32 $0xFFFF3000  }
0x50: {  	_ =	sfence.sel $0x180000  }
0x51: {  	[bflag:$0x0] =	sbarrier.arrive $0xFFFF  }
0x52: {  	p0 =	sne.s32 s0, $0x0;
	_ =	strace $0x9000004A  }
0x53: {  	s0 =	sadd.s32 @!p0 $0x100000, s1;
	[bflag:$0x2] =	sbarrier.arrive $0xFFFF  }
0x54: {  	[sflag:s0] =	ssyncadd.tile.s32 @!p0 $0x1;
	_ =	shalt  }
.Lfunc_end2:
_tile_overlayer_lowered:
.L_overlay_start_2:
0x55: {  	(tag) =	ssettag $0x2  }
0x56: {  	s0 =	rddreg [dreg:$0x0];
	s2 =	stileid.u32  }
0x57: {  	s1 =	rddreg [dreg:$0x1];
	p0 =	sne.s32 s2, $0x0  }
0x58: {  	s3 =	rddreg [dreg:$0x2];
	[bflag:$0x3] =	sbarrier.arrive $0xFFFF;
	s2 =	simm.s32 @!p0 $0x1C02  }
0x59: {  	[timem:s3], [sflag:s2] =	dma.local @!p0 [hbm:s0], s1  }
0x5a: {  	s0 =	simm.s32 @!p0 $0x2  }
0x5b: {  	_ =	swait.ge @!p0 [sflag:s0], s1  }
0x5c: {  	s1 =	ssub.s32 @!p0 $0x0, s1;
	[sflag:s0] =	ssyncset.done @!p0 $0x0  }
0x5d: {  	[sflag:s0] =	ssyncadd.s32 @!p0 s1  }
0x5e: {  	[bflag:$0x3] =	sbarrier.arrive $0xFFFF  }
0x5f: {  	_ =	shalt  }

</sc_bundles>
